<compile_context>
chip_gen: v7x
topology: tpu7x:2x2x1
jax: 0.10.2.dev20260603
libtpu: 0.0.44.dev20260713+nightly
codegen_flags: <defaults>
</compile_context>

<pallas_src>
import jax
import jax.numpy as jnp
from jax import lax
from jax.experimental import pallas as pl
from jax.experimental.pallas import tpu as pltpu
from jax.experimental.pallas import tpu_sc as plsc

_info = plsc.get_sparse_core_info()
_NC, _NS, _L = _info.num_cores, _info.num_subcores, _info.num_lanes
_NW = _NC * _NS

_B = 16384
_D = 64
_BPW = _B // _NW
_CH = 64
_NCHUNK = _BPW // _CH
_NBUF = 3


def _film_body(x_hbm, idx_hbm, film_hbm, out_hbm,
               idx_v, x_v, rows0, rows1, rows2,
               sem_x, sem_g0, sem_g1, sem_g2, sem_st):
    wid = lax.axis_index("s") * _NC + lax.axis_index("c")
    base = wid * _BPW

    pltpu.sync_copy(idx_hbm.at[pl.ds(base, _BPW)], idx_v)

    rows = (rows0, rows1, rows2)
    sems = (sem_g0, sem_g1, sem_g2)
    gd = [None] * _NCHUNK
    for c in range(_NBUF):
        gd[c] = pltpu.async_copy(
            film_hbm.at[idx_v.at[pl.ds(c * _CH, _CH)]], rows[c], sems[c])
    xd = [pltpu.async_copy(x_hbm.at[pl.ds(base + c * _CH, _CH)],
                           x_v.at[pl.ds(c * _CH, _CH)], sem_x)
          for c in range(_NCHUNK)]

    st = []
    for c in range(_NCHUNK):
        gd[c].wait()
        xd[c].wait()
        rb = rows[c % _NBUF]
        xoff = c * _CH

        @plsc.parallel_loop(0, _CH, unroll=4)
        def row_body(r, rb=rb, xoff=xoff):
            for j in range(_D // _L):
                g = rb[r, pl.ds(j * _L, _L)]
                b = rb[r, pl.ds(_D + j * _L, _L)]
                xx = x_v[xoff + r, pl.ds(j * _L, _L)]
                x_v[xoff + r, pl.ds(j * _L, _L)] = g * xx + b

        st.append(pltpu.async_copy(
            x_v.at[pl.ds(xoff, _CH)],
            out_hbm.at[pl.ds(base + xoff, _CH)], sem_st))
        if c + _NBUF < _NCHUNK:
            cn = c + _NBUF
            gd[cn] = pltpu.async_copy(
                film_hbm.at[idx_v.at[pl.ds(cn * _CH, _CH)]],
                rows[cn % _NBUF], sems[cn % _NBUF])

    for d in st:
        d.wait()


@jax.jit
def _film(x, idx32, film):
    mesh = plsc.VectorSubcoreMesh(core_axis_name="c", subcore_axis_name="s")
    return pl.kernel(
        _film_body,
        out_type=jax.ShapeDtypeStruct((_B, _D), jnp.float32),
        mesh=mesh,
        compiler_params=pltpu.CompilerParams(use_tc_tiling_on_sc=True),
        scratch_types=[
            pltpu.VMEM((_BPW,), jnp.int32),
            pltpu.VMEM((_BPW, _D), jnp.float32),
            pltpu.VMEM((_CH, 2 * _D), jnp.float32),
            pltpu.VMEM((_CH, 2 * _D), jnp.float32),
            pltpu.VMEM((_CH, 2 * _D), jnp.float32),
            pltpu.SemaphoreType.DMA,
            pltpu.SemaphoreType.DMA,
            pltpu.SemaphoreType.DMA,
            pltpu.SemaphoreType.DMA,
            pltpu.SemaphoreType.DMA,
        ],
    )(x, idx32, film)


def kernel(x, cell_line, film):
    idx32 = cell_line.astype(jnp.int32)
    out = _film(x, idx32, film)
    return (out, cell_line)

# --- scband reference (transcript-rebuilt; emitter-appended) ---
"""Pipeline reference for scband-film-module-17609365914189 (READ-ONLY COPY).

The authoritative reference and input builder live on the scoring server;
editing this copy changes nothing except your own understanding.
"""

import jax, jax.numpy as jnp
import numpy as np

NUM_CELL_LINES = 100000
OUT_DIM = 64
BATCH = 16384


def setup_inputs(seed: int = 0) -> dict:
    key = jax.random.key(seed)
    k1, k2, k3 = jax.random.split(key, 3)
    x = jax.random.normal(k1, (BATCH, OUT_DIM), dtype=jnp.float32)
    cell_line = jax.random.randint(k2, (BATCH,), 0, NUM_CELL_LINES, dtype=jnp.int64 if jax.config.jax_enable_x64 else jnp.int32)
    film_init = (1.0 / 100.0) * jax.random.normal(k3, (NUM_CELL_LINES, 2 * OUT_DIM), dtype=jnp.float32)
    bias = jnp.concatenate([jnp.ones((1, OUT_DIM), dtype=jnp.float32), jnp.zeros((1, OUT_DIM), dtype=jnp.float32)], axis=1)
    film = film_init + bias
    return {"x": x, "cell_line": cell_line, "film": film}


def reference(x, cell_line, film):
    # FiLM: gather per-row (gamma, beta) from the film table, apply affine transform
    g = jnp.take(film, cell_line, axis=0)  # [B, 2*D] gather (SparseCore embedding lookup)
    d = x.shape[1]
    gamma = g[:, :d]
    beta = g[:, d:]
    out = gamma * x + beta
    return (out, cell_line)

if __name__ == "__main__":
    import jax
    _d = setup_inputs()
    print(jax.jit(kernel)(*tuple(_d.values())))

</pallas_src>

<mosaic_0001>
#map = affine_map<(d0, d1) -> (0, 0)>
#map1 = affine_map<(d0, d1) -> (0)>
module attributes {stable_mosaic.version = 14 : i64} {
  func.func @_film_body(%arg0: i32, %arg1: i32, %arg2: memref<16384x64xf32, #tpu.memory_space<hbm>>, %arg3: memref<16384xi32, #tpu.memory_space<hbm>>, %arg4: memref<100000x128xf32, #tpu.memory_space<hbm>>, %arg5: memref<16384x64xf32, #tpu.memory_space<hbm>>, %arg6: memref<512xi32, #tpu.memory_space<vmem>>, %arg7: memref<512x64xf32, #tpu.memory_space<vmem>>, %arg8: memref<64x128xf32, #tpu.memory_space<vmem>>, %arg9: memref<64x128xf32, #tpu.memory_space<vmem>>, %arg10: memref<64x128xf32, #tpu.memory_space<vmem>>, %arg11: memref<!tpu.dma_semaphore, #tpu.memory_space<semaphore_mem>>, %arg12: memref<!tpu.dma_semaphore, #tpu.memory_space<semaphore_mem>>, %arg13: memref<!tpu.dma_semaphore, #tpu.memory_space<semaphore_mem>>, %arg14: memref<!tpu.dma_semaphore, #tpu.memory_space<semaphore_mem>>, %arg15: memref<!tpu.dma_semaphore, #tpu.memory_space<semaphore_mem>>) attributes {dimension_semantics = [#tpu.dimension_semantics<core_parallel>, #tpu.dimension_semantics<subcore_parallel>], iteration_bounds = array<i64: 2, 16>, scalar_prefetch = 0 : i64, scratch_operands = 10 : i64, tpu.core_type = #tpu.core_type<sc_vector_subcore>, window_params = [{transform_indices = #map}, {transform_indices = #map1}, {transform_indices = #map}, {transform_indices = #map}]} {
    %mul3A = arith.constant 2 : i32
    %mul3A_0 = arith.muli %arg1, %mul3A : i32
    %add3A = arith.addi %mul3A_0, %arg0 : i32
    %mul3A_1 = arith.constant 512 : i32
    %mul3A_2 = arith.muli %add3A, %mul3A_1 : i32
    "tpu.region"() ({
      %run_scoped3A = tpu.sem_alloc : memref<!tpu.dma_semaphore, #tpu.memory_space<semaphore_mem>>
      %dma_start3A_456 = tpu.memref_slice %arg3[%mul3A_2] : memref<16384xi32, #tpu.memory_space<hbm>> -> memref<512xi32, #tpu.memory_space<hbm>>
      %dma_start3A_457 = tpu.memref_slice %arg3[%mul3A_2] : memref<16384xi32, #tpu.memory_space<hbm>> -> memref<512xi32, #tpu.memory_space<hbm>>
      tpu.enqueue_dma source(%dma_start3A_457 : memref<512xi32, #tpu.memory_space<hbm>>) target(%arg6 : memref<512xi32, #tpu.memory_space<vmem>>) target_semaphore(%run_scoped3A : memref<!tpu.dma_semaphore, #tpu.memory_space<semaphore_mem>>)
      %dma_wait3A_458 = tpu.memref_slice %arg3[%mul3A_2] : memref<16384xi32, #tpu.memory_space<hbm>> -> memref<512xi32, #tpu.memory_space<hbm>>
      %dma_wait3A_459 = tpu.memref_slice %arg3[%mul3A_2] : memref<16384xi32, #tpu.memory_space<hbm>> -> memref<512xi32, #tpu.memory_space<hbm>>
      tpu.wait_dma2 semaphore(%run_scoped3A : memref<!tpu.dma_semaphore, #tpu.memory_space<semaphore_mem>>) src(%dma_wait3A_459 : memref<512xi32, #tpu.memory_space<hbm>>) dst(%arg6 : memref<512xi32, #tpu.memory_space<vmem>>)
      tpu.yield
    }) : () -> ()
    %dma_start3A = arith.constant 0 : i32
    %dma_start3A_3 = tpu.memref_slice %arg6[%dma_start3A] : memref<512xi32, #tpu.memory_space<vmem>> -> memref<64xi32, #tpu.memory_space<vmem>>
    %dma_start3A_4 = arith.constant 0 : i32
    %dma_start3A_5 = arith.constant 0 : i32
    %dma_start3A_6 = tpu.memref_slice %arg4[%dma_start3A_4, %dma_start3A_5] : memref<100000x128xf32, #tpu.memory_space<hbm>> -> memref<100000x128xf32, #tpu.memory_space<hbm>>
    tpu.enqueue_indirect_dma source(%dma_start3A_6 : memref<100000x128xf32, #tpu.memory_space<hbm>>) target(%arg8 : memref<64x128xf32, #tpu.memory_space<vmem>>) offsets(%dma_start3A_3 : memref<64xi32, #tpu.memory_space<vmem>>) semaphore(%arg12 : memref<!tpu.dma_semaphore, #tpu.memory_space<semaphore_mem>>)
    %dma_start3A_7 = arith.constant 64 : i32
    %dma_start3A_8 = tpu.memref_slice %arg6[%dma_start3A_7] : memref<512xi32, #tpu.memory_space<vmem>> -> memref<64xi32, #tpu.memory_space<vmem>>
    %dma_start3A_9 = arith.constant 0 : i32
    %dma_start3A_10 = arith.constant 0 : i32
    %dma_start3A_11 = tpu.memref_slice %arg4[%dma_start3A_9, %dma_start3A_10] : memref<100000x128xf32, #tpu.memory_space<hbm>> -> memref<100000x128xf32, #tpu.memory_space<hbm>>
    tpu.enqueue_indirect_dma source(%dma_start3A_11 : memref<100000x128xf32, #tpu.memory_space<hbm>>) target(%arg9 : memref<64x128xf32, #tpu.memory_space<vmem>>) offsets(%dma_start3A_8 : memref<64xi32, #tpu.memory_space<vmem>>) semaphore(%arg13 : memref<!tpu.dma_semaphore, #tpu.memory_space<semaphore_mem>>)
    %dma_start3A_12 = arith.constant 128 : i32
    %dma_start3A_13 = tpu.memref_slice %arg6[%dma_start3A_12] : memref<512xi32, #tpu.memory_space<vmem>> -> memref<64xi32, #tpu.memory_space<vmem>>
    %dma_start3A_14 = arith.constant 0 : i32
    %dma_start3A_15 = arith.constant 0 : i32
    %dma_start3A_16 = tpu.memref_slice %arg4[%dma_start3A_14, %dma_start3A_15] : memref<100000x128xf32, #tpu.memory_space<hbm>> -> memref<100000x128xf32, #tpu.memory_space<hbm>>
    tpu.enqueue_indirect_dma source(%dma_start3A_16 : memref<100000x128xf32, #tpu.memory_space<hbm>>) target(%arg10 : memref<64x128xf32, #tpu.memory_space<vmem>>) offsets(%dma_start3A_13 : memref<64xi32, #tpu.memory_space<vmem>>) semaphore(%arg14 : memref<!tpu.dma_semaphore, #tpu.memory_space<semaphore_mem>>)
    %add3A_17 = arith.constant 0 : i32
    %add3A_18 = arith.addi %mul3A_2, %add3A_17 : i32
    %dma_start3A_19 = arith.constant 0 : i32
    %dma_start3A_20 = arith.constant 0 : i32
    %dma_start3A_21 = tpu.memref_slice %arg7[%dma_start3A_19, %dma_start3A_20] : memref<512x64xf32, #tpu.memory_space<vmem>> -> memref<64x64xf32, #tpu.memory_space<vmem>>
    %dma_start3A_22 = arith.constant 0 : i32
    %dma_start3A_23 = tpu.memref_slice %arg2[%add3A_18, %dma_start3A_22] : memref<16384x64xf32, #tpu.memory_space<hbm>> -> memref<64x64xf32, #tpu.memory_space<hbm>>
    %dma_start3A_24 = arith.constant 0 : i32
    %dma_start3A_25 = arith.constant 0 : i32
    %dma_start3A_26 = tpu.memref_slice %arg7[%dma_start3A_24, %dma_start3A_25] : memref<512x64xf32, #tpu.memory_space<vmem>> -> memref<64x64xf32, #tpu.memory_space<vmem>>
    %dma_start3A_27 = arith.constant 0 : i32
    %dma_start3A_28 = tpu.memref_slice %arg2[%add3A_18, %dma_start3A_27] : memref<16384x64xf32, #tpu.memory_space<hbm>> -> memref<64x64xf32, #tpu.memory_space<hbm>>
    tpu.enqueue_dma source(%dma_start3A_28 : memref<64x64xf32, #tpu.memory_space<hbm>>) target(%dma_start3A_26 : memref<64x64xf32, #tpu.memory_space<vmem>>) target_semaphore(%arg11 : memref<!tpu.dma_semaphore, #tpu.memory_space<semaphore_mem>>)
    %add3A_29 = arith.constant 64 : i32
    %add3A_30 = arith.addi %mul3A_2, %add3A_29 : i32
    %dma_start3A_31 = arith.constant 64 : i32
    %dma_start3A_32 = arith.constant 0 : i32
    %dma_start3A_33 = tpu.memref_slice %arg7[%dma_start3A_31, %dma_start3A_32] : memref<512x64xf32, #tpu.memory_space<vmem>> -> memref<64x64xf32, #tpu.memory_space<vmem>>
    %dma_start3A_34 = arith.constant 0 : i32
    %dma_start3A_35 = tpu.memref_slice %arg2[%add3A_30, %dma_start3A_34] : memref<16384x64xf32, #tpu.memory_space<hbm>> -> memref<64x64xf32, #tpu.memory_space<hbm>>
    %dma_start3A_36 = arith.constant 64 : i32
    %dma_start3A_37 = arith.constant 0 : i32
    %dma_start3A_38 = tpu.memref_slice %arg7[%dma_start3A_36, %dma_start3A_37] : memref<512x64xf32, #tpu.memory_space<vmem>> -> memref<64x64xf32, #tpu.memory_space<vmem>>
    %dma_start3A_39 = arith.constant 0 : i32
    %dma_start3A_40 = tpu.memref_slice %arg2[%add3A_30, %dma_start3A_39] : memref<16384x64xf32, #tpu.memory_space<hbm>> -> memref<64x64xf32, #tpu.memory_space<hbm>>
    tpu.enqueue_dma source(%dma_start3A_40 : memref<64x64xf32, #tpu.memory_space<hbm>>) target(%dma_start3A_38 : memref<64x64xf32, #tpu.memory_space<vmem>>) target_semaphore(%arg11 : memref<!tpu.dma_semaphore, #tpu.memory_space<semaphore_mem>>)
    %add3A_41 = arith.constant 128 : i32
    %add3A_42 = arith.addi %mul3A_2, %add3A_41 : i32
    %dma_start3A_43 = arith.constant 128 : i32
    %dma_start3A_44 = arith.constant 0 : i32
    %dma_start3A_45 = tpu.memref_slice %arg7[%dma_start3A_43, %dma_start3A_44] : memref<512x64xf32, #tpu.memory_space<vmem>> -> memref<64x64xf32, #tpu.memory_space<vmem>>
    %dma_start3A_46 = arith.constant 0 : i32
    %dma_start3A_47 = tpu.memref_slice %arg2[%add3A_42, %dma_start3A_46] : memref<16384x64xf32, #tpu.memory_space<hbm>> -> memref<64x64xf32, #tpu.memory_space<hbm>>
    %dma_start3A_48 = arith.constant 128 : i32
    %dma_start3A_49 = arith.constant 0 : i32
    %dma_start3A_50 = tpu.memref_slice %arg7[%dma_start3A_48, %dma_start3A_49] : memref<512x64xf32, #tpu.memory_space<vmem>> -> memref<64x64xf32, #tpu.memory_space<vmem>>
    %dma_start3A_51 = arith.constant 0 : i32
    %dma_start3A_52 = tpu.memref_slice %arg2[%add3A_42, %dma_start3A_51] : memref<16384x64xf32, #tpu.memory_space<hbm>> -> memref<64x64xf32, #tpu.memory_space<hbm>>
    tpu.enqueue_dma source(%dma_start3A_52 : memref<64x64xf32, #tpu.memory_space<hbm>>) target(%dma_start3A_50 : memref<64x64xf32, #tpu.memory_space<vmem>>) target_semaphore(%arg11 : memref<!tpu.dma_semaphore, #tpu.memory_space<semaphore_mem>>)
    %add3A_53 = arith.constant 192 : i32
    %add3A_54 = arith.addi %mul3A_2, %add3A_53 : i32
    %dma_start3A_55 = arith.constant 192 : i32
    %dma_start3A_56 = arith.constant 0 : i32
    %dma_start3A_57 = tpu.memref_slice %arg7[%dma_start3A_55, %dma_start3A_56] : memref<512x64xf32, #tpu.memory_space<vmem>> -> memref<64x64xf32, #tpu.memory_space<vmem>>
    %dma_start3A_58 = arith.constant 0 : i32
    %dma_start3A_59 = tpu.memref_slice %arg2[%add3A_54, %dma_start3A_58] : memref<16384x64xf32, #tpu.memory_space<hbm>> -> memref<64x64xf32, #tpu.memory_space<hbm>>
    %dma_start3A_60 = arith.constant 192 : i32
    %dma_start3A_61 = arith.constant 0 : i32
    %dma_start3A_62 = tpu.memref_slice %arg7[%dma_start3A_60, %dma_start3A_61] : memref<512x64xf32, #tpu.memory_space<vmem>> -> memref<64x64xf32, #tpu.memory_space<vmem>>
    %dma_start3A_63 = arith.constant 0 : i32
    %dma_start3A_64 = tpu.memref_slice %arg2[%add3A_54, %dma_start3A_63] : memref<16384x64xf32, #tpu.memory_space<hbm>> -> memref<64x64xf32, #tpu.memory_space<hbm>>
    tpu.enqueue_dma source(%dma_start3A_64 : memref<64x64xf32, #tpu.memory_space<hbm>>) target(%dma_start3A_62 : memref<64x64xf32, #tpu.memory_space<vmem>>) target_semaphore(%arg11 : memref<!tpu.dma_semaphore, #tpu.memory_space<semaphore_mem>>)
    %add3A_65 = arith.constant 256 : i32
    %add3A_66 = arith.addi %mul3A_2, %add3A_65 : i32
    %dma_start3A_67 = arith.constant 256 : i32
    %dma_start3A_68 = arith.constant 0 : i32
    %dma_start3A_69 = tpu.memref_slice %arg7[%dma_start3A_67, %dma_start3A_68] : memref<512x64xf32, #tpu.memory_space<vmem>> -> memref<64x64xf32, #tpu.memory_space<vmem>>
    %dma_start3A_70 = arith.constant 0 : i32
    %dma_start3A_71 = tpu.memref_slice %arg2[%add3A_66, %dma_start3A_70] : memref<16384x64xf32, #tpu.memory_space<hbm>> -> memref<64x64xf32, #tpu.memory_space<hbm>>
    %dma_start3A_72 = arith.constant 256 : i32
    %dma_start3A_73 = arith.constant 0 : i32
    %dma_start3A_74 = tpu.memref_slice %arg7[%dma_start3A_72, %dma_start3A_73] : memref<512x64xf32, #tpu.memory_space<vmem>> -> memref<64x64xf32, #tpu.memory_space<vmem>>
    %dma_start3A_75 = arith.constant 0 : i32
    %dma_start3A_76 = tpu.memref_slice %arg2[%add3A_66, %dma_start3A_75] : memref<16384x64xf32, #tpu.memory_space<hbm>> -> memref<64x64xf32, #tpu.memory_space<hbm>>
    tpu.enqueue_dma source(%dma_start3A_76 : memref<64x64xf32, #tpu.memory_space<hbm>>) target(%dma_start3A_74 : memref<64x64xf32, #tpu.memory_space<vmem>>) target_semaphore(%arg11 : memref<!tpu.dma_semaphore, #tpu.memory_space<semaphore_mem>>)
    %add3A_77 = arith.constant 320 : i32
    %add3A_78 = arith.addi %mul3A_2, %add3A_77 : i32
    %dma_start3A_79 = arith.constant 320 : i32
    %dma_start3A_80 = arith.constant 0 : i32
    %dma_start3A_81 = tpu.memref_slice %arg7[%dma_start3A_79, %dma_start3A_80] : memref<512x64xf32, #tpu.memory_space<vmem>> -> memref<64x64xf32, #tpu.memory_space<vmem>>
    %dma_start3A_82 = arith.constant 0 : i32
    %dma_start3A_83 = tpu.memref_slice %arg2[%add3A_78, %dma_start3A_82] : memref<16384x64xf32, #tpu.memory_space<hbm>> -> memref<64x64xf32, #tpu.memory_space<hbm>>
    %dma_start3A_84 = arith.constant 320 : i32
    %dma_start3A_85 = arith.constant 0 : i32
    %dma_start3A_86 = tpu.memref_slice %arg7[%dma_start3A_84, %dma_start3A_85] : memref<512x64xf32, #tpu.memory_space<vmem>> -> memref<64x64xf32, #tpu.memory_space<vmem>>
    %dma_start3A_87 = arith.constant 0 : i32
    %dma_start3A_88 = tpu.memref_slice %arg2[%add3A_78, %dma_start3A_87] : memref<16384x64xf32, #tpu.memory_space<hbm>> -> memref<64x64xf32, #tpu.memory_space<hbm>>
    tpu.enqueue_dma source(%dma_start3A_88 : memref<64x64xf32, #tpu.memory_space<hbm>>) target(%dma_start3A_86 : memref<64x64xf32, #tpu.memory_space<vmem>>) target_semaphore(%arg11 : memref<!tpu.dma_semaphore, #tpu.memory_space<semaphore_mem>>)
    %add3A_89 = arith.constant 384 : i32
    %add3A_90 = arith.addi %mul3A_2, %add3A_89 : i32
    %dma_start3A_91 = arith.constant 384 : i32
    %dma_start3A_92 = arith.constant 0 : i32
    %dma_start3A_93 = tpu.memref_slice %arg7[%dma_start3A_91, %dma_start3A_92] : memref<512x64xf32, #tpu.memory_space<vmem>> -> memref<64x64xf32, #tpu.memory_space<vmem>>
    %dma_start3A_94 = arith.constant 0 : i32
    %dma_start3A_95 = tpu.memref_slice %arg2[%add3A_90, %dma_start3A_94] : memref<16384x64xf32, #tpu.memory_space<hbm>> -> memref<64x64xf32, #tpu.memory_space<hbm>>
    %dma_start3A_96 = arith.constant 384 : i32
    %dma_start3A_97 = arith.constant 0 : i32
    %dma_start3A_98 = tpu.memref_slice %arg7[%dma_start3A_96, %dma_start3A_97] : memref<512x64xf32, #tpu.memory_space<vmem>> -> memref<64x64xf32, #tpu.memory_space<vmem>>
    %dma_start3A_99 = arith.constant 0 : i32
    %dma_start3A_100 = tpu.memref_slice %arg2[%add3A_90, %dma_start3A_99] : memref<16384x64xf32, #tpu.memory_space<hbm>> -> memref<64x64xf32, #tpu.memory_space<hbm>>
    tpu.enqueue_dma source(%dma_start3A_100 : memref<64x64xf32, #tpu.memory_space<hbm>>) target(%dma_start3A_98 : memref<64x64xf32, #tpu.memory_space<vmem>>) target_semaphore(%arg11 : memref<!tpu.dma_semaphore, #tpu.memory_space<semaphore_mem>>)
    %add3A_101 = arith.constant 448 : i32
    %add3A_102 = arith.addi %mul3A_2, %add3A_101 : i32
    %dma_start3A_103 = arith.constant 448 : i32
    %dma_start3A_104 = arith.constant 0 : i32
    %dma_start3A_105 = tpu.memref_slice %arg7[%dma_start3A_103, %dma_start3A_104] : memref<512x64xf32, #tpu.memory_space<vmem>> -> memref<64x64xf32, #tpu.memory_space<vmem>>
    %dma_start3A_106 = arith.constant 0 : i32
    %dma_start3A_107 = tpu.memref_slice %arg2[%add3A_102, %dma_start3A_106] : memref<16384x64xf32, #tpu.memory_space<hbm>> -> memref<64x64xf32, #tpu.memory_space<hbm>>
    %dma_start3A_108 = arith.constant 448 : i32
    %dma_start3A_109 = arith.constant 0 : i32
    %dma_start3A_110 = tpu.memref_slice %arg7[%dma_start3A_108, %dma_start3A_109] : memref<512x64xf32, #tpu.memory_space<vmem>> -> memref<64x64xf32, #tpu.memory_space<vmem>>
    %dma_start3A_111 = arith.constant 0 : i32
    %dma_start3A_112 = tpu.memref_slice %arg2[%add3A_102, %dma_start3A_111] : memref<16384x64xf32, #tpu.memory_space<hbm>> -> memref<64x64xf32, #tpu.memory_space<hbm>>
    tpu.enqueue_dma source(%dma_start3A_112 : memref<64x64xf32, #tpu.memory_space<hbm>>) target(%dma_start3A_110 : memref<64x64xf32, #tpu.memory_space<vmem>>) target_semaphore(%arg11 : memref<!tpu.dma_semaphore, #tpu.memory_space<semaphore_mem>>)
    %dma_wait3A = arith.constant 0 : i32
    %dma_wait3A_113 = tpu.memref_slice %arg6[%dma_wait3A] : memref<512xi32, #tpu.memory_space<vmem>> -> memref<64xi32, #tpu.memory_space<vmem>>
    %dma_wait3A_114 = arith.constant 0 : i32
    %dma_wait3A_115 = arith.constant 0 : i32
    %dma_wait3A_116 = tpu.memref_slice %arg4[%dma_wait3A_114, %dma_wait3A_115] : memref<100000x128xf32, #tpu.memory_space<hbm>> -> memref<100000x128xf32, #tpu.memory_space<hbm>>
    tpu.wait_indirect_dma semaphore(%arg12 : memref<!tpu.dma_semaphore, #tpu.memory_space<semaphore_mem>>) src(%dma_wait3A_116 : memref<100000x128xf32, #tpu.memory_space<hbm>>) dst(%arg8 : memref<64x128xf32, #tpu.memory_space<vmem>>)
    %dma_wait3A_117 = arith.constant 0 : i32
    %dma_wait3A_118 = arith.constant 0 : i32
    %dma_wait3A_119 = tpu.memref_slice %arg7[%dma_wait3A_117, %dma_wait3A_118] : memref<512x64xf32, #tpu.memory_space<vmem>> -> memref<64x64xf32, #tpu.memory_space<vmem>>
    %dma_wait3A_120 = arith.constant 0 : i32
    %dma_wait3A_121 = tpu.memref_slice %arg2[%add3A_18, %dma_wait3A_120] : memref<16384x64xf32, #tpu.memory_space<hbm>> -> memref<64x64xf32, #tpu.memory_space<hbm>>
    %dma_wait3A_122 = arith.constant 0 : i32
    %dma_wait3A_123 = arith.constant 0 : i32
    %dma_wait3A_124 = tpu.memref_slice %arg7[%dma_wait3A_122, %dma_wait3A_123] : memref<512x64xf32, #tpu.memory_space<vmem>> -> memref<64x64xf32, #tpu.memory_space<vmem>>
    %dma_wait3A_125 = arith.constant 0 : i32
    %dma_wait3A_126 = tpu.memref_slice %arg2[%add3A_18, %dma_wait3A_125] : memref<16384x64xf32, #tpu.memory_space<hbm>> -> memref<64x64xf32, #tpu.memory_space<hbm>>
    tpu.wait_dma2 semaphore(%arg11 : memref<!tpu.dma_semaphore, #tpu.memory_space<semaphore_mem>>) src(%dma_wait3A_126 : memref<64x64xf32, #tpu.memory_space<hbm>>) dst(%dma_wait3A_124 : memref<64x64xf32, #tpu.memory_space<vmem>>)
    %parallel_loop3A = arith.constant 0 : i32
    %parallel_loop3A_127 = arith.constant 64 : i32
    %parallel_loop3A_128 = arith.constant 1 : i32
    scf.for %parallel_loop3A_456 = %parallel_loop3A to %parallel_loop3A_127 step %parallel_loop3A_128  : i32 {
      %parallel_loop3A_457 = arith.index_cast %parallel_loop3A_456 : i32 to index
      %parallel_loop3A_458 = arith.constant 0 : index
      %parallel_loop3A_459 = tpu.vector_load %arg8[%parallel_loop3A_457, %parallel_loop3A_458] {strides = array<i32>} : memref<64x128xf32, #tpu.memory_space<vmem>>, vector<1x16xf32>,
      %parallel_loop3A_460 = vector.shape_cast %parallel_loop3A_459 : vector<1x16xf32> to vector<16xf32>
      %parallel_loop3A_461 = arith.index_cast %parallel_loop3A_456 : i32 to index
      %parallel_loop3A_462 = arith.constant 64 : index
      %parallel_loop3A_463 = tpu.vector_load %arg8[%parallel_loop3A_461, %parallel_loop3A_462] {strides = array<i32>} : memref<64x128xf32, #tpu.memory_space<vmem>>, vector<1x16xf32>,
      %parallel_loop3A_464 = vector.shape_cast %parallel_loop3A_463 : vector<1x16xf32> to vector<16xf32>
      %parallel_loop3A_465 = arith.constant 0 : i32
      %parallel_loop3A_466 = arith.addi %parallel_loop3A_465, %parallel_loop3A_456 : i32
      %parallel_loop3A_467 = arith.index_cast %parallel_loop3A_466 : i32 to index
      %parallel_loop3A_468 = arith.constant 0 : index
      %parallel_loop3A_469 = tpu.vector_load %arg7[%parallel_loop3A_467, %parallel_loop3A_468] {strides = array<i32>} : memref<512x64xf32, #tpu.memory_space<vmem>>, vector<1x16xf32>,
      %parallel_loop3A_470 = vector.shape_cast %parallel_loop3A_469 : vector<1x16xf32> to vector<16xf32>
      %parallel_loop3A_471 = arith.mulf %parallel_loop3A_460, %parallel_loop3A_470 : vector<16xf32>
      %parallel_loop3A_472 = arith.addf %parallel_loop3A_471, %parallel_loop3A_464 : vector<16xf32>
      %parallel_loop3A_473 = arith.constant 0 : i32
      %parallel_loop3A_474 = arith.addi %parallel_loop3A_473, %parallel_loop3A_456 : i32
      %parallel_loop3A_475 = arith.index_cast %parallel_loop3A_474 : i32 to index
      %parallel_loop3A_476 = arith.constant 0 : index
      %parallel_loop3A_477 = tpu.vector_load %arg7[%parallel_loop3A_475, %parallel_loop3A_476] {strides = array<i32>} : memref<512x64xf32, #tpu.memory_space<vmem>>, vector<1x16xf32>,
      %parallel_loop3A_478 = vector.shape_cast %parallel_loop3A_477 : vector<1x16xf32> to vector<16xf32>
      %parallel_loop3A_479 = vector.shape_cast %parallel_loop3A_472 : vector<16xf32> to vector<1x16xf32>
      tpu.vector_store %arg7[%parallel_loop3A_475, %parallel_loop3A_476], %parallel_loop3A_479 {strides = array<i32>} : memref<512x64xf32, #tpu.memory_space<vmem>>, vector<1x16xf32>,
      %parallel_loop3A_480 = arith.index_cast %parallel_loop3A_456 : i32 to index
      %parallel_loop3A_481 = arith.constant 16 : index
      %parallel_loop3A_482 = tpu.vector_load %arg8[%parallel_loop3A_480, %parallel_loop3A_481] {strides = array<i32>} : memref<64x128xf32, #tpu.memory_space<vmem>>, vector<1x16xf32>,
      %parallel_loop3A_483 = vector.shape_cast %parallel_loop3A_482 : vector<1x16xf32> to vector<16xf32>
      %parallel_loop3A_484 = arith.index_cast %parallel_loop3A_456 : i32 to index
      %parallel_loop3A_485 = arith.constant 80 : index
      %parallel_loop3A_486 = tpu.vector_load %arg8[%parallel_loop3A_484, %parallel_loop3A_485] {strides = array<i32>} : memref<64x128xf32, #tpu.memory_space<vmem>>, vector<1x16xf32>,
      %parallel_loop3A_487 = vector.shape_cast %parallel_loop3A_486 : vector<1x16xf32> to vector<16xf32>
      %parallel_loop3A_488 = arith.constant 0 : i32
      %parallel_loop3A_489 = arith.addi %parallel_loop3A_488, %parallel_loop3A_456 : i32
      %parallel_loop3A_490 = arith.index_cast %parallel_loop3A_489 : i32 to index
      %parallel_loop3A_491 = arith.constant 16 : index
      %parallel_loop3A_492 = tpu.vector_load %arg7[%parallel_loop3A_490, %parallel_loop3A_491] {strides = array<i32>} : memref<512x64xf32, #tpu.memory_space<vmem>>, vector<1x16xf32>,
      %parallel_loop3A_493 = vector.shape_cast %parallel_loop3A_492 : vector<1x16xf32> to vector<16xf32>
      %parallel_loop3A_494 = arith.mulf %parallel_loop3A_483, %parallel_loop3A_493 : vector<16xf32>
      %parallel_loop3A_495 = arith.addf %parallel_loop3A_494, %parallel_loop3A_487 : vector<16xf32>
      %parallel_loop3A_496 = arith.constant 0 : i32
      %parallel_loop3A_497 = arith.addi %parallel_loop3A_496, %parallel_loop3A_456 : i32
      %parallel_loop3A_498 = arith.index_cast %parallel_loop3A_497 : i32 to index
      %parallel_loop3A_499 = arith.constant 16 : index
      %parallel_loop3A_500 = tpu.vector_load %arg7[%parallel_loop3A_498, %parallel_loop3A_499] {strides = array<i32>} : memref<512x64xf32, #tpu.memory_space<vmem>>, vector<1x16xf32>,
      %parallel_loop3A_501 = vector.shape_cast %parallel_loop3A_500 : vector<1x16xf32> to vector<16xf32>
      %parallel_loop3A_502 = vector.shape_cast %parallel_loop3A_495 : vector<16xf32> to vector<1x16xf32>
      tpu.vector_store %arg7[%parallel_loop3A_498, %parallel_loop3A_499], %parallel_loop3A_502 {strides = array<i32>} : memref<512x64xf32, #tpu.memory_space<vmem>>, vector<1x16xf32>,
      %parallel_loop3A_503 = arith.index_cast %parallel_loop3A_456 : i32 to index
      %parallel_loop3A_504 = arith.constant 32 : index
      %parallel_loop3A_505 = tpu.vector_load %arg8[%parallel_loop3A_503, %parallel_loop3A_504] {strides = array<i32>} : memref<64x128xf32, #tpu.memory_space<vmem>>, vector<1x16xf32>,
      %parallel_loop3A_506 = vector.shape_cast %parallel_loop3A_505 : vector<1x16xf32> to vector<16xf32>
      %parallel_loop3A_507 = arith.index_cast %parallel_loop3A_456 : i32 to index
      %parallel_loop3A_508 = arith.constant 96 : index
      %parallel_loop3A_509 = tpu.vector_load %arg8[%parallel_loop3A_507, %parallel_loop3A_508] {strides = array<i32>} : memref<64x128xf32, #tpu.memory_space<vmem>>, vector<1x16xf32>,
      %parallel_loop3A_510 = vector.shape_cast %parallel_loop3A_509 : vector<1x16xf32> to vector<16xf32>
      %parallel_loop3A_511 = arith.constant 0 : i32
      %parallel_loop3A_512 = arith.addi %parallel_loop3A_511, %parallel_loop3A_456 : i32
      %parallel_loop3A_513 = arith.index_cast %parallel_loop3A_512 : i32 to index
      %parallel_loop3A_514 = arith.constant 32 : index
      %parallel_loop3A_515 = tpu.vector_load %arg7[%parallel_loop3A_513, %parallel_loop3A_514] {strides = array<i32>} : memref<512x64xf32, #tpu.memory_space<vmem>>, vector<1x16xf32>,
      %parallel_loop3A_516 = vector.shape_cast %parallel_loop3A_515 : vector<1x16xf32> to vector<16xf32>
      %parallel_loop3A_517 = arith.mulf %parallel_loop3A_506, %parallel_loop3A_516 : vector<16xf32>
      %parallel_loop3A_518 = arith.addf %parallel_loop3A_517, %parallel_loop3A_510 : vector<16xf32>
      %parallel_loop3A_519 = arith.constant 0 : i32
      %parallel_loop3A_520 = arith.addi %parallel_loop3A_519, %parallel_loop3A_456 : i32
      %parallel_loop3A_521 = arith.index_cast %parallel_loop3A_520 : i32 to index
      %parallel_loop3A_522 = arith.constant 32 : index
      %parallel_loop3A_523 = tpu.vector_load %arg7[%parallel_loop3A_521, %parallel_loop3A_522] {strides = array<i32>} : memref<512x64xf32, #tpu.memory_space<vmem>>, vector<1x16xf32>,
      %parallel_loop3A_524 = vector.shape_cast %parallel_loop3A_523 : vector<1x16xf32> to vector<16xf32>
      %parallel_loop3A_525 = vector.shape_cast %parallel_loop3A_518 : vector<16xf32> to vector<1x16xf32>
      tpu.vector_store %arg7[%parallel_loop3A_521, %parallel_loop3A_522], %parallel_loop3A_525 {strides = array<i32>} : memref<512x64xf32, #tpu.memory_space<vmem>>, vector<1x16xf32>,
      %parallel_loop3A_526 = arith.index_cast %parallel_loop3A_456 : i32 to index
      %parallel_loop3A_527 = arith.constant 48 : index
      %parallel_loop3A_528 = tpu.vector_load %arg8[%parallel_loop3A_526, %parallel_loop3A_527] {strides = array<i32>} : memref<64x128xf32, #tpu.memory_space<vmem>>, vector<1x16xf32>,
      %parallel_loop3A_529 = vector.shape_cast %parallel_loop3A_528 : vector<1x16xf32> to vector<16xf32>
      %parallel_loop3A_530 = arith.index_cast %parallel_loop3A_456 : i32 to index
      %parallel_loop3A_531 = arith.constant 112 : index
      %parallel_loop3A_532 = tpu.vector_load %arg8[%parallel_loop3A_530, %parallel_loop3A_531] {strides = array<i32>} : memref<64x128xf32, #tpu.memory_space<vmem>>, vector<1x16xf32>,
      %parallel_loop3A_533 = vector.shape_cast %parallel_loop3A_532 : vector<1x16xf32> to vector<16xf32>
      %parallel_loop3A_534 = arith.constant 0 : i32
      %parallel_loop3A_535 = arith.addi %parallel_loop3A_534, %parallel_loop3A_456 : i32
      %parallel_loop3A_536 = arith.index_cast %parallel_loop3A_535 : i32 to index
      %parallel_loop3A_537 = arith.constant 48 : index
      %parallel_loop3A_538 = tpu.vector_load %arg7[%parallel_loop3A_536, %parallel_loop3A_537] {strides = array<i32>} : memref<512x64xf32, #tpu.memory_space<vmem>>, vector<1x16xf32>,
      %parallel_loop3A_539 = vector.shape_cast %parallel_loop3A_538 : vector<1x16xf32> to vector<16xf32>
      %parallel_loop3A_540 = arith.mulf %parallel_loop3A_529, %parallel_loop3A_539 : vector<16xf32>
      %parallel_loop3A_541 = arith.addf %parallel_loop3A_540, %parallel_loop3A_533 : vector<16xf32>
      %parallel_loop3A_542 = arith.constant 0 : i32
      %parallel_loop3A_543 = arith.addi %parallel_loop3A_542, %parallel_loop3A_456 : i32
      %parallel_loop3A_544 = arith.index_cast %parallel_loop3A_543 : i32 to index
      %parallel_loop3A_545 = arith.constant 48 : index
      %parallel_loop3A_546 = tpu.vector_load %arg7[%parallel_loop3A_544, %parallel_loop3A_545] {strides = array<i32>} : memref<512x64xf32, #tpu.memory_space<vmem>>, vector<1x16xf32>,
      %parallel_loop3A_547 = vector.shape_cast %parallel_loop3A_546 : vector<1x16xf32> to vector<16xf32>
      %parallel_loop3A_548 = vector.shape_cast %parallel_loop3A_541 : vector<16xf32> to vector<1x16xf32>
      tpu.vector_store %arg7[%parallel_loop3A_544, %parallel_loop3A_545], %parallel_loop3A_548 {strides = array<i32>} : memref<512x64xf32, #tpu.memory_space<vmem>>, vector<1x16xf32>,
    } {sc.loop_unroll_factor = 4 : i64, sc.parallel_access}
    %add3A_129 = arith.constant 0 : i32
    %add3A_130 = arith.addi %mul3A_2, %add3A_129 : i32
    %dma_start3A_131 = arith.constant 0 : i32
    %dma_start3A_132 = arith.constant 0 : i32
    %dma_start3A_133 = tpu.memref_slice %arg7[%dma_start3A_131, %dma_start3A_132] : memref<512x64xf32, #tpu.memory_space<vmem>> -> memref<64x64xf32, #tpu.memory_space<vmem>>
    %dma_start3A_134 = arith.constant 0 : i32
    %dma_start3A_135 = tpu.memref_slice %arg5[%add3A_130, %dma_start3A_134] : memref<16384x64xf32, #tpu.memory_space<hbm>> -> memref<64x64xf32, #tpu.memory_space<hbm>>
    %dma_start3A_136 = arith.constant 0 : i32
    %dma_start3A_137 = tpu.memref_slice %arg5[%add3A_130, %dma_start3A_136] : memref<16384x64xf32, #tpu.memory_space<hbm>> -> memref<64x64xf32, #tpu.memory_space<hbm>>
    %dma_start3A_138 = arith.constant 0 : i32
    %dma_start3A_139 = arith.constant 0 : i32
    %dma_start3A_140 = tpu.memref_slice %arg7[%dma_start3A_138, %dma_start3A_139] : memref<512x64xf32, #tpu.memory_space<vmem>> -> memref<64x64xf32, #tpu.memory_space<vmem>>
    tpu.enqueue_dma source(%dma_start3A_140 : memref<64x64xf32, #tpu.memory_space<vmem>>) target(%dma_start3A_137 : memref<64x64xf32, #tpu.memory_space<hbm>>) target_semaphore(%arg15 : memref<!tpu.dma_semaphore, #tpu.memory_space<semaphore_mem>>)
    %dma_start3A_141 = arith.constant 192 : i32
    %dma_start3A_142 = tpu.memref_slice %arg6[%dma_start3A_141] : memref<512xi32, #tpu.memory_space<vmem>> -> memref<64xi32, #tpu.memory_space<vmem>>
    %dma_start3A_143 = arith.constant 0 : i32
    %dma_start3A_144 = arith.constant 0 : i32
    %dma_start3A_145 = tpu.memref_slice %arg4[%dma_start3A_143, %dma_start3A_144] : memref<100000x128xf32, #tpu.memory_space<hbm>> -> memref<100000x128xf32, #tpu.memory_space<hbm>>
    tpu.enqueue_indirect_dma source(%dma_start3A_145 : memref<100000x128xf32, #tpu.memory_space<hbm>>) target(%arg8 : memref<64x128xf32, #tpu.memory_space<vmem>>) offsets(%dma_start3A_142 : memref<64xi32, #tpu.memory_space<vmem>>) semaphore(%arg12 : memref<!tpu.dma_semaphore, #tpu.memory_space<semaphore_mem>>)
    %dma_wait3A_146 = arith.constant 64 : i32
    %dma_wait3A_147 = tpu.memref_slice %arg6[%dma_wait3A_146] : memref<512xi32, #tpu.memory_space<vmem>> -> memref<64xi32, #tpu.memory_space<vmem>>
    %dma_wait3A_148 = arith.constant 0 : i32
    %dma_wait3A_149 = arith.constant 0 : i32
    %dma_wait3A_150 = tpu.memref_slice %arg4[%dma_wait3A_148, %dma_wait3A_149] : memref<100000x128xf32, #tpu.memory_space<hbm>> -> memref<100000x128xf32, #tpu.memory_space<hbm>>
    tpu.wait_indirect_dma semaphore(%arg13 : memref<!tpu.dma_semaphore, #tpu.memory_space<semaphore_mem>>) src(%dma_wait3A_150 : memref<100000x128xf32, #tpu.memory_space<hbm>>) dst(%arg9 : memref<64x128xf32, #tpu.memory_space<vmem>>)
    %dma_wait3A_151 = arith.constant 64 : i32
    %dma_wait3A_152 = arith.constant 0 : i32
    %dma_wait3A_153 = tpu.memref_slice %arg7[%dma_wait3A_151, %dma_wait3A_152] : memref<512x64xf32, #tpu.memory_space<vmem>> -> memref<64x64xf32, #tpu.memory_space<vmem>>
    %dma_wait3A_154 = arith.constant 0 : i32
    %dma_wait3A_155 = tpu.memref_slice %arg2[%add3A_30, %dma_wait3A_154] : memref<16384x64xf32, #tpu.memory_space<hbm>> -> memref<64x64xf32, #tpu.memory_space<hbm>>
    %dma_wait3A_156 = arith.constant 64 : i32
    %dma_wait3A_157 = arith.constant 0 : i32
    %dma_wait3A_158 = tpu.memref_slice %arg7[%dma_wait3A_156, %dma_wait3A_157] : memref<512x64xf32, #tpu.memory_space<vmem>> -> memref<64x64xf32, #tpu.memory_space<vmem>>
    %dma_wait3A_159 = arith.constant 0 : i32
    %dma_wait3A_160 = tpu.memref_slice %arg2[%add3A_30, %dma_wait3A_159] : memref<16384x64xf32, #tpu.memory_space<hbm>> -> memref<64x64xf32, #tpu.memory_space<hbm>>
    tpu.wait_dma2 semaphore(%arg11 : memref<!tpu.dma_semaphore, #tpu.memory_space<semaphore_mem>>) src(%dma_wait3A_160 : memref<64x64xf32, #tpu.memory_space<hbm>>) dst(%dma_wait3A_158 : memref<64x64xf32, #tpu.memory_space<vmem>>)
    %parallel_loop3A_161 = arith.constant 0 : i32
    %parallel_loop3A_162 = arith.constant 64 : i32
    %parallel_loop3A_163 = arith.constant 1 : i32
    scf.for %parallel_loop3A_456 = %parallel_loop3A_161 to %parallel_loop3A_162 step %parallel_loop3A_163  : i32 {
      %parallel_loop3A_457 = arith.index_cast %parallel_loop3A_456 : i32 to index
      %parallel_loop3A_458 = arith.constant 0 : index
      %parallel_loop3A_459 = tpu.vector_load %arg9[%parallel_loop3A_457, %parallel_loop3A_458] {strides = array<i32>} : memref<64x128xf32, #tpu.memory_space<vmem>>, vector<1x16xf32>,
      %parallel_loop3A_460 = vector.shape_cast %parallel_loop3A_459 : vector<1x16xf32> to vector<16xf32>
      %parallel_loop3A_461 = arith.index_cast %parallel_loop3A_456 : i32 to index
      %parallel_loop3A_462 = arith.constant 64 : index
      %parallel_loop3A_463 = tpu.vector_load %arg9[%parallel_loop3A_461, %parallel_loop3A_462] {strides = array<i32>} : memref<64x128xf32, #tpu.memory_space<vmem>>, vector<1x16xf32>,
      %parallel_loop3A_464 = vector.shape_cast %parallel_loop3A_463 : vector<1x16xf32> to vector<16xf32>
      %parallel_loop3A_465 = arith.constant 64 : i32
      %parallel_loop3A_466 = arith.addi %parallel_loop3A_465, %parallel_loop3A_456 : i32
      %parallel_loop3A_467 = arith.index_cast %parallel_loop3A_466 : i32 to index
      %parallel_loop3A_468 = arith.constant 0 : index
      %parallel_loop3A_469 = tpu.vector_load %arg7[%parallel_loop3A_467, %parallel_loop3A_468] {strides = array<i32>} : memref<512x64xf32, #tpu.memory_space<vmem>>, vector<1x16xf32>,
      %parallel_loop3A_470 = vector.shape_cast %parallel_loop3A_469 : vector<1x16xf32> to vector<16xf32>
      %parallel_loop3A_471 = arith.mulf %parallel_loop3A_460, %parallel_loop3A_470 : vector<16xf32>
      %parallel_loop3A_472 = arith.addf %parallel_loop3A_471, %parallel_loop3A_464 : vector<16xf32>
      %parallel_loop3A_473 = arith.constant 64 : i32
      %parallel_loop3A_474 = arith.addi %parallel_loop3A_473, %parallel_loop3A_456 : i32
      %parallel_loop3A_475 = arith.index_cast %parallel_loop3A_474 : i32 to index
      %parallel_loop3A_476 = arith.constant 0 : index
      %parallel_loop3A_477 = tpu.vector_load %arg7[%parallel_loop3A_475, %parallel_loop3A_476] {strides = array<i32>} : memref<512x64xf32, #tpu.memory_space<vmem>>, vector<1x16xf32>,
      %parallel_loop3A_478 = vector.shape_cast %parallel_loop3A_477 : vector<1x16xf32> to vector<16xf32>
      %parallel_loop3A_479 = vector.shape_cast %parallel_loop3A_472 : vector<16xf32> to vector<1x16xf32>
      tpu.vector_store %arg7[%parallel_loop3A_475, %parallel_loop3A_476], %parallel_loop3A_479 {strides = array<i32>} : memref<512x64xf32, #tpu.memory_space<vmem>>, vector<1x16xf32>,
      %parallel_loop3A_480 = arith.index_cast %parallel_loop3A_456 : i32 to index
      %parallel_loop3A_481 = arith.constant 16 : index
      %parallel_loop3A_482 = tpu.vector_load %arg9[%parallel_loop3A_480, %parallel_loop3A_481] {strides = array<i32>} : memref<64x128xf32, #tpu.memory_space<vmem>>, vector<1x16xf32>,
      %parallel_loop3A_483 = vector.shape_cast %parallel_loop3A_482 : vector<1x16xf32> to vector<16xf32>
      %parallel_loop3A_484 = arith.index_cast %parallel_loop3A_456 : i32 to index
      %parallel_loop3A_485 = arith.constant 80 : index
      %parallel_loop3A_486 = tpu.vector_load %arg9[%parallel_loop3A_484, %parallel_loop3A_485] {strides = array<i32>} : memref<64x128xf32, #tpu.memory_space<vmem>>, vector<1x16xf32>,
      %parallel_loop3A_487 = vector.shape_cast %parallel_loop3A_486 : vector<1x16xf32> to vector<16xf32>
      %parallel_loop3A_488 = arith.constant 64 : i32
      %parallel_loop3A_489 = arith.addi %parallel_loop3A_488, %parallel_loop3A_456 : i32
      %parallel_loop3A_490 = arith.index_cast %parallel_loop3A_489 : i32 to index
      %parallel_loop3A_491 = arith.constant 16 : index
      %parallel_loop3A_492 = tpu.vector_load %arg7[%parallel_loop3A_490, %parallel_loop3A_491] {strides = array<i32>} : memref<512x64xf32, #tpu.memory_space<vmem>>, vector<1x16xf32>,
      %parallel_loop3A_493 = vector.shape_cast %parallel_loop3A_492 : vector<1x16xf32> to vector<16xf32>
      %parallel_loop3A_494 = arith.mulf %parallel_loop3A_483, %parallel_loop3A_493 : vector<16xf32>
      %parallel_loop3A_495 = arith.addf %parallel_loop3A_494, %parallel_loop3A_487 : vector<16xf32>
      %parallel_loop3A_496 = arith.constant 64 : i32
      %parallel_loop3A_497 = arith.addi %parallel_loop3A_496, %parallel_loop3A_456 : i32
      %parallel_loop3A_498 = arith.index_cast %parallel_loop3A_497 : i32 to index
      %parallel_loop3A_499 = arith.constant 16 : index
      %parallel_loop3A_500 = tpu.vector_load %arg7[%parallel_loop3A_498, %parallel_loop3A_499] {strides = array<i32>} : memref<512x64xf32, #tpu.memory_space<vmem>>, vector<1x16xf32>,
      %parallel_loop3A_501 = vector.shape_cast %parallel_loop3A_500 : vector<1x16xf32> to vector<16xf32>
      %parallel_loop3A_502 = vector.shape_cast %parallel_loop3A_495 : vector<16xf32> to vector<1x16xf32>
      tpu.vector_store %arg7[%parallel_loop3A_498, %parallel_loop3A_499], %parallel_loop3A_502 {strides = array<i32>} : memref<512x64xf32, #tpu.memory_space<vmem>>, vector<1x16xf32>,
      %parallel_loop3A_503 = arith.index_cast %parallel_loop3A_456 : i32 to index
      %parallel_loop3A_504 = arith.constant 32 : index
      %parallel_loop3A_505 = tpu.vector_load %arg9[%parallel_loop3A_503, %parallel_loop3A_504] {strides = array<i32>} : memref<64x128xf32, #tpu.memory_space<vmem>>, vector<1x16xf32>,
      %parallel_loop3A_506 = vector.shape_cast %parallel_loop3A_505 : vector<1x16xf32> to vector<16xf32>
      %parallel_loop3A_507 = arith.index_cast %parallel_loop3A_456 : i32 to index
      %parallel_loop3A_508 = arith.constant 96 : index
      %parallel_loop3A_509 = tpu.vector_load %arg9[%parallel_loop3A_507, %parallel_loop3A_508] {strides = array<i32>} : memref<64x128xf32, #tpu.memory_space<vmem>>, vector<1x16xf32>,
      %parallel_loop3A_510 = vector.shape_cast %parallel_loop3A_509 : vector<1x16xf32> to vector<16xf32>
      %parallel_loop3A_511 = arith.constant 64 : i32
      %parallel_loop3A_512 = arith.addi %parallel_loop3A_511, %parallel_loop3A_456 : i32
      %parallel_loop3A_513 = arith.index_cast %parallel_loop3A_512 : i32 to index
      %parallel_loop3A_514 = arith.constant 32 : index
      %parallel_loop3A_515 = tpu.vector_load %arg7[%parallel_loop3A_513, %parallel_loop3A_514] {strides = array<i32>} : memref<512x64xf32, #tpu.memory_space<vmem>>, vector<1x16xf32>,
      %parallel_loop3A_516 = vector.shape_cast %parallel_loop3A_515 : vector<1x16xf32> to vector<16xf32>
      %parallel_loop3A_517 = arith.mulf %parallel_loop3A_506, %parallel_loop3A_516 : vector<16xf32>
      %parallel_loop3A_518 = arith.addf %parallel_loop3A_517, %parallel_loop3A_510 : vector<16xf32>
      %parallel_loop3A_519 = arith.constant 64 : i32
      %parallel_loop3A_520 = arith.addi %parallel_loop3A_519, %parallel_loop3A_456 : i32
      %parallel_loop3A_521 = arith.index_cast %parallel_loop3A_520 : i32 to index
      %parallel_loop3A_522 = arith.constant 32 : index
      %parallel_loop3A_523 = tpu.vector_load %arg7[%parallel_loop3A_521, %parallel_loop3A_522] {strides = array<i32>} : memref<512x64xf32, #tpu.memory_space<vmem>>, vector<1x16xf32>,
      %parallel_loop3A_524 = vector.shape_cast %parallel_loop3A_523 : vector<1x16xf32> to vector<16xf32>
      %parallel_loop3A_525 = vector.shape_cast %parallel_loop3A_518 : vector<16xf32> to vector<1x16xf32>
      tpu.vector_store %arg7[%parallel_loop3A_521, %parallel_loop3A_522], %parallel_loop3A_525 {strides = array<i32>} : memref<512x64xf32, #tpu.memory_space<vmem>>, vector<1x16xf32>,
      %parallel_loop3A_526 = arith.index_cast %parallel_loop3A_456 : i32 to index
      %parallel_loop3A_527 = arith.constant 48 : index
      %parallel_loop3A_528 = tpu.vector_load %arg9[%parallel_loop3A_526, %parallel_loop3A_527] {strides = array<i32>} : memref<64x128xf32, #tpu.memory_space<vmem>>, vector<1x16xf32>,
      %parallel_loop3A_529 = vector.shape_cast %parallel_loop3A_528 : vector<1x16xf32> to vector<16xf32>
      %parallel_loop3A_530 = arith.index_cast %parallel_loop3A_456 : i32 to index
      %parallel_loop3A_531 = arith.constant 112 : index
      %parallel_loop3A_532 = tpu.vector_load %arg9[%parallel_loop3A_530, %parallel_loop3A_531] {strides = array<i32>} : memref<64x128xf32, #tpu.memory_space<vmem>>, vector<1x16xf32>,
      %parallel_loop3A_533 = vector.shape_cast %parallel_loop3A_532 : vector<1x16xf32> to vector<16xf32>
      %parallel_loop3A_534 = arith.constant 64 : i32
      %parallel_loop3A_535 = arith.addi %parallel_loop3A_534, %parallel_loop3A_456 : i32
      %parallel_loop3A_536 = arith.index_cast %parallel_loop3A_535 : i32 to index
      %parallel_loop3A_537 = arith.constant 48 : index
      %parallel_loop3A_538 = tpu.vector_load %arg7[%parallel_loop3A_536, %parallel_loop3A_537] {strides = array<i32>} : memref<512x64xf32, #tpu.memory_space<vmem>>, vector<1x16xf32>,
      %parallel_loop3A_539 = vector.shape_cast %parallel_loop3A_538 : vector<1x16xf32> to vector<16xf32>
      %parallel_loop3A_540 = arith.mulf %parallel_loop3A_529, %parallel_loop3A_539 : vector<16xf32>
      %parallel_loop3A_541 = arith.addf %parallel_loop3A_540, %parallel_loop3A_533 : vector<16xf32>
      %parallel_loop3A_542 = arith.constant 64 : i32
      %parallel_loop3A_543 = arith.addi %parallel_loop3A_542, %parallel_loop3A_456 : i32
      %parallel_loop3A_544 = arith.index_cast %parallel_loop3A_543 : i32 to index
      %parallel_loop3A_545 = arith.constant 48 : index
      %parallel_loop3A_546 = tpu.vector_load %arg7[%parallel_loop3A_544, %parallel_loop3A_545] {strides = array<i32>} : memref<512x64xf32, #tpu.memory_space<vmem>>, vector<1x16xf32>,
      %parallel_loop3A_547 = vector.shape_cast %parallel_loop3A_546 : vector<1x16xf32> to vector<16xf32>
      %parallel_loop3A_548 = vector.shape_cast %parallel_loop3A_541 : vector<16xf32> to vector<1x16xf32>
      tpu.vector_store %arg7[%parallel_loop3A_544, %parallel_loop3A_545], %parallel_loop3A_548 {strides = array<i32>} : memref<512x64xf32, #tpu.memory_space<vmem>>, vector<1x16xf32>,
    } {sc.loop_unroll_factor = 4 : i64, sc.parallel_access}
    %add3A_164 = arith.constant 64 : i32
    %add3A_165 = arith.addi %mul3A_2, %add3A_164 : i32
    %dma_start3A_166 = arith.constant 64 : i32
    %dma_start3A_167 = arith.constant 0 : i32
    %dma_start3A_168 = tpu.memref_slice %arg7[%dma_start3A_166, %dma_start3A_167] : memref<512x64xf32, #tpu.memory_space<vmem>> -> memref<64x64xf32, #tpu.memory_space<vmem>>
    %dma_start3A_169 = arith.constant 0 : i32
    %dma_start3A_170 = tpu.memref_slice %arg5[%add3A_165, %dma_start3A_169] : memref<16384x64xf32, #tpu.memory_space<hbm>> -> memref<64x64xf32, #tpu.memory_space<hbm>>
    %dma_start3A_171 = arith.constant 0 : i32
    %dma_start3A_172 = tpu.memref_slice %arg5[%add3A_165, %dma_start3A_171] : memref<16384x64xf32, #tpu.memory_space<hbm>> -> memref<64x64xf32, #tpu.memory_space<hbm>>
    %dma_start3A_173 = arith.constant 64 : i32
    %dma_start3A_174 = arith.constant 0 : i32
    %dma_start3A_175 = tpu.memref_slice %arg7[%dma_start3A_173, %dma_start3A_174] : memref<512x64xf32, #tpu.memory_space<vmem>> -> memref<64x64xf32, #tpu.memory_space<vmem>>
    tpu.enqueue_dma source(%dma_start3A_175 : memref<64x64xf32, #tpu.memory_space<vmem>>) target(%dma_start3A_172 : memref<64x64xf32, #tpu.memory_space<hbm>>) target_semaphore(%arg15 : memref<!tpu.dma_semaphore, #tpu.memory_space<semaphore_mem>>)
    %dma_start3A_176 = arith.constant 256 : i32
    %dma_start3A_177 = tpu.memref_slice %arg6[%dma_start3A_176] : memref<512xi32, #tpu.memory_space<vmem>> -> memref<64xi32, #tpu.memory_space<vmem>>
    %dma_start3A_178 = arith.constant 0 : i32
    %dma_start3A_179 = arith.constant 0 : i32
    %dma_start3A_180 = tpu.memref_slice %arg4[%dma_start3A_178, %dma_start3A_179] : memref<100000x128xf32, #tpu.memory_space<hbm>> -> memref<100000x128xf32, #tpu.memory_space<hbm>>
    tpu.enqueue_indirect_dma source(%dma_start3A_180 : memref<100000x128xf32, #tpu.memory_space<hbm>>) target(%arg9 : memref<64x128xf32, #tpu.memory_space<vmem>>) offsets(%dma_start3A_177 : memref<64xi32, #tpu.memory_space<vmem>>) semaphore(%arg13 : memref<!tpu.dma_semaphore, #tpu.memory_space<semaphore_mem>>)
    %dma_wait3A_181 = arith.constant 128 : i32
    %dma_wait3A_182 = tpu.memref_slice %arg6[%dma_wait3A_181] : memref<512xi32, #tpu.memory_space<vmem>> -> memref<64xi32, #tpu.memory_space<vmem>>
    %dma_wait3A_183 = arith.constant 0 : i32
    %dma_wait3A_184 = arith.constant 0 : i32
    %dma_wait3A_185 = tpu.memref_slice %arg4[%dma_wait3A_183, %dma_wait3A_184] : memref<100000x128xf32, #tpu.memory_space<hbm>> -> memref<100000x128xf32, #tpu.memory_space<hbm>>
    tpu.wait_indirect_dma semaphore(%arg14 : memref<!tpu.dma_semaphore, #tpu.memory_space<semaphore_mem>>) src(%dma_wait3A_185 : memref<100000x128xf32, #tpu.memory_space<hbm>>) dst(%arg10 : memref<64x128xf32, #tpu.memory_space<vmem>>)
    %dma_wait3A_186 = arith.constant 128 : i32
    %dma_wait3A_187 = arith.constant 0 : i32
    %dma_wait3A_188 = tpu.memref_slice %arg7[%dma_wait3A_186, %dma_wait3A_187] : memref<512x64xf32, #tpu.memory_space<vmem>> -> memref<64x64xf32, #tpu.memory_space<vmem>>
    %dma_wait3A_189 = arith.constant 0 : i32
    %dma_wait3A_190 = tpu.memref_slice %arg2[%add3A_42, %dma_wait3A_189] : memref<16384x64xf32, #tpu.memory_space<hbm>> -> memref<64x64xf32, #tpu.memory_space<hbm>>
    %dma_wait3A_191 = arith.constant 128 : i32
    %dma_wait3A_192 = arith.constant 0 : i32
    %dma_wait3A_193 = tpu.memref_slice %arg7[%dma_wait3A_191, %dma_wait3A_192] : memref<512x64xf32, #tpu.memory_space<vmem>> -> memref<64x64xf32, #tpu.memory_space<vmem>>
    %dma_wait3A_194 = arith.constant 0 : i32
    %dma_wait3A_195 = tpu.memref_slice %arg2[%add3A_42, %dma_wait3A_194] : memref<16384x64xf32, #tpu.memory_space<hbm>> -> memref<64x64xf32, #tpu.memory_space<hbm>>
    tpu.wait_dma2 semaphore(%arg11 : memref<!tpu.dma_semaphore, #tpu.memory_space<semaphore_mem>>) src(%dma_wait3A_195 : memref<64x64xf32, #tpu.memory_space<hbm>>) dst(%dma_wait3A_193 : memref<64x64xf32, #tpu.memory_space<vmem>>)
    %parallel_loop3A_196 = arith.constant 0 : i32
    %parallel_loop3A_197 = arith.constant 64 : i32
    %parallel_loop3A_198 = arith.constant 1 : i32
    scf.for %parallel_loop3A_456 = %parallel_loop3A_196 to %parallel_loop3A_197 step %parallel_loop3A_198  : i32 {
      %parallel_loop3A_457 = arith.index_cast %parallel_loop3A_456 : i32 to index
      %parallel_loop3A_458 = arith.constant 0 : index
      %parallel_loop3A_459 = tpu.vector_load %arg10[%parallel_loop3A_457, %parallel_loop3A_458] {strides = array<i32>} : memref<64x128xf32, #tpu.memory_space<vmem>>, vector<1x16xf32>,
      %parallel_loop3A_460 = vector.shape_cast %parallel_loop3A_459 : vector<1x16xf32> to vector<16xf32>
      %parallel_loop3A_461 = arith.index_cast %parallel_loop3A_456 : i32 to index
      %parallel_loop3A_462 = arith.constant 64 : index
      %parallel_loop3A_463 = tpu.vector_load %arg10[%parallel_loop3A_461, %parallel_loop3A_462] {strides = array<i32>} : memref<64x128xf32, #tpu.memory_space<vmem>>, vector<1x16xf32>,
      %parallel_loop3A_464 = vector.shape_cast %parallel_loop3A_463 : vector<1x16xf32> to vector<16xf32>
      %parallel_loop3A_465 = arith.constant 128 : i32
      %parallel_loop3A_466 = arith.addi %parallel_loop3A_465, %parallel_loop3A_456 : i32
      %parallel_loop3A_467 = arith.index_cast %parallel_loop3A_466 : i32 to index
      %parallel_loop3A_468 = arith.constant 0 : index
      %parallel_loop3A_469 = tpu.vector_load %arg7[%parallel_loop3A_467, %parallel_loop3A_468] {strides = array<i32>} : memref<512x64xf32, #tpu.memory_space<vmem>>, vector<1x16xf32>,
      %parallel_loop3A_470 = vector.shape_cast %parallel_loop3A_469 : vector<1x16xf32> to vector<16xf32>
      %parallel_loop3A_471 = arith.mulf %parallel_loop3A_460, %parallel_loop3A_470 : vector<16xf32>
      %parallel_loop3A_472 = arith.addf %parallel_loop3A_471, %parallel_loop3A_464 : vector<16xf32>
      %parallel_loop3A_473 = arith.constant 128 : i32
      %parallel_loop3A_474 = arith.addi %parallel_loop3A_473, %parallel_loop3A_456 : i32
      %parallel_loop3A_475 = arith.index_cast %parallel_loop3A_474 : i32 to index
      %parallel_loop3A_476 = arith.constant 0 : index
      %parallel_loop3A_477 = tpu.vector_load %arg7[%parallel_loop3A_475, %parallel_loop3A_476] {strides = array<i32>} : memref<512x64xf32, #tpu.memory_space<vmem>>, vector<1x16xf32>,
      %parallel_loop3A_478 = vector.shape_cast %parallel_loop3A_477 : vector<1x16xf32> to vector<16xf32>
      %parallel_loop3A_479 = vector.shape_cast %parallel_loop3A_472 : vector<16xf32> to vector<1x16xf32>
      tpu.vector_store %arg7[%parallel_loop3A_475, %parallel_loop3A_476], %parallel_loop3A_479 {strides = array<i32>} : memref<512x64xf32, #tpu.memory_space<vmem>>, vector<1x16xf32>,
      %parallel_loop3A_480 = arith.index_cast %parallel_loop3A_456 : i32 to index
      %parallel_loop3A_481 = arith.constant 16 : index
      %parallel_loop3A_482 = tpu.vector_load %arg10[%parallel_loop3A_480, %parallel_loop3A_481] {strides = array<i32>} : memref<64x128xf32, #tpu.memory_space<vmem>>, vector<1x16xf32>,
      %parallel_loop3A_483 = vector.shape_cast %parallel_loop3A_482 : vector<1x16xf32> to vector<16xf32>
      %parallel_loop3A_484 = arith.index_cast %parallel_loop3A_456 : i32 to index
      %parallel_loop3A_485 = arith.constant 80 : index
      %parallel_loop3A_486 = tpu.vector_load %arg10[%parallel_loop3A_484, %parallel_loop3A_485] {strides = array<i32>} : memref<64x128xf32, #tpu.memory_space<vmem>>, vector<1x16xf32>,
      %parallel_loop3A_487 = vector.shape_cast %parallel_loop3A_486 : vector<1x16xf32> to vector<16xf32>
      %parallel_loop3A_488 = arith.constant 128 : i32
      %parallel_loop3A_489 = arith.addi %parallel_loop3A_488, %parallel_loop3A_456 : i32
      %parallel_loop3A_490 = arith.index_cast %parallel_loop3A_489 : i32 to index
      %parallel_loop3A_491 = arith.constant 16 : index
      %parallel_loop3A_492 = tpu.vector_load %arg7[%parallel_loop3A_490, %parallel_loop3A_491] {strides = array<i32>} : memref<512x64xf32, #tpu.memory_space<vmem>>, vector<1x16xf32>,
      %parallel_loop3A_493 = vector.shape_cast %parallel_loop3A_492 : vector<1x16xf32> to vector<16xf32>
      %parallel_loop3A_494 = arith.mulf %parallel_loop3A_483, %parallel_loop3A_493 : vector<16xf32>
      %parallel_loop3A_495 = arith.addf %parallel_loop3A_494, %parallel_loop3A_487 : vector<16xf32>
      %parallel_loop3A_496 = arith.constant 128 : i32
      %parallel_loop3A_497 = arith.addi %parallel_loop3A_496, %parallel_loop3A_456 : i32
      %parallel_loop3A_498 = arith.index_cast %parallel_loop3A_497 : i32 to index
      %parallel_loop3A_499 = arith.constant 16 : index
      %parallel_loop3A_500 = tpu.vector_load %arg7[%parallel_loop3A_498, %parallel_loop3A_499] {strides = array<i32>} : memref<512x64xf32, #tpu.memory_space<vmem>>, vector<1x16xf32>,
      %parallel_loop3A_501 = vector.shape_cast %parallel_loop3A_500 : vector<1x16xf32> to vector<16xf32>
      %parallel_loop3A_502 = vector.shape_cast %parallel_loop3A_495 : vector<16xf32> to vector<1x16xf32>
      tpu.vector_store %arg7[%parallel_loop3A_498, %parallel_loop3A_499], %parallel_loop3A_502 {strides = array<i32>} : memref<512x64xf32, #tpu.memory_space<vmem>>, vector<1x16xf32>,
      %parallel_loop3A_503 = arith.index_cast %parallel_loop3A_456 : i32 to index
      %parallel_loop3A_504 = arith.constant 32 : index
      %parallel_loop3A_505 = tpu.vector_load %arg10[%parallel_loop3A_503, %parallel_loop3A_504] {strides = array<i32>} : memref<64x128xf32, #tpu.memory_space<vmem>>, vector<1x16xf32>,
      %parallel_loop3A_506 = vector.shape_cast %parallel_loop3A_505 : vector<1x16xf32> to vector<16xf32>
      %parallel_loop3A_507 = arith.index_cast %parallel_loop3A_456 : i32 to index
      %parallel_loop3A_508 = arith.constant 96 : index
      %parallel_loop3A_509 = tpu.vector_load %arg10[%parallel_loop3A_507, %parallel_loop3A_508] {strides = array<i32>} : memref<64x128xf32, #tpu.memory_space<vmem>>, vector<1x16xf32>,
      %parallel_loop3A_510 = vector.shape_cast %parallel_loop3A_509 : vector<1x16xf32> to vector<16xf32>
      %parallel_loop3A_511 = arith.constant 128 : i32
      %parallel_loop3A_512 = arith.addi %parallel_loop3A_511, %parallel_loop3A_456 : i32
      %parallel_loop3A_513 = arith.index_cast %parallel_loop3A_512 : i32 to index
      %parallel_loop3A_514 = arith.constant 32 : index
      %parallel_loop3A_515 = tpu.vector_load %arg7[%parallel_loop3A_513, %parallel_loop3A_514] {strides = array<i32>} : memref<512x64xf32, #tpu.memory_space<vmem>>, vector<1x16xf32>,
      %parallel_loop3A_516 = vector.shape_cast %parallel_loop3A_515 : vector<1x16xf32> to vector<16xf32>
      %parallel_loop3A_517 = arith.mulf %parallel_loop3A_506, %parallel_loop3A_516 : vector<16xf32>
      %parallel_loop3A_518 = arith.addf %parallel_loop3A_517, %parallel_loop3A_510 : vector<16xf32>
      %parallel_loop3A_519 = arith.constant 128 : i32
      %parallel_loop3A_520 = arith.addi %parallel_loop3A_519, %parallel_loop3A_456 : i32
      %parallel_loop3A_521 = arith.index_cast %parallel_loop3A_520 : i32 to index
      %parallel_loop3A_522 = arith.constant 32 : index
      %parallel_loop3A_523 = tpu.vector_load %arg7[%parallel_loop3A_521, %parallel_loop3A_522] {strides = array<i32>} : memref<512x64xf32, #tpu.memory_space<vmem>>, vector<1x16xf32>,
      %parallel_loop3A_524 = vector.shape_cast %parallel_loop3A_523 : vector<1x16xf32> to vector<16xf32>
      %parallel_loop3A_525 = vector.shape_cast %parallel_loop3A_518 : vector<16xf32> to vector<1x16xf32>
      tpu.vector_store %arg7[%parallel_loop3A_521, %parallel_loop3A_522], %parallel_loop3A_525 {strides = array<i32>} : memref<512x64xf32, #tpu.memory_space<vmem>>, vector<1x16xf32>,
      %parallel_loop3A_526 = arith.index_cast %parallel_loop3A_456 : i32 to index
      %parallel_loop3A_527 = arith.constant 48 : index
      %parallel_loop3A_528 = tpu.vector_load %arg10[%parallel_loop3A_526, %parallel_loop3A_527] {strides = array<i32>} : memref<64x128xf32, #tpu.memory_space<vmem>>, vector<1x16xf32>,
      %parallel_loop3A_529 = vector.shape_cast %parallel_loop3A_528 : vector<1x16xf32> to vector<16xf32>
      %parallel_loop3A_530 = arith.index_cast %parallel_loop3A_456 : i32 to index
      %parallel_loop3A_531 = arith.constant 112 : index
      %parallel_loop3A_532 = tpu.vector_load %arg10[%parallel_loop3A_530, %parallel_loop3A_531] {strides = array<i32>} : memref<64x128xf32, #tpu.memory_space<vmem>>, vector<1x16xf32>,
      %parallel_loop3A_533 = vector.shape_cast %parallel_loop3A_532 : vector<1x16xf32> to vector<16xf32>
      %parallel_loop3A_534 = arith.constant 128 : i32
      %parallel_loop3A_535 = arith.addi %parallel_loop3A_534, %parallel_loop3A_456 : i32
      %parallel_loop3A_536 = arith.index_cast %parallel_loop3A_535 : i32 to index
      %parallel_loop3A_537 = arith.constant 48 : index
      %parallel_loop3A_538 = tpu.vector_load %arg7[%parallel_loop3A_536, %parallel_loop3A_537] {strides = array<i32>} : memref<512x64xf32, #tpu.memory_space<vmem>>, vector<1x16xf32>,
      %parallel_loop3A_539 = vector.shape_cast %parallel_loop3A_538 : vector<1x16xf32> to vector<16xf32>
      %parallel_loop3A_540 = arith.mulf %parallel_loop3A_529, %parallel_loop3A_539 : vector<16xf32>
      %parallel_loop3A_541 = arith.addf %parallel_loop3A_540, %parallel_loop3A_533 : vector<16xf32>
      %parallel_loop3A_542 = arith.constant 128 : i32
      %parallel_loop3A_543 = arith.addi %parallel_loop3A_542, %parallel_loop3A_456 : i32
      %parallel_loop3A_544 = arith.index_cast %parallel_loop3A_543 : i32 to index
      %parallel_loop3A_545 = arith.constant 48 : index
      %parallel_loop3A_546 = tpu.vector_load %arg7[%parallel_loop3A_544, %parallel_loop3A_545] {strides = array<i32>} : memref<512x64xf32, #tpu.memory_space<vmem>>, vector<1x16xf32>,
      %parallel_loop3A_547 = vector.shape_cast %parallel_loop3A_546 : vector<1x16xf32> to vector<16xf32>
      %parallel_loop3A_548 = vector.shape_cast %parallel_loop3A_541 : vector<16xf32> to vector<1x16xf32>
      tpu.vector_store %arg7[%parallel_loop3A_544, %parallel_loop3A_545], %parallel_loop3A_548 {strides = array<i32>} : memref<512x64xf32, #tpu.memory_space<vmem>>, vector<1x16xf32>,
    } {sc.loop_unroll_factor = 4 : i64, sc.parallel_access}
    %add3A_199 = arith.constant 128 : i32
    %add3A_200 = arith.addi %mul3A_2, %add3A_199 : i32
    %dma_start3A_201 = arith.constant 128 : i32
    %dma_start3A_202 = arith.constant 0 : i32
    %dma_start3A_203 = tpu.memref_slice %arg7[%dma_start3A_201, %dma_start3A_202] : memref<512x64xf32, #tpu.memory_space<vmem>> -> memref<64x64xf32, #tpu.memory_space<vmem>>
    %dma_start3A_204 = arith.constant 0 : i32
    %dma_start3A_205 = tpu.memref_slice %arg5[%add3A_200, %dma_start3A_204] : memref<16384x64xf32, #tpu.memory_space<hbm>> -> memref<64x64xf32, #tpu.memory_space<hbm>>
    %dma_start3A_206 = arith.constant 0 : i32
    %dma_start3A_207 = tpu.memref_slice %arg5[%add3A_200, %dma_start3A_206] : memref<16384x64xf32, #tpu.memory_space<hbm>> -> memref<64x64xf32, #tpu.memory_space<hbm>>
    %dma_start3A_208 = arith.constant 128 : i32
    %dma_start3A_209 = arith.constant 0 : i32
    %dma_start3A_210 = tpu.memref_slice %arg7[%dma_start3A_208, %dma_start3A_209] : memref<512x64xf32, #tpu.memory_space<vmem>> -> memref<64x64xf32, #tpu.memory_space<vmem>>
    tpu.enqueue_dma source(%dma_start3A_210 : memref<64x64xf32, #tpu.memory_space<vmem>>) target(%dma_start3A_207 : memref<64x64xf32, #tpu.memory_space<hbm>>) target_semaphore(%arg15 : memref<!tpu.dma_semaphore, #tpu.memory_space<semaphore_mem>>)
    %dma_start3A_211 = arith.constant 320 : i32
    %dma_start3A_212 = tpu.memref_slice %arg6[%dma_start3A_211] : memref<512xi32, #tpu.memory_space<vmem>> -> memref<64xi32, #tpu.memory_space<vmem>>
    %dma_start3A_213 = arith.constant 0 : i32
    %dma_start3A_214 = arith.constant 0 : i32
    %dma_start3A_215 = tpu.memref_slice %arg4[%dma_start3A_213, %dma_start3A_214] : memref<100000x128xf32, #tpu.memory_space<hbm>> -> memref<100000x128xf32, #tpu.memory_space<hbm>>
    tpu.enqueue_indirect_dma source(%dma_start3A_215 : memref<100000x128xf32, #tpu.memory_space<hbm>>) target(%arg10 : memref<64x128xf32, #tpu.memory_space<vmem>>) offsets(%dma_start3A_212 : memref<64xi32, #tpu.memory_space<vmem>>) semaphore(%arg14 : memref<!tpu.dma_semaphore, #tpu.memory_space<semaphore_mem>>)
    %dma_wait3A_216 = arith.constant 192 : i32
    %dma_wait3A_217 = tpu.memref_slice %arg6[%dma_wait3A_216] : memref<512xi32, #tpu.memory_space<vmem>> -> memref<64xi32, #tpu.memory_space<vmem>>
    %dma_wait3A_218 = arith.constant 0 : i32
    %dma_wait3A_219 = arith.constant 0 : i32
    %dma_wait3A_220 = tpu.memref_slice %arg4[%dma_wait3A_218, %dma_wait3A_219] : memref<100000x128xf32, #tpu.memory_space<hbm>> -> memref<100000x128xf32, #tpu.memory_space<hbm>>
    tpu.wait_indirect_dma semaphore(%arg12 : memref<!tpu.dma_semaphore, #tpu.memory_space<semaphore_mem>>) src(%dma_wait3A_220 : memref<100000x128xf32, #tpu.memory_space<hbm>>) dst(%arg8 : memref<64x128xf32, #tpu.memory_space<vmem>>)
    %dma_wait3A_221 = arith.constant 192 : i32
    %dma_wait3A_222 = arith.constant 0 : i32
    %dma_wait3A_223 = tpu.memref_slice %arg7[%dma_wait3A_221, %dma_wait3A_222] : memref<512x64xf32, #tpu.memory_space<vmem>> -> memref<64x64xf32, #tpu.memory_space<vmem>>
    %dma_wait3A_224 = arith.constant 0 : i32
    %dma_wait3A_225 = tpu.memref_slice %arg2[%add3A_54, %dma_wait3A_224] : memref<16384x64xf32, #tpu.memory_space<hbm>> -> memref<64x64xf32, #tpu.memory_space<hbm>>
    %dma_wait3A_226 = arith.constant 192 : i32
    %dma_wait3A_227 = arith.constant 0 : i32
    %dma_wait3A_228 = tpu.memref_slice %arg7[%dma_wait3A_226, %dma_wait3A_227] : memref<512x64xf32, #tpu.memory_space<vmem>> -> memref<64x64xf32, #tpu.memory_space<vmem>>
    %dma_wait3A_229 = arith.constant 0 : i32
    %dma_wait3A_230 = tpu.memref_slice %arg2[%add3A_54, %dma_wait3A_229] : memref<16384x64xf32, #tpu.memory_space<hbm>> -> memref<64x64xf32, #tpu.memory_space<hbm>>
    tpu.wait_dma2 semaphore(%arg11 : memref<!tpu.dma_semaphore, #tpu.memory_space<semaphore_mem>>) src(%dma_wait3A_230 : memref<64x64xf32, #tpu.memory_space<hbm>>) dst(%dma_wait3A_228 : memref<64x64xf32, #tpu.memory_space<vmem>>)
    %parallel_loop3A_231 = arith.constant 0 : i32
    %parallel_loop3A_232 = arith.constant 64 : i32
    %parallel_loop3A_233 = arith.constant 1 : i32
    scf.for %parallel_loop3A_456 = %parallel_loop3A_231 to %parallel_loop3A_232 step %parallel_loop3A_233  : i32 {
      %parallel_loop3A_457 = arith.index_cast %parallel_loop3A_456 : i32 to index
      %parallel_loop3A_458 = arith.constant 0 : index
      %parallel_loop3A_459 = tpu.vector_load %arg8[%parallel_loop3A_457, %parallel_loop3A_458] {strides = array<i32>} : memref<64x128xf32, #tpu.memory_space<vmem>>, vector<1x16xf32>,
      %parallel_loop3A_460 = vector.shape_cast %parallel_loop3A_459 : vector<1x16xf32> to vector<16xf32>
      %parallel_loop3A_461 = arith.index_cast %parallel_loop3A_456 : i32 to index
      %parallel_loop3A_462 = arith.constant 64 : index
      %parallel_loop3A_463 = tpu.vector_load %arg8[%parallel_loop3A_461, %parallel_loop3A_462] {strides = array<i32>} : memref<64x128xf32, #tpu.memory_space<vmem>>, vector<1x16xf32>,
      %parallel_loop3A_464 = vector.shape_cast %parallel_loop3A_463 : vector<1x16xf32> to vector<16xf32>
      %parallel_loop3A_465 = arith.constant 192 : i32
      %parallel_loop3A_466 = arith.addi %parallel_loop3A_465, %parallel_loop3A_456 : i32
      %parallel_loop3A_467 = arith.index_cast %parallel_loop3A_466 : i32 to index
      %parallel_loop3A_468 = arith.constant 0 : index
      %parallel_loop3A_469 = tpu.vector_load %arg7[%parallel_loop3A_467, %parallel_loop3A_468] {strides = array<i32>} : memref<512x64xf32, #tpu.memory_space<vmem>>, vector<1x16xf32>,
      %parallel_loop3A_470 = vector.shape_cast %parallel_loop3A_469 : vector<1x16xf32> to vector<16xf32>
      %parallel_loop3A_471 = arith.mulf %parallel_loop3A_460, %parallel_loop3A_470 : vector<16xf32>
      %parallel_loop3A_472 = arith.addf %parallel_loop3A_471, %parallel_loop3A_464 : vector<16xf32>
      %parallel_loop3A_473 = arith.constant 192 : i32
      %parallel_loop3A_474 = arith.addi %parallel_loop3A_473, %parallel_loop3A_456 : i32
      %parallel_loop3A_475 = arith.index_cast %parallel_loop3A_474 : i32 to index
      %parallel_loop3A_476 = arith.constant 0 : index
      %parallel_loop3A_477 = tpu.vector_load %arg7[%parallel_loop3A_475, %parallel_loop3A_476] {strides = array<i32>} : memref<512x64xf32, #tpu.memory_space<vmem>>, vector<1x16xf32>,
      %parallel_loop3A_478 = vector.shape_cast %parallel_loop3A_477 : vector<1x16xf32> to vector<16xf32>
      %parallel_loop3A_479 = vector.shape_cast %parallel_loop3A_472 : vector<16xf32> to vector<1x16xf32>
      tpu.vector_store %arg7[%parallel_loop3A_475, %parallel_loop3A_476], %parallel_loop3A_479 {strides = array<i32>} : memref<512x64xf32, #tpu.memory_space<vmem>>, vector<1x16xf32>,
      %parallel_loop3A_480 = arith.index_cast %parallel_loop3A_456 : i32 to index
      %parallel_loop3A_481 = arith.constant 16 : index
      %parallel_loop3A_482 = tpu.vector_load %arg8[%parallel_loop3A_480, %parallel_loop3A_481] {strides = array<i32>} : memref<64x128xf32, #tpu.memory_space<vmem>>, vector<1x16xf32>,
      %parallel_loop3A_483 = vector.shape_cast %parallel_loop3A_482 : vector<1x16xf32> to vector<16xf32>
      %parallel_loop3A_484 = arith.index_cast %parallel_loop3A_456 : i32 to index
      %parallel_loop3A_485 = arith.constant 80 : index
      %parallel_loop3A_486 = tpu.vector_load %arg8[%parallel_loop3A_484, %parallel_loop3A_485] {strides = array<i32>} : memref<64x128xf32, #tpu.memory_space<vmem>>, vector<1x16xf32>,
      %parallel_loop3A_487 = vector.shape_cast %parallel_loop3A_486 : vector<1x16xf32> to vector<16xf32>
      %parallel_loop3A_488 = arith.constant 192 : i32
      %parallel_loop3A_489 = arith.addi %parallel_loop3A_488, %parallel_loop3A_456 : i32
      %parallel_loop3A_490 = arith.index_cast %parallel_loop3A_489 : i32 to index
      %parallel_loop3A_491 = arith.constant 16 : index
      %parallel_loop3A_492 = tpu.vector_load %arg7[%parallel_loop3A_490, %parallel_loop3A_491] {strides = array<i32>} : memref<512x64xf32, #tpu.memory_space<vmem>>, vector<1x16xf32>,
      %parallel_loop3A_493 = vector.shape_cast %parallel_loop3A_492 : vector<1x16xf32> to vector<16xf32>
      %parallel_loop3A_494 = arith.mulf %parallel_loop3A_483, %parallel_loop3A_493 : vector<16xf32>
      %parallel_loop3A_495 = arith.addf %parallel_loop3A_494, %parallel_loop3A_487 : vector<16xf32>
      %parallel_loop3A_496 = arith.constant 192 : i32
      %parallel_loop3A_497 = arith.addi %parallel_loop3A_496, %parallel_loop3A_456 : i32
      %parallel_loop3A_498 = arith.index_cast %parallel_loop3A_497 : i32 to index
      %parallel_loop3A_499 = arith.constant 16 : index
      %parallel_loop3A_500 = tpu.vector_load %arg7[%parallel_loop3A_498, %parallel_loop3A_499] {strides = array<i32>} : memref<512x64xf32, #tpu.memory_space<vmem>>, vector<1x16xf32>,
      %parallel_loop3A_501 = vector.shape_cast %parallel_loop3A_500 : vector<1x16xf32> to vector<16xf32>
      %parallel_loop3A_502 = vector.shape_cast %parallel_loop3A_495 : vector<16xf32> to vector<1x16xf32>
      tpu.vector_store %arg7[%parallel_loop3A_498, %parallel_loop3A_499], %parallel_loop3A_502 {strides = array<i32>} : memref<512x64xf32, #tpu.memory_space<vmem>>, vector<1x16xf32>,
      %parallel_loop3A_503 = arith.index_cast %parallel_loop3A_456 : i32 to index
      %parallel_loop3A_504 = arith.constant 32 : index
      %parallel_loop3A_505 = tpu.vector_load %arg8[%parallel_loop3A_503, %parallel_loop3A_504] {strides = array<i32>} : memref<64x128xf32, #tpu.memory_space<vmem>>, vector<1x16xf32>,
      %parallel_loop3A_506 = vector.shape_cast %parallel_loop3A_505 : vector<1x16xf32> to vector<16xf32>
      %parallel_loop3A_507 = arith.index_cast %parallel_loop3A_456 : i32 to index
      %parallel_loop3A_508 = arith.constant 96 : index
      %parallel_loop3A_509 = tpu.vector_load %arg8[%parallel_loop3A_507, %parallel_loop3A_508] {strides = array<i32>} : memref<64x128xf32, #tpu.memory_space<vmem>>, vector<1x16xf32>,
      %parallel_loop3A_510 = vector.shape_cast %parallel_loop3A_509 : vector<1x16xf32> to vector<16xf32>
      %parallel_loop3A_511 = arith.constant 192 : i32
      %parallel_loop3A_512 = arith.addi %parallel_loop3A_511, %parallel_loop3A_456 : i32
      %parallel_loop3A_513 = arith.index_cast %parallel_loop3A_512 : i32 to index
      %parallel_loop3A_514 = arith.constant 32 : index
      %parallel_loop3A_515 = tpu.vector_load %arg7[%parallel_loop3A_513, %parallel_loop3A_514] {strides = array<i32>} : memref<512x64xf32, #tpu.memory_space<vmem>>, vector<1x16xf32>,
      %parallel_loop3A_516 = vector.shape_cast %parallel_loop3A_515 : vector<1x16xf32> to vector<16xf32>
      %parallel_loop3A_517 = arith.mulf %parallel_loop3A_506, %parallel_loop3A_516 : vector<16xf32>
      %parallel_loop3A_518 = arith.addf %parallel_loop3A_517, %parallel_loop3A_510 : vector<16xf32>
      %parallel_loop3A_519 = arith.constant 192 : i32
      %parallel_loop3A_520 = arith.addi %parallel_loop3A_519, %parallel_loop3A_456 : i32
      %parallel_loop3A_521 = arith.index_cast %parallel_loop3A_520 : i32 to index
      %parallel_loop3A_522 = arith.constant 32 : index
      %parallel_loop3A_523 = tpu.vector_load %arg7[%parallel_loop3A_521, %parallel_loop3A_522] {strides = array<i32>} : memref<512x64xf32, #tpu.memory_space<vmem>>, vector<1x16xf32>,
      %parallel_loop3A_524 = vector.shape_cast %parallel_loop3A_523 : vector<1x16xf32> to vector<16xf32>
      %parallel_loop3A_525 = vector.shape_cast %parallel_loop3A_518 : vector<16xf32> to vector<1x16xf32>
      tpu.vector_store %arg7[%parallel_loop3A_521, %parallel_loop3A_522], %parallel_loop3A_525 {strides = array<i32>} : memref<512x64xf32, #tpu.memory_space<vmem>>, vector<1x16xf32>,
      %parallel_loop3A_526 = arith.index_cast %parallel_loop3A_456 : i32 to index
      %parallel_loop3A_527 = arith.constant 48 : index
      %parallel_loop3A_528 = tpu.vector_load %arg8[%parallel_loop3A_526, %parallel_loop3A_527] {strides = array<i32>} : memref<64x128xf32, #tpu.memory_space<vmem>>, vector<1x16xf32>,
      %parallel_loop3A_529 = vector.shape_cast %parallel_loop3A_528 : vector<1x16xf32> to vector<16xf32>
      %parallel_loop3A_530 = arith.index_cast %parallel_loop3A_456 : i32 to index
      %parallel_loop3A_531 = arith.constant 112 : index
      %parallel_loop3A_532 = tpu.vector_load %arg8[%parallel_loop3A_530, %parallel_loop3A_531] {strides = array<i32>} : memref<64x128xf32, #tpu.memory_space<vmem>>, vector<1x16xf32>,
      %parallel_loop3A_533 = vector.shape_cast %parallel_loop3A_532 : vector<1x16xf32> to vector<16xf32>
      %parallel_loop3A_534 = arith.constant 192 : i32
      %parallel_loop3A_535 = arith.addi %parallel_loop3A_534, %parallel_loop3A_456 : i32
      %parallel_loop3A_536 = arith.index_cast %parallel_loop3A_535 : i32 to index
      %parallel_loop3A_537 = arith.constant 48 : index
      %parallel_loop3A_538 = tpu.vector_load %arg7[%parallel_loop3A_536, %parallel_loop3A_537] {strides = array<i32>} : memref<512x64xf32, #tpu.memory_space<vmem>>, vector<1x16xf32>,
      %parallel_loop3A_539 = vector.shape_cast %parallel_loop3A_538 : vector<1x16xf32> to vector<16xf32>
      %parallel_loop3A_540 = arith.mulf %parallel_loop3A_529, %parallel_loop3A_539 : vector<16xf32>
      %parallel_loop3A_541 = arith.addf %parallel_loop3A_540, %parallel_loop3A_533 : vector<16xf32>
      %parallel_loop3A_542 = arith.constant 192 : i32
      %parallel_loop3A_543 = arith.addi %parallel_loop3A_542, %parallel_loop3A_456 : i32
      %parallel_loop3A_544 = arith.index_cast %parallel_loop3A_543 : i32 to index
      %parallel_loop3A_545 = arith.constant 48 : index
      %parallel_loop3A_546 = tpu.vector_load %arg7[%parallel_loop3A_544, %parallel_loop3A_545] {strides = array<i32>} : memref<512x64xf32, #tpu.memory_space<vmem>>, vector<1x16xf32>,
      %parallel_loop3A_547 = vector.shape_cast %parallel_loop3A_546 : vector<1x16xf32> to vector<16xf32>
      %parallel_loop3A_548 = vector.shape_cast %parallel_loop3A_541 : vector<16xf32> to vector<1x16xf32>
      tpu.vector_store %arg7[%parallel_loop3A_544, %parallel_loop3A_545], %parallel_loop3A_548 {strides = array<i32>} : memref<512x64xf32, #tpu.memory_space<vmem>>, vector<1x16xf32>,
    } {sc.loop_unroll_factor = 4 : i64, sc.parallel_access}
    %add3A_234 = arith.constant 192 : i32
    %add3A_235 = arith.addi %mul3A_2, %add3A_234 : i32
    %dma_start3A_236 = arith.constant 192 : i32
    %dma_start3A_237 = arith.constant 0 : i32
    %dma_start3A_238 = tpu.memref_slice %arg7[%dma_start3A_236, %dma_start3A_237] : memref<512x64xf32, #tpu.memory_space<vmem>> -> memref<64x64xf32, #tpu.memory_space<vmem>>
    %dma_start3A_239 = arith.constant 0 : i32
    %dma_start3A_240 = tpu.memref_slice %arg5[%add3A_235, %dma_start3A_239] : memref<16384x64xf32, #tpu.memory_space<hbm>> -> memref<64x64xf32, #tpu.memory_space<hbm>>
    %dma_start3A_241 = arith.constant 0 : i32
    %dma_start3A_242 = tpu.memref_slice %arg5[%add3A_235, %dma_start3A_241] : memref<16384x64xf32, #tpu.memory_space<hbm>> -> memref<64x64xf32, #tpu.memory_space<hbm>>
    %dma_start3A_243 = arith.constant 192 : i32
    %dma_start3A_244 = arith.constant 0 : i32
    %dma_start3A_245 = tpu.memref_slice %arg7[%dma_start3A_243, %dma_start3A_244] : memref<512x64xf32, #tpu.memory_space<vmem>> -> memref<64x64xf32, #tpu.memory_space<vmem>>
    tpu.enqueue_dma source(%dma_start3A_245 : memref<64x64xf32, #tpu.memory_space<vmem>>) target(%dma_start3A_242 : memref<64x64xf32, #tpu.memory_space<hbm>>) target_semaphore(%arg15 : memref<!tpu.dma_semaphore, #tpu.memory_space<semaphore_mem>>)
    %dma_start3A_246 = arith.constant 384 : i32
    %dma_start3A_247 = tpu.memref_slice %arg6[%dma_start3A_246] : memref<512xi32, #tpu.memory_space<vmem>> -> memref<64xi32, #tpu.memory_space<vmem>>
    %dma_start3A_248 = arith.constant 0 : i32
    %dma_start3A_249 = arith.constant 0 : i32
    %dma_start3A_250 = tpu.memref_slice %arg4[%dma_start3A_248, %dma_start3A_249] : memref<100000x128xf32, #tpu.memory_space<hbm>> -> memref<100000x128xf32, #tpu.memory_space<hbm>>
    tpu.enqueue_indirect_dma source(%dma_start3A_250 : memref<100000x128xf32, #tpu.memory_space<hbm>>) target(%arg8 : memref<64x128xf32, #tpu.memory_space<vmem>>) offsets(%dma_start3A_247 : memref<64xi32, #tpu.memory_space<vmem>>) semaphore(%arg12 : memref<!tpu.dma_semaphore, #tpu.memory_space<semaphore_mem>>)
    %dma_wait3A_251 = arith.constant 256 : i32
    %dma_wait3A_252 = tpu.memref_slice %arg6[%dma_wait3A_251] : memref<512xi32, #tpu.memory_space<vmem>> -> memref<64xi32, #tpu.memory_space<vmem>>
    %dma_wait3A_253 = arith.constant 0 : i32
    %dma_wait3A_254 = arith.constant 0 : i32
    %dma_wait3A_255 = tpu.memref_slice %arg4[%dma_wait3A_253, %dma_wait3A_254] : memref<100000x128xf32, #tpu.memory_space<hbm>> -> memref<100000x128xf32, #tpu.memory_space<hbm>>
    tpu.wait_indirect_dma semaphore(%arg13 : memref<!tpu.dma_semaphore, #tpu.memory_space<semaphore_mem>>) src(%dma_wait3A_255 : memref<100000x128xf32, #tpu.memory_space<hbm>>) dst(%arg9 : memref<64x128xf32, #tpu.memory_space<vmem>>)
    %dma_wait3A_256 = arith.constant 256 : i32
    %dma_wait3A_257 = arith.constant 0 : i32
    %dma_wait3A_258 = tpu.memref_slice %arg7[%dma_wait3A_256, %dma_wait3A_257] : memref<512x64xf32, #tpu.memory_space<vmem>> -> memref<64x64xf32, #tpu.memory_space<vmem>>
    %dma_wait3A_259 = arith.constant 0 : i32
    %dma_wait3A_260 = tpu.memref_slice %arg2[%add3A_66, %dma_wait3A_259] : memref<16384x64xf32, #tpu.memory_space<hbm>> -> memref<64x64xf32, #tpu.memory_space<hbm>>
    %dma_wait3A_261 = arith.constant 256 : i32
    %dma_wait3A_262 = arith.constant 0 : i32
    %dma_wait3A_263 = tpu.memref_slice %arg7[%dma_wait3A_261, %dma_wait3A_262] : memref<512x64xf32, #tpu.memory_space<vmem>> -> memref<64x64xf32, #tpu.memory_space<vmem>>
    %dma_wait3A_264 = arith.constant 0 : i32
    %dma_wait3A_265 = tpu.memref_slice %arg2[%add3A_66, %dma_wait3A_264] : memref<16384x64xf32, #tpu.memory_space<hbm>> -> memref<64x64xf32, #tpu.memory_space<hbm>>
    tpu.wait_dma2 semaphore(%arg11 : memref<!tpu.dma_semaphore, #tpu.memory_space<semaphore_mem>>) src(%dma_wait3A_265 : memref<64x64xf32, #tpu.memory_space<hbm>>) dst(%dma_wait3A_263 : memref<64x64xf32, #tpu.memory_space<vmem>>)
    %parallel_loop3A_266 = arith.constant 0 : i32
    %parallel_loop3A_267 = arith.constant 64 : i32
    %parallel_loop3A_268 = arith.constant 1 : i32
    scf.for %parallel_loop3A_456 = %parallel_loop3A_266 to %parallel_loop3A_267 step %parallel_loop3A_268  : i32 {
      %parallel_loop3A_457 = arith.index_cast %parallel_loop3A_456 : i32 to index
      %parallel_loop3A_458 = arith.constant 0 : index
      %parallel_loop3A_459 = tpu.vector_load %arg9[%parallel_loop3A_457, %parallel_loop3A_458] {strides = array<i32>} : memref<64x128xf32, #tpu.memory_space<vmem>>, vector<1x16xf32>,
      %parallel_loop3A_460 = vector.shape_cast %parallel_loop3A_459 : vector<1x16xf32> to vector<16xf32>
      %parallel_loop3A_461 = arith.index_cast %parallel_loop3A_456 : i32 to index
      %parallel_loop3A_462 = arith.constant 64 : index
      %parallel_loop3A_463 = tpu.vector_load %arg9[%parallel_loop3A_461, %parallel_loop3A_462] {strides = array<i32>} : memref<64x128xf32, #tpu.memory_space<vmem>>, vector<1x16xf32>,
      %parallel_loop3A_464 = vector.shape_cast %parallel_loop3A_463 : vector<1x16xf32> to vector<16xf32>
      %parallel_loop3A_465 = arith.constant 256 : i32
      %parallel_loop3A_466 = arith.addi %parallel_loop3A_465, %parallel_loop3A_456 : i32
      %parallel_loop3A_467 = arith.index_cast %parallel_loop3A_466 : i32 to index
      %parallel_loop3A_468 = arith.constant 0 : index
      %parallel_loop3A_469 = tpu.vector_load %arg7[%parallel_loop3A_467, %parallel_loop3A_468] {strides = array<i32>} : memref<512x64xf32, #tpu.memory_space<vmem>>, vector<1x16xf32>,
      %parallel_loop3A_470 = vector.shape_cast %parallel_loop3A_469 : vector<1x16xf32> to vector<16xf32>
      %parallel_loop3A_471 = arith.mulf %parallel_loop3A_460, %parallel_loop3A_470 : vector<16xf32>
      %parallel_loop3A_472 = arith.addf %parallel_loop3A_471, %parallel_loop3A_464 : vector<16xf32>
      %parallel_loop3A_473 = arith.constant 256 : i32
      %parallel_loop3A_474 = arith.addi %parallel_loop3A_473, %parallel_loop3A_456 : i32
      %parallel_loop3A_475 = arith.index_cast %parallel_loop3A_474 : i32 to index
      %parallel_loop3A_476 = arith.constant 0 : index
      %parallel_loop3A_477 = tpu.vector_load %arg7[%parallel_loop3A_475, %parallel_loop3A_476] {strides = array<i32>} : memref<512x64xf32, #tpu.memory_space<vmem>>, vector<1x16xf32>,
      %parallel_loop3A_478 = vector.shape_cast %parallel_loop3A_477 : vector<1x16xf32> to vector<16xf32>
      %parallel_loop3A_479 = vector.shape_cast %parallel_loop3A_472 : vector<16xf32> to vector<1x16xf32>
      tpu.vector_store %arg7[%parallel_loop3A_475, %parallel_loop3A_476], %parallel_loop3A_479 {strides = array<i32>} : memref<512x64xf32, #tpu.memory_space<vmem>>, vector<1x16xf32>,
      %parallel_loop3A_480 = arith.index_cast %parallel_loop3A_456 : i32 to index
      %parallel_loop3A_481 = arith.constant 16 : index
      %parallel_loop3A_482 = tpu.vector_load %arg9[%parallel_loop3A_480, %parallel_loop3A_481] {strides = array<i32>} : memref<64x128xf32, #tpu.memory_space<vmem>>, vector<1x16xf32>,
      %parallel_loop3A_483 = vector.shape_cast %parallel_loop3A_482 : vector<1x16xf32> to vector<16xf32>
      %parallel_loop3A_484 = arith.index_cast %parallel_loop3A_456 : i32 to index
      %parallel_loop3A_485 = arith.constant 80 : index
      %parallel_loop3A_486 = tpu.vector_load %arg9[%parallel_loop3A_484, %parallel_loop3A_485] {strides = array<i32>} : memref<64x128xf32, #tpu.memory_space<vmem>>, vector<1x16xf32>,
      %parallel_loop3A_487 = vector.shape_cast %parallel_loop3A_486 : vector<1x16xf32> to vector<16xf32>
      %parallel_loop3A_488 = arith.constant 256 : i32
      %parallel_loop3A_489 = arith.addi %parallel_loop3A_488, %parallel_loop3A_456 : i32
      %parallel_loop3A_490 = arith.index_cast %parallel_loop3A_489 : i32 to index
      %parallel_loop3A_491 = arith.constant 16 : index
      %parallel_loop3A_492 = tpu.vector_load %arg7[%parallel_loop3A_490, %parallel_loop3A_491] {strides = array<i32>} : memref<512x64xf32, #tpu.memory_space<vmem>>, vector<1x16xf32>,
      %parallel_loop3A_493 = vector.shape_cast %parallel_loop3A_492 : vector<1x16xf32> to vector<16xf32>
      %parallel_loop3A_494 = arith.mulf %parallel_loop3A_483, %parallel_loop3A_493 : vector<16xf32>
      %parallel_loop3A_495 = arith.addf %parallel_loop3A_494, %parallel_loop3A_487 : vector<16xf32>
      %parallel_loop3A_496 = arith.constant 256 : i32
      %parallel_loop3A_497 = arith.addi %parallel_loop3A_496, %parallel_loop3A_456 : i32
      %parallel_loop3A_498 = arith.index_cast %parallel_loop3A_497 : i32 to index
      %parallel_loop3A_499 = arith.constant 16 : index
      %parallel_loop3A_500 = tpu.vector_load %arg7[%parallel_loop3A_498, %parallel_loop3A_499] {strides = array<i32>} : memref<512x64xf32, #tpu.memory_space<vmem>>, vector<1x16xf32>,
      %parallel_loop3A_501 = vector.shape_cast %parallel_loop3A_500 : vector<1x16xf32> to vector<16xf32>
      %parallel_loop3A_502 = vector.shape_cast %parallel_loop3A_495 : vector<16xf32> to vector<1x16xf32>
      tpu.vector_store %arg7[%parallel_loop3A_498, %parallel_loop3A_499], %parallel_loop3A_502 {strides = array<i32>} : memref<512x64xf32, #tpu.memory_space<vmem>>, vector<1x16xf32>,
      %parallel_loop3A_503 = arith.index_cast %parallel_loop3A_456 : i32 to index
      %parallel_loop3A_504 = arith.constant 32 : index
      %parallel_loop3A_505 = tpu.vector_load %arg9[%parallel_loop3A_503, %parallel_loop3A_504] {strides = array<i32>} : memref<64x128xf32, #tpu.memory_space<vmem>>, vector<1x16xf32>,
      %parallel_loop3A_506 = vector.shape_cast %parallel_loop3A_505 : vector<1x16xf32> to vector<16xf32>
      %parallel_loop3A_507 = arith.index_cast %parallel_loop3A_456 : i32 to index
      %parallel_loop3A_508 = arith.constant 96 : index
      %parallel_loop3A_509 = tpu.vector_load %arg9[%parallel_loop3A_507, %parallel_loop3A_508] {strides = array<i32>} : memref<64x128xf32, #tpu.memory_space<vmem>>, vector<1x16xf32>,
      %parallel_loop3A_510 = vector.shape_cast %parallel_loop3A_509 : vector<1x16xf32> to vector<16xf32>
      %parallel_loop3A_511 = arith.constant 256 : i32
      %parallel_loop3A_512 = arith.addi %parallel_loop3A_511, %parallel_loop3A_456 : i32
      %parallel_loop3A_513 = arith.index_cast %parallel_loop3A_512 : i32 to index
      %parallel_loop3A_514 = arith.constant 32 : index
      %parallel_loop3A_515 = tpu.vector_load %arg7[%parallel_loop3A_513, %parallel_loop3A_514] {strides = array<i32>} : memref<512x64xf32, #tpu.memory_space<vmem>>, vector<1x16xf32>,
      %parallel_loop3A_516 = vector.shape_cast %parallel_loop3A_515 : vector<1x16xf32> to vector<16xf32>
      %parallel_loop3A_517 = arith.mulf %parallel_loop3A_506, %parallel_loop3A_516 : vector<16xf32>
      %parallel_loop3A_518 = arith.addf %parallel_loop3A_517, %parallel_loop3A_510 : vector<16xf32>
      %parallel_loop3A_519 = arith.constant 256 : i32
      %parallel_loop3A_520 = arith.addi %parallel_loop3A_519, %parallel_loop3A_456 : i32
      %parallel_loop3A_521 = arith.index_cast %parallel_loop3A_520 : i32 to index
      %parallel_loop3A_522 = arith.constant 32 : index
      %parallel_loop3A_523 = tpu.vector_load %arg7[%parallel_loop3A_521, %parallel_loop3A_522] {strides = array<i32>} : memref<512x64xf32, #tpu.memory_space<vmem>>, vector<1x16xf32>,
      %parallel_loop3A_524 = vector.shape_cast %parallel_loop3A_523 : vector<1x16xf32> to vector<16xf32>
      %parallel_loop3A_525 = vector.shape_cast %parallel_loop3A_518 : vector<16xf32> to vector<1x16xf32>
      tpu.vector_store %arg7[%parallel_loop3A_521, %parallel_loop3A_522], %parallel_loop3A_525 {strides = array<i32>} : memref<512x64xf32, #tpu.memory_space<vmem>>, vector<1x16xf32>,
      %parallel_loop3A_526 = arith.index_cast %parallel_loop3A_456 : i32 to index
      %parallel_loop3A_527 = arith.constant 48 : index
      %parallel_loop3A_528 = tpu.vector_load %arg9[%parallel_loop3A_526, %parallel_loop3A_527] {strides = array<i32>} : memref<64x128xf32, #tpu.memory_space<vmem>>, vector<1x16xf32>,
      %parallel_loop3A_529 = vector.shape_cast %parallel_loop3A_528 : vector<1x16xf32> to vector<16xf32>
      %parallel_loop3A_530 = arith.index_cast %parallel_loop3A_456 : i32 to index
      %parallel_loop3A_531 = arith.constant 112 : index
      %parallel_loop3A_532 = tpu.vector_load %arg9[%parallel_loop3A_530, %parallel_loop3A_531] {strides = array<i32>} : memref<64x128xf32, #tpu.memory_space<vmem>>, vector<1x16xf32>,
      %parallel_loop3A_533 = vector.shape_cast %parallel_loop3A_532 : vector<1x16xf32> to vector<16xf32>
      %parallel_loop3A_534 = arith.constant 256 : i32
      %parallel_loop3A_535 = arith.addi %parallel_loop3A_534, %parallel_loop3A_456 : i32
      %parallel_loop3A_536 = arith.index_cast %parallel_loop3A_535 : i32 to index
      %parallel_loop3A_537 = arith.constant 48 : index
      %parallel_loop3A_538 = tpu.vector_load %arg7[%parallel_loop3A_536, %parallel_loop3A_537] {strides = array<i32>} : memref<512x64xf32, #tpu.memory_space<vmem>>, vector<1x16xf32>,
      %parallel_loop3A_539 = vector.shape_cast %parallel_loop3A_538 : vector<1x16xf32> to vector<16xf32>
      %parallel_loop3A_540 = arith.mulf %parallel_loop3A_529, %parallel_loop3A_539 : vector<16xf32>
      %parallel_loop3A_541 = arith.addf %parallel_loop3A_540, %parallel_loop3A_533 : vector<16xf32>
      %parallel_loop3A_542 = arith.constant 256 : i32
      %parallel_loop3A_543 = arith.addi %parallel_loop3A_542, %parallel_loop3A_456 : i32
      %parallel_loop3A_544 = arith.index_cast %parallel_loop3A_543 : i32 to index
      %parallel_loop3A_545 = arith.constant 48 : index
      %parallel_loop3A_546 = tpu.vector_load %arg7[%parallel_loop3A_544, %parallel_loop3A_545] {strides = array<i32>} : memref<512x64xf32, #tpu.memory_space<vmem>>, vector<1x16xf32>,
      %parallel_loop3A_547 = vector.shape_cast %parallel_loop3A_546 : vector<1x16xf32> to vector<16xf32>
      %parallel_loop3A_548 = vector.shape_cast %parallel_loop3A_541 : vector<16xf32> to vector<1x16xf32>
      tpu.vector_store %arg7[%parallel_loop3A_544, %parallel_loop3A_545], %parallel_loop3A_548 {strides = array<i32>} : memref<512x64xf32, #tpu.memory_space<vmem>>, vector<1x16xf32>,
    } {sc.loop_unroll_factor = 4 : i64, sc.parallel_access}
    %add3A_269 = arith.constant 256 : i32
    %add3A_270 = arith.addi %mul3A_2, %add3A_269 : i32
    %dma_start3A_271 = arith.constant 256 : i32
    %dma_start3A_272 = arith.constant 0 : i32
    %dma_start3A_273 = tpu.memref_slice %arg7[%dma_start3A_271, %dma_start3A_272] : memref<512x64xf32, #tpu.memory_space<vmem>> -> memref<64x64xf32, #tpu.memory_space<vmem>>
    %dma_start3A_274 = arith.constant 0 : i32
    %dma_start3A_275 = tpu.memref_slice %arg5[%add3A_270, %dma_start3A_274] : memref<16384x64xf32, #tpu.memory_space<hbm>> -> memref<64x64xf32, #tpu.memory_space<hbm>>
    %dma_start3A_276 = arith.constant 0 : i32
    %dma_start3A_277 = tpu.memref_slice %arg5[%add3A_270, %dma_start3A_276] : memref<16384x64xf32, #tpu.memory_space<hbm>> -> memref<64x64xf32, #tpu.memory_space<hbm>>
    %dma_start3A_278 = arith.constant 256 : i32
    %dma_start3A_279 = arith.constant 0 : i32
    %dma_start3A_280 = tpu.memref_slice %arg7[%dma_start3A_278, %dma_start3A_279] : memref<512x64xf32, #tpu.memory_space<vmem>> -> memref<64x64xf32, #tpu.memory_space<vmem>>
    tpu.enqueue_dma source(%dma_start3A_280 : memref<64x64xf32, #tpu.memory_space<vmem>>) target(%dma_start3A_277 : memref<64x64xf32, #tpu.memory_space<hbm>>) target_semaphore(%arg15 : memref<!tpu.dma_semaphore, #tpu.memory_space<semaphore_mem>>)
    %dma_start3A_281 = arith.constant 448 : i32
    %dma_start3A_282 = tpu.memref_slice %arg6[%dma_start3A_281] : memref<512xi32, #tpu.memory_space<vmem>> -> memref<64xi32, #tpu.memory_space<vmem>>
    %dma_start3A_283 = arith.constant 0 : i32
    %dma_start3A_284 = arith.constant 0 : i32
    %dma_start3A_285 = tpu.memref_slice %arg4[%dma_start3A_283, %dma_start3A_284] : memref<100000x128xf32, #tpu.memory_space<hbm>> -> memref<100000x128xf32, #tpu.memory_space<hbm>>
    tpu.enqueue_indirect_dma source(%dma_start3A_285 : memref<100000x128xf32, #tpu.memory_space<hbm>>) target(%arg9 : memref<64x128xf32, #tpu.memory_space<vmem>>) offsets(%dma_start3A_282 : memref<64xi32, #tpu.memory_space<vmem>>) semaphore(%arg13 : memref<!tpu.dma_semaphore, #tpu.memory_space<semaphore_mem>>)
    %dma_wait3A_286 = arith.constant 320 : i32
    %dma_wait3A_287 = tpu.memref_slice %arg6[%dma_wait3A_286] : memref<512xi32, #tpu.memory_space<vmem>> -> memref<64xi32, #tpu.memory_space<vmem>>
    %dma_wait3A_288 = arith.constant 0 : i32
    %dma_wait3A_289 = arith.constant 0 : i32
    %dma_wait3A_290 = tpu.memref_slice %arg4[%dma_wait3A_288, %dma_wait3A_289] : memref<100000x128xf32, #tpu.memory_space<hbm>> -> memref<100000x128xf32, #tpu.memory_space<hbm>>
    tpu.wait_indirect_dma semaphore(%arg14 : memref<!tpu.dma_semaphore, #tpu.memory_space<semaphore_mem>>) src(%dma_wait3A_290 : memref<100000x128xf32, #tpu.memory_space<hbm>>) dst(%arg10 : memref<64x128xf32, #tpu.memory_space<vmem>>)
    %dma_wait3A_291 = arith.constant 320 : i32
    %dma_wait3A_292 = arith.constant 0 : i32
    %dma_wait3A_293 = tpu.memref_slice %arg7[%dma_wait3A_291, %dma_wait3A_292] : memref<512x64xf32, #tpu.memory_space<vmem>> -> memref<64x64xf32, #tpu.memory_space<vmem>>
    %dma_wait3A_294 = arith.constant 0 : i32
    %dma_wait3A_295 = tpu.memref_slice %arg2[%add3A_78, %dma_wait3A_294] : memref<16384x64xf32, #tpu.memory_space<hbm>> -> memref<64x64xf32, #tpu.memory_space<hbm>>
    %dma_wait3A_296 = arith.constant 320 : i32
    %dma_wait3A_297 = arith.constant 0 : i32
    %dma_wait3A_298 = tpu.memref_slice %arg7[%dma_wait3A_296, %dma_wait3A_297] : memref<512x64xf32, #tpu.memory_space<vmem>> -> memref<64x64xf32, #tpu.memory_space<vmem>>
    %dma_wait3A_299 = arith.constant 0 : i32
    %dma_wait3A_300 = tpu.memref_slice %arg2[%add3A_78, %dma_wait3A_299] : memref<16384x64xf32, #tpu.memory_space<hbm>> -> memref<64x64xf32, #tpu.memory_space<hbm>>
    tpu.wait_dma2 semaphore(%arg11 : memref<!tpu.dma_semaphore, #tpu.memory_space<semaphore_mem>>) src(%dma_wait3A_300 : memref<64x64xf32, #tpu.memory_space<hbm>>) dst(%dma_wait3A_298 : memref<64x64xf32, #tpu.memory_space<vmem>>)
    %parallel_loop3A_301 = arith.constant 0 : i32
    %parallel_loop3A_302 = arith.constant 64 : i32
    %parallel_loop3A_303 = arith.constant 1 : i32
    scf.for %parallel_loop3A_456 = %parallel_loop3A_301 to %parallel_loop3A_302 step %parallel_loop3A_303  : i32 {
      %parallel_loop3A_457 = arith.index_cast %parallel_loop3A_456 : i32 to index
      %parallel_loop3A_458 = arith.constant 0 : index
      %parallel_loop3A_459 = tpu.vector_load %arg10[%parallel_loop3A_457, %parallel_loop3A_458] {strides = array<i32>} : memref<64x128xf32, #tpu.memory_space<vmem>>, vector<1x16xf32>,
      %parallel_loop3A_460 = vector.shape_cast %parallel_loop3A_459 : vector<1x16xf32> to vector<16xf32>
      %parallel_loop3A_461 = arith.index_cast %parallel_loop3A_456 : i32 to index
      %parallel_loop3A_462 = arith.constant 64 : index
      %parallel_loop3A_463 = tpu.vector_load %arg10[%parallel_loop3A_461, %parallel_loop3A_462] {strides = array<i32>} : memref<64x128xf32, #tpu.memory_space<vmem>>, vector<1x16xf32>,
      %parallel_loop3A_464 = vector.shape_cast %parallel_loop3A_463 : vector<1x16xf32> to vector<16xf32>
      %parallel_loop3A_465 = arith.constant 320 : i32
      %parallel_loop3A_466 = arith.addi %parallel_loop3A_465, %parallel_loop3A_456 : i32
      %parallel_loop3A_467 = arith.index_cast %parallel_loop3A_466 : i32 to index
      %parallel_loop3A_468 = arith.constant 0 : index
      %parallel_loop3A_469 = tpu.vector_load %arg7[%parallel_loop3A_467, %parallel_loop3A_468] {strides = array<i32>} : memref<512x64xf32, #tpu.memory_space<vmem>>, vector<1x16xf32>,
      %parallel_loop3A_470 = vector.shape_cast %parallel_loop3A_469 : vector<1x16xf32> to vector<16xf32>
      %parallel_loop3A_471 = arith.mulf %parallel_loop3A_460, %parallel_loop3A_470 : vector<16xf32>
      %parallel_loop3A_472 = arith.addf %parallel_loop3A_471, %parallel_loop3A_464 : vector<16xf32>
      %parallel_loop3A_473 = arith.constant 320 : i32
      %parallel_loop3A_474 = arith.addi %parallel_loop3A_473, %parallel_loop3A_456 : i32
      %parallel_loop3A_475 = arith.index_cast %parallel_loop3A_474 : i32 to index
      %parallel_loop3A_476 = arith.constant 0 : index
      %parallel_loop3A_477 = tpu.vector_load %arg7[%parallel_loop3A_475, %parallel_loop3A_476] {strides = array<i32>} : memref<512x64xf32, #tpu.memory_space<vmem>>, vector<1x16xf32>,
      %parallel_loop3A_478 = vector.shape_cast %parallel_loop3A_477 : vector<1x16xf32> to vector<16xf32>
      %parallel_loop3A_479 = vector.shape_cast %parallel_loop3A_472 : vector<16xf32> to vector<1x16xf32>
      tpu.vector_store %arg7[%parallel_loop3A_475, %parallel_loop3A_476], %parallel_loop3A_479 {strides = array<i32>} : memref<512x64xf32, #tpu.memory_space<vmem>>, vector<1x16xf32>,
      %parallel_loop3A_480 = arith.index_cast %parallel_loop3A_456 : i32 to index
      %parallel_loop3A_481 = arith.constant 16 : index
      %parallel_loop3A_482 = tpu.vector_load %arg10[%parallel_loop3A_480, %parallel_loop3A_481] {strides = array<i32>} : memref<64x128xf32, #tpu.memory_space<vmem>>, vector<1x16xf32>,
      %parallel_loop3A_483 = vector.shape_cast %parallel_loop3A_482 : vector<1x16xf32> to vector<16xf32>
      %parallel_loop3A_484 = arith.index_cast %parallel_loop3A_456 : i32 to index
      %parallel_loop3A_485 = arith.constant 80 : index
      %parallel_loop3A_486 = tpu.vector_load %arg10[%parallel_loop3A_484, %parallel_loop3A_485] {strides = array<i32>} : memref<64x128xf32, #tpu.memory_space<vmem>>, vector<1x16xf32>,
      %parallel_loop3A_487 = vector.shape_cast %parallel_loop3A_486 : vector<1x16xf32> to vector<16xf32>
      %parallel_loop3A_488 = arith.constant 320 : i32
      %parallel_loop3A_489 = arith.addi %parallel_loop3A_488, %parallel_loop3A_456 : i32
      %parallel_loop3A_490 = arith.index_cast %parallel_loop3A_489 : i32 to index
      %parallel_loop3A_491 = arith.constant 16 : index
      %parallel_loop3A_492 = tpu.vector_load %arg7[%parallel_loop3A_490, %parallel_loop3A_491] {strides = array<i32>} : memref<512x64xf32, #tpu.memory_space<vmem>>, vector<1x16xf32>,
      %parallel_loop3A_493 = vector.shape_cast %parallel_loop3A_492 : vector<1x16xf32> to vector<16xf32>
      %parallel_loop3A_494 = arith.mulf %parallel_loop3A_483, %parallel_loop3A_493 : vector<16xf32>
      %parallel_loop3A_495 = arith.addf %parallel_loop3A_494, %parallel_loop3A_487 : vector<16xf32>
      %parallel_loop3A_496 = arith.constant 320 : i32
      %parallel_loop3A_497 = arith.addi %parallel_loop3A_496, %parallel_loop3A_456 : i32
      %parallel_loop3A_498 = arith.index_cast %parallel_loop3A_497 : i32 to index
      %parallel_loop3A_499 = arith.constant 16 : index
      %parallel_loop3A_500 = tpu.vector_load %arg7[%parallel_loop3A_498, %parallel_loop3A_499] {strides = array<i32>} : memref<512x64xf32, #tpu.memory_space<vmem>>, vector<1x16xf32>,
      %parallel_loop3A_501 = vector.shape_cast %parallel_loop3A_500 : vector<1x16xf32> to vector<16xf32>
      %parallel_loop3A_502 = vector.shape_cast %parallel_loop3A_495 : vector<16xf32> to vector<1x16xf32>
      tpu.vector_store %arg7[%parallel_loop3A_498, %parallel_loop3A_499], %parallel_loop3A_502 {strides = array<i32>} : memref<512x64xf32, #tpu.memory_space<vmem>>, vector<1x16xf32>,
      %parallel_loop3A_503 = arith.index_cast %parallel_loop3A_456 : i32 to index
      %parallel_loop3A_504 = arith.constant 32 : index
      %parallel_loop3A_505 = tpu.vector_load %arg10[%parallel_loop3A_503, %parallel_loop3A_504] {strides = array<i32>} : memref<64x128xf32, #tpu.memory_space<vmem>>, vector<1x16xf32>,
      %parallel_loop3A_506 = vector.shape_cast %parallel_loop3A_505 : vector<1x16xf32> to vector<16xf32>
      %parallel_loop3A_507 = arith.index_cast %parallel_loop3A_456 : i32 to index
      %parallel_loop3A_508 = arith.constant 96 : index
      %parallel_loop3A_509 = tpu.vector_load %arg10[%parallel_loop3A_507, %parallel_loop3A_508] {strides = array<i32>} : memref<64x128xf32, #tpu.memory_space<vmem>>, vector<1x16xf32>,
      %parallel_loop3A_510 = vector.shape_cast %parallel_loop3A_509 : vector<1x16xf32> to vector<16xf32>
      %parallel_loop3A_511 = arith.constant 320 : i32
      %parallel_loop3A_512 = arith.addi %parallel_loop3A_511, %parallel_loop3A_456 : i32
      %parallel_loop3A_513 = arith.index_cast %parallel_loop3A_512 : i32 to index
      %parallel_loop3A_514 = arith.constant 32 : index
      %parallel_loop3A_515 = tpu.vector_load %arg7[%parallel_loop3A_513, %parallel_loop3A_514] {strides = array<i32>} : memref<512x64xf32, #tpu.memory_space<vmem>>, vector<1x16xf32>,
      %parallel_loop3A_516 = vector.shape_cast %parallel_loop3A_515 : vector<1x16xf32> to vector<16xf32>
      %parallel_loop3A_517 = arith.mulf %parallel_loop3A_506, %parallel_loop3A_516 : vector<16xf32>
      %parallel_loop3A_518 = arith.addf %parallel_loop3A_517, %parallel_loop3A_510 : vector<16xf32>
      %parallel_loop3A_519 = arith.constant 320 : i32
      %parallel_loop3A_520 = arith.addi %parallel_loop3A_519, %parallel_loop3A_456 : i32
      %parallel_loop3A_521 = arith.index_cast %parallel_loop3A_520 : i32 to index
      %parallel_loop3A_522 = arith.constant 32 : index
      %parallel_loop3A_523 = tpu.vector_load %arg7[%parallel_loop3A_521, %parallel_loop3A_522] {strides = array<i32>} : memref<512x64xf32, #tpu.memory_space<vmem>>, vector<1x16xf32>,
      %parallel_loop3A_524 = vector.shape_cast %parallel_loop3A_523 : vector<1x16xf32> to vector<16xf32>
      %parallel_loop3A_525 = vector.shape_cast %parallel_loop3A_518 : vector<16xf32> to vector<1x16xf32>
      tpu.vector_store %arg7[%parallel_loop3A_521, %parallel_loop3A_522], %parallel_loop3A_525 {strides = array<i32>} : memref<512x64xf32, #tpu.memory_space<vmem>>, vector<1x16xf32>,
      %parallel_loop3A_526 = arith.index_cast %parallel_loop3A_456 : i32 to index
      %parallel_loop3A_527 = arith.constant 48 : index
      %parallel_loop3A_528 = tpu.vector_load %arg10[%parallel_loop3A_526, %parallel_loop3A_527] {strides = array<i32>} : memref<64x128xf32, #tpu.memory_space<vmem>>, vector<1x16xf32>,
      %parallel_loop3A_529 = vector.shape_cast %parallel_loop3A_528 : vector<1x16xf32> to vector<16xf32>
      %parallel_loop3A_530 = arith.index_cast %parallel_loop3A_456 : i32 to index
      %parallel_loop3A_531 = arith.constant 112 : index
      %parallel_loop3A_532 = tpu.vector_load %arg10[%parallel_loop3A_530, %parallel_loop3A_531] {strides = array<i32>} : memref<64x128xf32, #tpu.memory_space<vmem>>, vector<1x16xf32>,
      %parallel_loop3A_533 = vector.shape_cast %parallel_loop3A_532 : vector<1x16xf32> to vector<16xf32>
      %parallel_loop3A_534 = arith.constant 320 : i32
      %parallel_loop3A_535 = arith.addi %parallel_loop3A_534, %parallel_loop3A_456 : i32
      %parallel_loop3A_536 = arith.index_cast %parallel_loop3A_535 : i32 to index
      %parallel_loop3A_537 = arith.constant 48 : index
      %parallel_loop3A_538 = tpu.vector_load %arg7[%parallel_loop3A_536, %parallel_loop3A_537] {strides = array<i32>} : memref<512x64xf32, #tpu.memory_space<vmem>>, vector<1x16xf32>,
      %parallel_loop3A_539 = vector.shape_cast %parallel_loop3A_538 : vector<1x16xf32> to vector<16xf32>
      %parallel_loop3A_540 = arith.mulf %parallel_loop3A_529, %parallel_loop3A_539 : vector<16xf32>
      %parallel_loop3A_541 = arith.addf %parallel_loop3A_540, %parallel_loop3A_533 : vector<16xf32>
      %parallel_loop3A_542 = arith.constant 320 : i32
      %parallel_loop3A_543 = arith.addi %parallel_loop3A_542, %parallel_loop3A_456 : i32
      %parallel_loop3A_544 = arith.index_cast %parallel_loop3A_543 : i32 to index
      %parallel_loop3A_545 = arith.constant 48 : index
      %parallel_loop3A_546 = tpu.vector_load %arg7[%parallel_loop3A_544, %parallel_loop3A_545] {strides = array<i32>} : memref<512x64xf32, #tpu.memory_space<vmem>>, vector<1x16xf32>,
      %parallel_loop3A_547 = vector.shape_cast %parallel_loop3A_546 : vector<1x16xf32> to vector<16xf32>
      %parallel_loop3A_548 = vector.shape_cast %parallel_loop3A_541 : vector<16xf32> to vector<1x16xf32>
      tpu.vector_store %arg7[%parallel_loop3A_544, %parallel_loop3A_545], %parallel_loop3A_548 {strides = array<i32>} : memref<512x64xf32, #tpu.memory_space<vmem>>, vector<1x16xf32>,
    } {sc.loop_unroll_factor = 4 : i64, sc.parallel_access}
    %add3A_304 = arith.constant 320 : i32
    %add3A_305 = arith.addi %mul3A_2, %add3A_304 : i32
    %dma_start3A_306 = arith.constant 320 : i32
    %dma_start3A_307 = arith.constant 0 : i32
    %dma_start3A_308 = tpu.memref_slice %arg7[%dma_start3A_306, %dma_start3A_307] : memref<512x64xf32, #tpu.memory_space<vmem>> -> memref<64x64xf32, #tpu.memory_space<vmem>>
    %dma_start3A_309 = arith.constant 0 : i32
    %dma_start3A_310 = tpu.memref_slice %arg5[%add3A_305, %dma_start3A_309] : memref<16384x64xf32, #tpu.memory_space<hbm>> -> memref<64x64xf32, #tpu.memory_space<hbm>>
    %dma_start3A_311 = arith.constant 0 : i32
    %dma_start3A_312 = tpu.memref_slice %arg5[%add3A_305, %dma_start3A_311] : memref<16384x64xf32, #tpu.memory_space<hbm>> -> memref<64x64xf32, #tpu.memory_space<hbm>>
    %dma_start3A_313 = arith.constant 320 : i32
    %dma_start3A_314 = arith.constant 0 : i32
    %dma_start3A_315 = tpu.memref_slice %arg7[%dma_start3A_313, %dma_start3A_314] : memref<512x64xf32, #tpu.memory_space<vmem>> -> memref<64x64xf32, #tpu.memory_space<vmem>>
    tpu.enqueue_dma source(%dma_start3A_315 : memref<64x64xf32, #tpu.memory_space<vmem>>) target(%dma_start3A_312 : memref<64x64xf32, #tpu.memory_space<hbm>>) target_semaphore(%arg15 : memref<!tpu.dma_semaphore, #tpu.memory_space<semaphore_mem>>)
    %dma_wait3A_316 = arith.constant 384 : i32
    %dma_wait3A_317 = tpu.memref_slice %arg6[%dma_wait3A_316] : memref<512xi32, #tpu.memory_space<vmem>> -> memref<64xi32, #tpu.memory_space<vmem>>
    %dma_wait3A_318 = arith.constant 0 : i32
    %dma_wait3A_319 = arith.constant 0 : i32
    %dma_wait3A_320 = tpu.memref_slice %arg4[%dma_wait3A_318, %dma_wait3A_319] : memref<100000x128xf32, #tpu.memory_space<hbm>> -> memref<100000x128xf32, #tpu.memory_space<hbm>>
    tpu.wait_indirect_dma semaphore(%arg12 : memref<!tpu.dma_semaphore, #tpu.memory_space<semaphore_mem>>) src(%dma_wait3A_320 : memref<100000x128xf32, #tpu.memory_space<hbm>>) dst(%arg8 : memref<64x128xf32, #tpu.memory_space<vmem>>)
    %dma_wait3A_321 = arith.constant 384 : i32
    %dma_wait3A_322 = arith.constant 0 : i32
    %dma_wait3A_323 = tpu.memref_slice %arg7[%dma_wait3A_321, %dma_wait3A_322] : memref<512x64xf32, #tpu.memory_space<vmem>> -> memref<64x64xf32, #tpu.memory_space<vmem>>
    %dma_wait3A_324 = arith.constant 0 : i32
    %dma_wait3A_325 = tpu.memref_slice %arg2[%add3A_90, %dma_wait3A_324] : memref<16384x64xf32, #tpu.memory_space<hbm>> -> memref<64x64xf32, #tpu.memory_space<hbm>>
    %dma_wait3A_326 = arith.constant 384 : i32
    %dma_wait3A_327 = arith.constant 0 : i32
    %dma_wait3A_328 = tpu.memref_slice %arg7[%dma_wait3A_326, %dma_wait3A_327] : memref<512x64xf32, #tpu.memory_space<vmem>> -> memref<64x64xf32, #tpu.memory_space<vmem>>
    %dma_wait3A_329 = arith.constant 0 : i32
    %dma_wait3A_330 = tpu.memref_slice %arg2[%add3A_90, %dma_wait3A_329] : memref<16384x64xf32, #tpu.memory_space<hbm>> -> memref<64x64xf32, #tpu.memory_space<hbm>>
    tpu.wait_dma2 semaphore(%arg11 : memref<!tpu.dma_semaphore, #tpu.memory_space<semaphore_mem>>) src(%dma_wait3A_330 : memref<64x64xf32, #tpu.memory_space<hbm>>) dst(%dma_wait3A_328 : memref<64x64xf32, #tpu.memory_space<vmem>>)
    %parallel_loop3A_331 = arith.constant 0 : i32
    %parallel_loop3A_332 = arith.constant 64 : i32
    %parallel_loop3A_333 = arith.constant 1 : i32
    scf.for %parallel_loop3A_456 = %parallel_loop3A_331 to %parallel_loop3A_332 step %parallel_loop3A_333  : i32 {
      %parallel_loop3A_457 = arith.index_cast %parallel_loop3A_456 : i32 to index
      %parallel_loop3A_458 = arith.constant 0 : index
      %parallel_loop3A_459 = tpu.vector_load %arg8[%parallel_loop3A_457, %parallel_loop3A_458] {strides = array<i32>} : memref<64x128xf32, #tpu.memory_space<vmem>>, vector<1x16xf32>,
      %parallel_loop3A_460 = vector.shape_cast %parallel_loop3A_459 : vector<1x16xf32> to vector<16xf32>
      %parallel_loop3A_461 = arith.index_cast %parallel_loop3A_456 : i32 to index
      %parallel_loop3A_462 = arith.constant 64 : index
      %parallel_loop3A_463 = tpu.vector_load %arg8[%parallel_loop3A_461, %parallel_loop3A_462] {strides = array<i32>} : memref<64x128xf32, #tpu.memory_space<vmem>>, vector<1x16xf32>,
      %parallel_loop3A_464 = vector.shape_cast %parallel_loop3A_463 : vector<1x16xf32> to vector<16xf32>
      %parallel_loop3A_465 = arith.constant 384 : i32
      %parallel_loop3A_466 = arith.addi %parallel_loop3A_465, %parallel_loop3A_456 : i32
      %parallel_loop3A_467 = arith.index_cast %parallel_loop3A_466 : i32 to index
      %parallel_loop3A_468 = arith.constant 0 : index
      %parallel_loop3A_469 = tpu.vector_load %arg7[%parallel_loop3A_467, %parallel_loop3A_468] {strides = array<i32>} : memref<512x64xf32, #tpu.memory_space<vmem>>, vector<1x16xf32>,
      %parallel_loop3A_470 = vector.shape_cast %parallel_loop3A_469 : vector<1x16xf32> to vector<16xf32>
      %parallel_loop3A_471 = arith.mulf %parallel_loop3A_460, %parallel_loop3A_470 : vector<16xf32>
      %parallel_loop3A_472 = arith.addf %parallel_loop3A_471, %parallel_loop3A_464 : vector<16xf32>
      %parallel_loop3A_473 = arith.constant 384 : i32
      %parallel_loop3A_474 = arith.addi %parallel_loop3A_473, %parallel_loop3A_456 : i32
      %parallel_loop3A_475 = arith.index_cast %parallel_loop3A_474 : i32 to index
      %parallel_loop3A_476 = arith.constant 0 : index
      %parallel_loop3A_477 = tpu.vector_load %arg7[%parallel_loop3A_475, %parallel_loop3A_476] {strides = array<i32>} : memref<512x64xf32, #tpu.memory_space<vmem>>, vector<1x16xf32>,
      %parallel_loop3A_478 = vector.shape_cast %parallel_loop3A_477 : vector<1x16xf32> to vector<16xf32>
      %parallel_loop3A_479 = vector.shape_cast %parallel_loop3A_472 : vector<16xf32> to vector<1x16xf32>
      tpu.vector_store %arg7[%parallel_loop3A_475, %parallel_loop3A_476], %parallel_loop3A_479 {strides = array<i32>} : memref<512x64xf32, #tpu.memory_space<vmem>>, vector<1x16xf32>,
      %parallel_loop3A_480 = arith.index_cast %parallel_loop3A_456 : i32 to index
      %parallel_loop3A_481 = arith.constant 16 : index
      %parallel_loop3A_482 = tpu.vector_load %arg8[%parallel_loop3A_480, %parallel_loop3A_481] {strides = array<i32>} : memref<64x128xf32, #tpu.memory_space<vmem>>, vector<1x16xf32>,
      %parallel_loop3A_483 = vector.shape_cast %parallel_loop3A_482 : vector<1x16xf32> to vector<16xf32>
      %parallel_loop3A_484 = arith.index_cast %parallel_loop3A_456 : i32 to index
      %parallel_loop3A_485 = arith.constant 80 : index
      %parallel_loop3A_486 = tpu.vector_load %arg8[%parallel_loop3A_484, %parallel_loop3A_485] {strides = array<i32>} : memref<64x128xf32, #tpu.memory_space<vmem>>, vector<1x16xf32>,
      %parallel_loop3A_487 = vector.shape_cast %parallel_loop3A_486 : vector<1x16xf32> to vector<16xf32>
      %parallel_loop3A_488 = arith.constant 384 : i32
      %parallel_loop3A_489 = arith.addi %parallel_loop3A_488, %parallel_loop3A_456 : i32
      %parallel_loop3A_490 = arith.index_cast %parallel_loop3A_489 : i32 to index
      %parallel_loop3A_491 = arith.constant 16 : index
      %parallel_loop3A_492 = tpu.vector_load %arg7[%parallel_loop3A_490, %parallel_loop3A_491] {strides = array<i32>} : memref<512x64xf32, #tpu.memory_space<vmem>>, vector<1x16xf32>,
      %parallel_loop3A_493 = vector.shape_cast %parallel_loop3A_492 : vector<1x16xf32> to vector<16xf32>
      %parallel_loop3A_494 = arith.mulf %parallel_loop3A_483, %parallel_loop3A_493 : vector<16xf32>
      %parallel_loop3A_495 = arith.addf %parallel_loop3A_494, %parallel_loop3A_487 : vector<16xf32>
      %parallel_loop3A_496 = arith.constant 384 : i32
      %parallel_loop3A_497 = arith.addi %parallel_loop3A_496, %parallel_loop3A_456 : i32
      %parallel_loop3A_498 = arith.index_cast %parallel_loop3A_497 : i32 to index
      %parallel_loop3A_499 = arith.constant 16 : index
      %parallel_loop3A_500 = tpu.vector_load %arg7[%parallel_loop3A_498, %parallel_loop3A_499] {strides = array<i32>} : memref<512x64xf32, #tpu.memory_space<vmem>>, vector<1x16xf32>,
      %parallel_loop3A_501 = vector.shape_cast %parallel_loop3A_500 : vector<1x16xf32> to vector<16xf32>
      %parallel_loop3A_502 = vector.shape_cast %parallel_loop3A_495 : vector<16xf32> to vector<1x16xf32>
      tpu.vector_store %arg7[%parallel_loop3A_498, %parallel_loop3A_499], %parallel_loop3A_502 {strides = array<i32>} : memref<512x64xf32, #tpu.memory_space<vmem>>, vector<1x16xf32>,
      %parallel_loop3A_503 = arith.index_cast %parallel_loop3A_456 : i32 to index
      %parallel_loop3A_504 = arith.constant 32 : index
      %parallel_loop3A_505 = tpu.vector_load %arg8[%parallel_loop3A_503, %parallel_loop3A_504] {strides = array<i32>} : memref<64x128xf32, #tpu.memory_space<vmem>>, vector<1x16xf32>,
      %parallel_loop3A_506 = vector.shape_cast %parallel_loop3A_505 : vector<1x16xf32> to vector<16xf32>
      %parallel_loop3A_507 = arith.index_cast %parallel_loop3A_456 : i32 to index
      %parallel_loop3A_508 = arith.constant 96 : index
      %parallel_loop3A_509 = tpu.vector_load %arg8[%parallel_loop3A_507, %parallel_loop3A_508] {strides = array<i32>} : memref<64x128xf32, #tpu.memory_space<vmem>>, vector<1x16xf32>,
      %parallel_loop3A_510 = vector.shape_cast %parallel_loop3A_509 : vector<1x16xf32> to vector<16xf32>
      %parallel_loop3A_511 = arith.constant 384 : i32
      %parallel_loop3A_512 = arith.addi %parallel_loop3A_511, %parallel_loop3A_456 : i32
      %parallel_loop3A_513 = arith.index_cast %parallel_loop3A_512 : i32 to index
      %parallel_loop3A_514 = arith.constant 32 : index
      %parallel_loop3A_515 = tpu.vector_load %arg7[%parallel_loop3A_513, %parallel_loop3A_514] {strides = array<i32>} : memref<512x64xf32, #tpu.memory_space<vmem>>, vector<1x16xf32>,
      %parallel_loop3A_516 = vector.shape_cast %parallel_loop3A_515 : vector<1x16xf32> to vector<16xf32>
      %parallel_loop3A_517 = arith.mulf %parallel_loop3A_506, %parallel_loop3A_516 : vector<16xf32>
      %parallel_loop3A_518 = arith.addf %parallel_loop3A_517, %parallel_loop3A_510 : vector<16xf32>
      %parallel_loop3A_519 = arith.constant 384 : i32
      %parallel_loop3A_520 = arith.addi %parallel_loop3A_519, %parallel_loop3A_456 : i32
      %parallel_loop3A_521 = arith.index_cast %parallel_loop3A_520 : i32 to index
      %parallel_loop3A_522 = arith.constant 32 : index
      %parallel_loop3A_523 = tpu.vector_load %arg7[%parallel_loop3A_521, %parallel_loop3A_522] {strides = array<i32>} : memref<512x64xf32, #tpu.memory_space<vmem>>, vector<1x16xf32>,
      %parallel_loop3A_524 = vector.shape_cast %parallel_loop3A_523 : vector<1x16xf32> to vector<16xf32>
      %parallel_loop3A_525 = vector.shape_cast %parallel_loop3A_518 : vector<16xf32> to vector<1x16xf32>
      tpu.vector_store %arg7[%parallel_loop3A_521, %parallel_loop3A_522], %parallel_loop3A_525 {strides = array<i32>} : memref<512x64xf32, #tpu.memory_space<vmem>>, vector<1x16xf32>,
      %parallel_loop3A_526 = arith.index_cast %parallel_loop3A_456 : i32 to index
      %parallel_loop3A_527 = arith.constant 48 : index
      %parallel_loop3A_528 = tpu.vector_load %arg8[%parallel_loop3A_526, %parallel_loop3A_527] {strides = array<i32>} : memref<64x128xf32, #tpu.memory_space<vmem>>, vector<1x16xf32>,
      %parallel_loop3A_529 = vector.shape_cast %parallel_loop3A_528 : vector<1x16xf32> to vector<16xf32>
      %parallel_loop3A_530 = arith.index_cast %parallel_loop3A_456 : i32 to index
      %parallel_loop3A_531 = arith.constant 112 : index
      %parallel_loop3A_532 = tpu.vector_load %arg8[%parallel_loop3A_530, %parallel_loop3A_531] {strides = array<i32>} : memref<64x128xf32, #tpu.memory_space<vmem>>, vector<1x16xf32>,
      %parallel_loop3A_533 = vector.shape_cast %parallel_loop3A_532 : vector<1x16xf32> to vector<16xf32>
      %parallel_loop3A_534 = arith.constant 384 : i32
      %parallel_loop3A_535 = arith.addi %parallel_loop3A_534, %parallel_loop3A_456 : i32
      %parallel_loop3A_536 = arith.index_cast %parallel_loop3A_535 : i32 to index
      %parallel_loop3A_537 = arith.constant 48 : index
      %parallel_loop3A_538 = tpu.vector_load %arg7[%parallel_loop3A_536, %parallel_loop3A_537] {strides = array<i32>} : memref<512x64xf32, #tpu.memory_space<vmem>>, vector<1x16xf32>,
      %parallel_loop3A_539 = vector.shape_cast %parallel_loop3A_538 : vector<1x16xf32> to vector<16xf32>
      %parallel_loop3A_540 = arith.mulf %parallel_loop3A_529, %parallel_loop3A_539 : vector<16xf32>
      %parallel_loop3A_541 = arith.addf %parallel_loop3A_540, %parallel_loop3A_533 : vector<16xf32>
      %parallel_loop3A_542 = arith.constant 384 : i32
      %parallel_loop3A_543 = arith.addi %parallel_loop3A_542, %parallel_loop3A_456 : i32
      %parallel_loop3A_544 = arith.index_cast %parallel_loop3A_543 : i32 to index
      %parallel_loop3A_545 = arith.constant 48 : index
      %parallel_loop3A_546 = tpu.vector_load %arg7[%parallel_loop3A_544, %parallel_loop3A_545] {strides = array<i32>} : memref<512x64xf32, #tpu.memory_space<vmem>>, vector<1x16xf32>,
      %parallel_loop3A_547 = vector.shape_cast %parallel_loop3A_546 : vector<1x16xf32> to vector<16xf32>
      %parallel_loop3A_548 = vector.shape_cast %parallel_loop3A_541 : vector<16xf32> to vector<1x16xf32>
      tpu.vector_store %arg7[%parallel_loop3A_544, %parallel_loop3A_545], %parallel_loop3A_548 {strides = array<i32>} : memref<512x64xf32, #tpu.memory_space<vmem>>, vector<1x16xf32>,
    } {sc.loop_unroll_factor = 4 : i64, sc.parallel_access}
    %add3A_334 = arith.constant 384 : i32
    %add3A_335 = arith.addi %mul3A_2, %add3A_334 : i32
    %dma_start3A_336 = arith.constant 384 : i32
    %dma_start3A_337 = arith.constant 0 : i32
    %dma_start3A_338 = tpu.memref_slice %arg7[%dma_start3A_336, %dma_start3A_337] : memref<512x64xf32, #tpu.memory_space<vmem>> -> memref<64x64xf32, #tpu.memory_space<vmem>>
    %dma_start3A_339 = arith.constant 0 : i32
    %dma_start3A_340 = tpu.memref_slice %arg5[%add3A_335, %dma_start3A_339] : memref<16384x64xf32, #tpu.memory_space<hbm>> -> memref<64x64xf32, #tpu.memory_space<hbm>>
    %dma_start3A_341 = arith.constant 0 : i32
    %dma_start3A_342 = tpu.memref_slice %arg5[%add3A_335, %dma_start3A_341] : memref<16384x64xf32, #tpu.memory_space<hbm>> -> memref<64x64xf32, #tpu.memory_space<hbm>>
    %dma_start3A_343 = arith.constant 384 : i32
    %dma_start3A_344 = arith.constant 0 : i32
    %dma_start3A_345 = tpu.memref_slice %arg7[%dma_start3A_343, %dma_start3A_344] : memref<512x64xf32, #tpu.memory_space<vmem>> -> memref<64x64xf32, #tpu.memory_space<vmem>>
    tpu.enqueue_dma source(%dma_start3A_345 : memref<64x64xf32, #tpu.memory_space<vmem>>) target(%dma_start3A_342 : memref<64x64xf32, #tpu.memory_space<hbm>>) target_semaphore(%arg15 : memref<!tpu.dma_semaphore, #tpu.memory_space<semaphore_mem>>)
    %dma_wait3A_346 = arith.constant 448 : i32
    %dma_wait3A_347 = tpu.memref_slice %arg6[%dma_wait3A_346] : memref<512xi32, #tpu.memory_space<vmem>> -> memref<64xi32, #tpu.memory_space<vmem>>
    %dma_wait3A_348 = arith.constant 0 : i32
    %dma_wait3A_349 = arith.constant 0 : i32
    %dma_wait3A_350 = tpu.memref_slice %arg4[%dma_wait3A_348, %dma_wait3A_349] : memref<100000x128xf32, #tpu.memory_space<hbm>> -> memref<100000x128xf32, #tpu.memory_space<hbm>>
    tpu.wait_indirect_dma semaphore(%arg13 : memref<!tpu.dma_semaphore, #tpu.memory_space<semaphore_mem>>) src(%dma_wait3A_350 : memref<100000x128xf32, #tpu.memory_space<hbm>>) dst(%arg9 : memref<64x128xf32, #tpu.memory_space<vmem>>)
    %dma_wait3A_351 = arith.constant 448 : i32
    %dma_wait3A_352 = arith.constant 0 : i32
    %dma_wait3A_353 = tpu.memref_slice %arg7[%dma_wait3A_351, %dma_wait3A_352] : memref<512x64xf32, #tpu.memory_space<vmem>> -> memref<64x64xf32, #tpu.memory_space<vmem>>
    %dma_wait3A_354 = arith.constant 0 : i32
    %dma_wait3A_355 = tpu.memref_slice %arg2[%add3A_102, %dma_wait3A_354] : memref<16384x64xf32, #tpu.memory_space<hbm>> -> memref<64x64xf32, #tpu.memory_space<hbm>>
    %dma_wait3A_356 = arith.constant 448 : i32
    %dma_wait3A_357 = arith.constant 0 : i32
    %dma_wait3A_358 = tpu.memref_slice %arg7[%dma_wait3A_356, %dma_wait3A_357] : memref<512x64xf32, #tpu.memory_space<vmem>> -> memref<64x64xf32, #tpu.memory_space<vmem>>
    %dma_wait3A_359 = arith.constant 0 : i32
    %dma_wait3A_360 = tpu.memref_slice %arg2[%add3A_102, %dma_wait3A_359] : memref<16384x64xf32, #tpu.memory_space<hbm>> -> memref<64x64xf32, #tpu.memory_space<hbm>>
    tpu.wait_dma2 semaphore(%arg11 : memref<!tpu.dma_semaphore, #tpu.memory_space<semaphore_mem>>) src(%dma_wait3A_360 : memref<64x64xf32, #tpu.memory_space<hbm>>) dst(%dma_wait3A_358 : memref<64x64xf32, #tpu.memory_space<vmem>>)
    %parallel_loop3A_361 = arith.constant 0 : i32
    %parallel_loop3A_362 = arith.constant 64 : i32
    %parallel_loop3A_363 = arith.constant 1 : i32
    scf.for %parallel_loop3A_456 = %parallel_loop3A_361 to %parallel_loop3A_362 step %parallel_loop3A_363  : i32 {
      %parallel_loop3A_457 = arith.index_cast %parallel_loop3A_456 : i32 to index
      %parallel_loop3A_458 = arith.constant 0 : index
      %parallel_loop3A_459 = tpu.vector_load %arg9[%parallel_loop3A_457, %parallel_loop3A_458] {strides = array<i32>} : memref<64x128xf32, #tpu.memory_space<vmem>>, vector<1x16xf32>,
      %parallel_loop3A_460 = vector.shape_cast %parallel_loop3A_459 : vector<1x16xf32> to vector<16xf32>
      %parallel_loop3A_461 = arith.index_cast %parallel_loop3A_456 : i32 to index
      %parallel_loop3A_462 = arith.constant 64 : index
      %parallel_loop3A_463 = tpu.vector_load %arg9[%parallel_loop3A_461, %parallel_loop3A_462] {strides = array<i32>} : memref<64x128xf32, #tpu.memory_space<vmem>>, vector<1x16xf32>,
      %parallel_loop3A_464 = vector.shape_cast %parallel_loop3A_463 : vector<1x16xf32> to vector<16xf32>
      %parallel_loop3A_465 = arith.constant 448 : i32
      %parallel_loop3A_466 = arith.addi %parallel_loop3A_465, %parallel_loop3A_456 : i32
      %parallel_loop3A_467 = arith.index_cast %parallel_loop3A_466 : i32 to index
      %parallel_loop3A_468 = arith.constant 0 : index
      %parallel_loop3A_469 = tpu.vector_load %arg7[%parallel_loop3A_467, %parallel_loop3A_468] {strides = array<i32>} : memref<512x64xf32, #tpu.memory_space<vmem>>, vector<1x16xf32>,
      %parallel_loop3A_470 = vector.shape_cast %parallel_loop3A_469 : vector<1x16xf32> to vector<16xf32>
      %parallel_loop3A_471 = arith.mulf %parallel_loop3A_460, %parallel_loop3A_470 : vector<16xf32>
      %parallel_loop3A_472 = arith.addf %parallel_loop3A_471, %parallel_loop3A_464 : vector<16xf32>
      %parallel_loop3A_473 = arith.constant 448 : i32
      %parallel_loop3A_474 = arith.addi %parallel_loop3A_473, %parallel_loop3A_456 : i32
      %parallel_loop3A_475 = arith.index_cast %parallel_loop3A_474 : i32 to index
      %parallel_loop3A_476 = arith.constant 0 : index
      %parallel_loop3A_477 = tpu.vector_load %arg7[%parallel_loop3A_475, %parallel_loop3A_476] {strides = array<i32>} : memref<512x64xf32, #tpu.memory_space<vmem>>, vector<1x16xf32>,
      %parallel_loop3A_478 = vector.shape_cast %parallel_loop3A_477 : vector<1x16xf32> to vector<16xf32>
      %parallel_loop3A_479 = vector.shape_cast %parallel_loop3A_472 : vector<16xf32> to vector<1x16xf32>
      tpu.vector_store %arg7[%parallel_loop3A_475, %parallel_loop3A_476], %parallel_loop3A_479 {strides = array<i32>} : memref<512x64xf32, #tpu.memory_space<vmem>>, vector<1x16xf32>,
      %parallel_loop3A_480 = arith.index_cast %parallel_loop3A_456 : i32 to index
      %parallel_loop3A_481 = arith.constant 16 : index
      %parallel_loop3A_482 = tpu.vector_load %arg9[%parallel_loop3A_480, %parallel_loop3A_481] {strides = array<i32>} : memref<64x128xf32, #tpu.memory_space<vmem>>, vector<1x16xf32>,
      %parallel_loop3A_483 = vector.shape_cast %parallel_loop3A_482 : vector<1x16xf32> to vector<16xf32>
      %parallel_loop3A_484 = arith.index_cast %parallel_loop3A_456 : i32 to index
      %parallel_loop3A_485 = arith.constant 80 : index
      %parallel_loop3A_486 = tpu.vector_load %arg9[%parallel_loop3A_484, %parallel_loop3A_485] {strides = array<i32>} : memref<64x128xf32, #tpu.memory_space<vmem>>, vector<1x16xf32>,
      %parallel_loop3A_487 = vector.shape_cast %parallel_loop3A_486 : vector<1x16xf32> to vector<16xf32>
      %parallel_loop3A_488 = arith.constant 448 : i32
      %parallel_loop3A_489 = arith.addi %parallel_loop3A_488, %parallel_loop3A_456 : i32
      %parallel_loop3A_490 = arith.index_cast %parallel_loop3A_489 : i32 to index
      %parallel_loop3A_491 = arith.constant 16 : index
      %parallel_loop3A_492 = tpu.vector_load %arg7[%parallel_loop3A_490, %parallel_loop3A_491] {strides = array<i32>} : memref<512x64xf32, #tpu.memory_space<vmem>>, vector<1x16xf32>,
      %parallel_loop3A_493 = vector.shape_cast %parallel_loop3A_492 : vector<1x16xf32> to vector<16xf32>
      %parallel_loop3A_494 = arith.mulf %parallel_loop3A_483, %parallel_loop3A_493 : vector<16xf32>
      %parallel_loop3A_495 = arith.addf %parallel_loop3A_494, %parallel_loop3A_487 : vector<16xf32>
      %parallel_loop3A_496 = arith.constant 448 : i32
      %parallel_loop3A_497 = arith.addi %parallel_loop3A_496, %parallel_loop3A_456 : i32
      %parallel_loop3A_498 = arith.index_cast %parallel_loop3A_497 : i32 to index
      %parallel_loop3A_499 = arith.constant 16 : index
      %parallel_loop3A_500 = tpu.vector_load %arg7[%parallel_loop3A_498, %parallel_loop3A_499] {strides = array<i32>} : memref<512x64xf32, #tpu.memory_space<vmem>>, vector<1x16xf32>,
      %parallel_loop3A_501 = vector.shape_cast %parallel_loop3A_500 : vector<1x16xf32> to vector<16xf32>
      %parallel_loop3A_502 = vector.shape_cast %parallel_loop3A_495 : vector<16xf32> to vector<1x16xf32>
      tpu.vector_store %arg7[%parallel_loop3A_498, %parallel_loop3A_499], %parallel_loop3A_502 {strides = array<i32>} : memref<512x64xf32, #tpu.memory_space<vmem>>, vector<1x16xf32>,
      %parallel_loop3A_503 = arith.index_cast %parallel_loop3A_456 : i32 to index
      %parallel_loop3A_504 = arith.constant 32 : index
      %parallel_loop3A_505 = tpu.vector_load %arg9[%parallel_loop3A_503, %parallel_loop3A_504] {strides = array<i32>} : memref<64x128xf32, #tpu.memory_space<vmem>>, vector<1x16xf32>,
      %parallel_loop3A_506 = vector.shape_cast %parallel_loop3A_505 : vector<1x16xf32> to vector<16xf32>
      %parallel_loop3A_507 = arith.index_cast %parallel_loop3A_456 : i32 to index
      %parallel_loop3A_508 = arith.constant 96 : index
      %parallel_loop3A_509 = tpu.vector_load %arg9[%parallel_loop3A_507, %parallel_loop3A_508] {strides = array<i32>} : memref<64x128xf32, #tpu.memory_space<vmem>>, vector<1x16xf32>,
      %parallel_loop3A_510 = vector.shape_cast %parallel_loop3A_509 : vector<1x16xf32> to vector<16xf32>
      %parallel_loop3A_511 = arith.constant 448 : i32
      %parallel_loop3A_512 = arith.addi %parallel_loop3A_511, %parallel_loop3A_456 : i32
      %parallel_loop3A_513 = arith.index_cast %parallel_loop3A_512 : i32 to index
      %parallel_loop3A_514 = arith.constant 32 : index
      %parallel_loop3A_515 = tpu.vector_load %arg7[%parallel_loop3A_513, %parallel_loop3A_514] {strides = array<i32>} : memref<512x64xf32, #tpu.memory_space<vmem>>, vector<1x16xf32>,
      %parallel_loop3A_516 = vector.shape_cast %parallel_loop3A_515 : vector<1x16xf32> to vector<16xf32>
      %parallel_loop3A_517 = arith.mulf %parallel_loop3A_506, %parallel_loop3A_516 : vector<16xf32>
      %parallel_loop3A_518 = arith.addf %parallel_loop3A_517, %parallel_loop3A_510 : vector<16xf32>
      %parallel_loop3A_519 = arith.constant 448 : i32
      %parallel_loop3A_520 = arith.addi %parallel_loop3A_519, %parallel_loop3A_456 : i32
      %parallel_loop3A_521 = arith.index_cast %parallel_loop3A_520 : i32 to index
      %parallel_loop3A_522 = arith.constant 32 : index
      %parallel_loop3A_523 = tpu.vector_load %arg7[%parallel_loop3A_521, %parallel_loop3A_522] {strides = array<i32>} : memref<512x64xf32, #tpu.memory_space<vmem>>, vector<1x16xf32>,
      %parallel_loop3A_524 = vector.shape_cast %parallel_loop3A_523 : vector<1x16xf32> to vector<16xf32>
      %parallel_loop3A_525 = vector.shape_cast %parallel_loop3A_518 : vector<16xf32> to vector<1x16xf32>
      tpu.vector_store %arg7[%parallel_loop3A_521, %parallel_loop3A_522], %parallel_loop3A_525 {strides = array<i32>} : memref<512x64xf32, #tpu.memory_space<vmem>>, vector<1x16xf32>,
      %parallel_loop3A_526 = arith.index_cast %parallel_loop3A_456 : i32 to index
      %parallel_loop3A_527 = arith.constant 48 : index
      %parallel_loop3A_528 = tpu.vector_load %arg9[%parallel_loop3A_526, %parallel_loop3A_527] {strides = array<i32>} : memref<64x128xf32, #tpu.memory_space<vmem>>, vector<1x16xf32>,
      %parallel_loop3A_529 = vector.shape_cast %parallel_loop3A_528 : vector<1x16xf32> to vector<16xf32>
      %parallel_loop3A_530 = arith.index_cast %parallel_loop3A_456 : i32 to index
      %parallel_loop3A_531 = arith.constant 112 : index
      %parallel_loop3A_532 = tpu.vector_load %arg9[%parallel_loop3A_530, %parallel_loop3A_531] {strides = array<i32>} : memref<64x128xf32, #tpu.memory_space<vmem>>, vector<1x16xf32>,
      %parallel_loop3A_533 = vector.shape_cast %parallel_loop3A_532 : vector<1x16xf32> to vector<16xf32>
      %parallel_loop3A_534 = arith.constant 448 : i32
      %parallel_loop3A_535 = arith.addi %parallel_loop3A_534, %parallel_loop3A_456 : i32
      %parallel_loop3A_536 = arith.index_cast %parallel_loop3A_535 : i32 to index
      %parallel_loop3A_537 = arith.constant 48 : index
      %parallel_loop3A_538 = tpu.vector_load %arg7[%parallel_loop3A_536, %parallel_loop3A_537] {strides = array<i32>} : memref<512x64xf32, #tpu.memory_space<vmem>>, vector<1x16xf32>,
      %parallel_loop3A_539 = vector.shape_cast %parallel_loop3A_538 : vector<1x16xf32> to vector<16xf32>
      %parallel_loop3A_540 = arith.mulf %parallel_loop3A_529, %parallel_loop3A_539 : vector<16xf32>
      %parallel_loop3A_541 = arith.addf %parallel_loop3A_540, %parallel_loop3A_533 : vector<16xf32>
      %parallel_loop3A_542 = arith.constant 448 : i32
      %parallel_loop3A_543 = arith.addi %parallel_loop3A_542, %parallel_loop3A_456 : i32
      %parallel_loop3A_544 = arith.index_cast %parallel_loop3A_543 : i32 to index
      %parallel_loop3A_545 = arith.constant 48 : index
      %parallel_loop3A_546 = tpu.vector_load %arg7[%parallel_loop3A_544, %parallel_loop3A_545] {strides = array<i32>} : memref<512x64xf32, #tpu.memory_space<vmem>>, vector<1x16xf32>,
      %parallel_loop3A_547 = vector.shape_cast %parallel_loop3A_546 : vector<1x16xf32> to vector<16xf32>
      %parallel_loop3A_548 = vector.shape_cast %parallel_loop3A_541 : vector<16xf32> to vector<1x16xf32>
      tpu.vector_store %arg7[%parallel_loop3A_544, %parallel_loop3A_545], %parallel_loop3A_548 {strides = array<i32>} : memref<512x64xf32, #tpu.memory_space<vmem>>, vector<1x16xf32>,
    } {sc.loop_unroll_factor = 4 : i64, sc.parallel_access}
    %add3A_364 = arith.constant 448 : i32
    %add3A_365 = arith.addi %mul3A_2, %add3A_364 : i32
    %dma_start3A_366 = arith.constant 448 : i32
    %dma_start3A_367 = arith.constant 0 : i32
    %dma_start3A_368 = tpu.memref_slice %arg7[%dma_start3A_366, %dma_start3A_367] : memref<512x64xf32, #tpu.memory_space<vmem>> -> memref<64x64xf32, #tpu.memory_space<vmem>>
    %dma_start3A_369 = arith.constant 0 : i32
    %dma_start3A_370 = tpu.memref_slice %arg5[%add3A_365, %dma_start3A_369] : memref<16384x64xf32, #tpu.memory_space<hbm>> -> memref<64x64xf32, #tpu.memory_space<hbm>>
    %dma_start3A_371 = arith.constant 0 : i32
    %dma_start3A_372 = tpu.memref_slice %arg5[%add3A_365, %dma_start3A_371] : memref<16384x64xf32, #tpu.memory_space<hbm>> -> memref<64x64xf32, #tpu.memory_space<hbm>>
    %dma_start3A_373 = arith.constant 448 : i32
    %dma_start3A_374 = arith.constant 0 : i32
    %dma_start3A_375 = tpu.memref_slice %arg7[%dma_start3A_373, %dma_start3A_374] : memref<512x64xf32, #tpu.memory_space<vmem>> -> memref<64x64xf32, #tpu.memory_space<vmem>>
    tpu.enqueue_dma source(%dma_start3A_375 : memref<64x64xf32, #tpu.memory_space<vmem>>) target(%dma_start3A_372 : memref<64x64xf32, #tpu.memory_space<hbm>>) target_semaphore(%arg15 : memref<!tpu.dma_semaphore, #tpu.memory_space<semaphore_mem>>)
    %dma_wait3A_376 = arith.constant 0 : i32
    %dma_wait3A_377 = arith.constant 0 : i32
    %dma_wait3A_378 = tpu.memref_slice %arg7[%dma_wait3A_376, %dma_wait3A_377] : memref<512x64xf32, #tpu.memory_space<vmem>> -> memref<64x64xf32, #tpu.memory_space<vmem>>
    %dma_wait3A_379 = arith.constant 0 : i32
    %dma_wait3A_380 = tpu.memref_slice %arg5[%add3A_130, %dma_wait3A_379] : memref<16384x64xf32, #tpu.memory_space<hbm>> -> memref<64x64xf32, #tpu.memory_space<hbm>>
    %dma_wait3A_381 = arith.constant 0 : i32
    %dma_wait3A_382 = tpu.memref_slice %arg5[%add3A_130, %dma_wait3A_381] : memref<16384x64xf32, #tpu.memory_space<hbm>> -> memref<64x64xf32, #tpu.memory_space<hbm>>
    %dma_wait3A_383 = arith.constant 0 : i32
    %dma_wait3A_384 = arith.constant 0 : i32
    %dma_wait3A_385 = tpu.memref_slice %arg7[%dma_wait3A_383, %dma_wait3A_384] : memref<512x64xf32, #tpu.memory_space<vmem>> -> memref<64x64xf32, #tpu.memory_space<vmem>>
    tpu.wait_dma2 semaphore(%arg15 : memref<!tpu.dma_semaphore, #tpu.memory_space<semaphore_mem>>) src(%dma_wait3A_385 : memref<64x64xf32, #tpu.memory_space<vmem>>) dst(%dma_wait3A_382 : memref<64x64xf32, #tpu.memory_space<hbm>>)
    %dma_wait3A_386 = arith.constant 64 : i32
    %dma_wait3A_387 = arith.constant 0 : i32
    %dma_wait3A_388 = tpu.memref_slice %arg7[%dma_wait3A_386, %dma_wait3A_387] : memref<512x64xf32, #tpu.memory_space<vmem>> -> memref<64x64xf32, #tpu.memory_space<vmem>>
    %dma_wait3A_389 = arith.constant 0 : i32
    %dma_wait3A_390 = tpu.memref_slice %arg5[%add3A_165, %dma_wait3A_389] : memref<16384x64xf32, #tpu.memory_space<hbm>> -> memref<64x64xf32, #tpu.memory_space<hbm>>
    %dma_wait3A_391 = arith.constant 0 : i32
    %dma_wait3A_392 = tpu.memref_slice %arg5[%add3A_165, %dma_wait3A_391] : memref<16384x64xf32, #tpu.memory_space<hbm>> -> memref<64x64xf32, #tpu.memory_space<hbm>>
    %dma_wait3A_393 = arith.constant 64 : i32
    %dma_wait3A_394 = arith.constant 0 : i32
    %dma_wait3A_395 = tpu.memref_slice %arg7[%dma_wait3A_393, %dma_wait3A_394] : memref<512x64xf32, #tpu.memory_space<vmem>> -> memref<64x64xf32, #tpu.memory_space<vmem>>
    tpu.wait_dma2 semaphore(%arg15 : memref<!tpu.dma_semaphore, #tpu.memory_space<semaphore_mem>>) src(%dma_wait3A_395 : memref<64x64xf32, #tpu.memory_space<vmem>>) dst(%dma_wait3A_392 : memref<64x64xf32, #tpu.memory_space<hbm>>)
    %dma_wait3A_396 = arith.constant 128 : i32
    %dma_wait3A_397 = arith.constant 0 : i32
    %dma_wait3A_398 = tpu.memref_slice %arg7[%dma_wait3A_396, %dma_wait3A_397] : memref<512x64xf32, #tpu.memory_space<vmem>> -> memref<64x64xf32, #tpu.memory_space<vmem>>
    %dma_wait3A_399 = arith.constant 0 : i32
    %dma_wait3A_400 = tpu.memref_slice %arg5[%add3A_200, %dma_wait3A_399] : memref<16384x64xf32, #tpu.memory_space<hbm>> -> memref<64x64xf32, #tpu.memory_space<hbm>>
    %dma_wait3A_401 = arith.constant 0 : i32
    %dma_wait3A_402 = tpu.memref_slice %arg5[%add3A_200, %dma_wait3A_401] : memref<16384x64xf32, #tpu.memory_space<hbm>> -> memref<64x64xf32, #tpu.memory_space<hbm>>
    %dma_wait3A_403 = arith.constant 128 : i32
    %dma_wait3A_404 = arith.constant 0 : i32
    %dma_wait3A_405 = tpu.memref_slice %arg7[%dma_wait3A_403, %dma_wait3A_404] : memref<512x64xf32, #tpu.memory_space<vmem>> -> memref<64x64xf32, #tpu.memory_space<vmem>>
    tpu.wait_dma2 semaphore(%arg15 : memref<!tpu.dma_semaphore, #tpu.memory_space<semaphore_mem>>) src(%dma_wait3A_405 : memref<64x64xf32, #tpu.memory_space<vmem>>) dst(%dma_wait3A_402 : memref<64x64xf32, #tpu.memory_space<hbm>>)
    %dma_wait3A_406 = arith.constant 192 : i32
    %dma_wait3A_407 = arith.constant 0 : i32
    %dma_wait3A_408 = tpu.memref_slice %arg7[%dma_wait3A_406, %dma_wait3A_407] : memref<512x64xf32, #tpu.memory_space<vmem>> -> memref<64x64xf32, #tpu.memory_space<vmem>>
    %dma_wait3A_409 = arith.constant 0 : i32
    %dma_wait3A_410 = tpu.memref_slice %arg5[%add3A_235, %dma_wait3A_409] : memref<16384x64xf32, #tpu.memory_space<hbm>> -> memref<64x64xf32, #tpu.memory_space<hbm>>
    %dma_wait3A_411 = arith.constant 0 : i32
    %dma_wait3A_412 = tpu.memref_slice %arg5[%add3A_235, %dma_wait3A_411] : memref<16384x64xf32, #tpu.memory_space<hbm>> -> memref<64x64xf32, #tpu.memory_space<hbm>>
    %dma_wait3A_413 = arith.constant 192 : i32
    %dma_wait3A_414 = arith.constant 0 : i32
    %dma_wait3A_415 = tpu.memref_slice %arg7[%dma_wait3A_413, %dma_wait3A_414] : memref<512x64xf32, #tpu.memory_space<vmem>> -> memref<64x64xf32, #tpu.memory_space<vmem>>
    tpu.wait_dma2 semaphore(%arg15 : memref<!tpu.dma_semaphore, #tpu.memory_space<semaphore_mem>>) src(%dma_wait3A_415 : memref<64x64xf32, #tpu.memory_space<vmem>>) dst(%dma_wait3A_412 : memref<64x64xf32, #tpu.memory_space<hbm>>)
    %dma_wait3A_416 = arith.constant 256 : i32
    %dma_wait3A_417 = arith.constant 0 : i32
    %dma_wait3A_418 = tpu.memref_slice %arg7[%dma_wait3A_416, %dma_wait3A_417] : memref<512x64xf32, #tpu.memory_space<vmem>> -> memref<64x64xf32, #tpu.memory_space<vmem>>
    %dma_wait3A_419 = arith.constant 0 : i32
    %dma_wait3A_420 = tpu.memref_slice %arg5[%add3A_270, %dma_wait3A_419] : memref<16384x64xf32, #tpu.memory_space<hbm>> -> memref<64x64xf32, #tpu.memory_space<hbm>>
    %dma_wait3A_421 = arith.constant 0 : i32
    %dma_wait3A_422 = tpu.memref_slice %arg5[%add3A_270, %dma_wait3A_421] : memref<16384x64xf32, #tpu.memory_space<hbm>> -> memref<64x64xf32, #tpu.memory_space<hbm>>
    %dma_wait3A_423 = arith.constant 256 : i32
    %dma_wait3A_424 = arith.constant 0 : i32
    %dma_wait3A_425 = tpu.memref_slice %arg7[%dma_wait3A_423, %dma_wait3A_424] : memref<512x64xf32, #tpu.memory_space<vmem>> -> memref<64x64xf32, #tpu.memory_space<vmem>>
    tpu.wait_dma2 semaphore(%arg15 : memref<!tpu.dma_semaphore, #tpu.memory_space<semaphore_mem>>) src(%dma_wait3A_425 : memref<64x64xf32, #tpu.memory_space<vmem>>) dst(%dma_wait3A_422 : memref<64x64xf32, #tpu.memory_space<hbm>>)
    %dma_wait3A_426 = arith.constant 320 : i32
    %dma_wait3A_427 = arith.constant 0 : i32
    %dma_wait3A_428 = tpu.memref_slice %arg7[%dma_wait3A_426, %dma_wait3A_427] : memref<512x64xf32, #tpu.memory_space<vmem>> -> memref<64x64xf32, #tpu.memory_space<vmem>>
    %dma_wait3A_429 = arith.constant 0 : i32
    %dma_wait3A_430 = tpu.memref_slice %arg5[%add3A_305, %dma_wait3A_429] : memref<16384x64xf32, #tpu.memory_space<hbm>> -> memref<64x64xf32, #tpu.memory_space<hbm>>
    %dma_wait3A_431 = arith.constant 0 : i32
    %dma_wait3A_432 = tpu.memref_slice %arg5[%add3A_305, %dma_wait3A_431] : memref<16384x64xf32, #tpu.memory_space<hbm>> -> memref<64x64xf32, #tpu.memory_space<hbm>>
    %dma_wait3A_433 = arith.constant 320 : i32
    %dma_wait3A_434 = arith.constant 0 : i32
    %dma_wait3A_435 = tpu.memref_slice %arg7[%dma_wait3A_433, %dma_wait3A_434] : memref<512x64xf32, #tpu.memory_space<vmem>> -> memref<64x64xf32, #tpu.memory_space<vmem>>
    tpu.wait_dma2 semaphore(%arg15 : memref<!tpu.dma_semaphore, #tpu.memory_space<semaphore_mem>>) src(%dma_wait3A_435 : memref<64x64xf32, #tpu.memory_space<vmem>>) dst(%dma_wait3A_432 : memref<64x64xf32, #tpu.memory_space<hbm>>)
    %dma_wait3A_436 = arith.constant 384 : i32
    %dma_wait3A_437 = arith.constant 0 : i32
    %dma_wait3A_438 = tpu.memref_slice %arg7[%dma_wait3A_436, %dma_wait3A_437] : memref<512x64xf32, #tpu.memory_space<vmem>> -> memref<64x64xf32, #tpu.memory_space<vmem>>
    %dma_wait3A_439 = arith.constant 0 : i32
    %dma_wait3A_440 = tpu.memref_slice %arg5[%add3A_335, %dma_wait3A_439] : memref<16384x64xf32, #tpu.memory_space<hbm>> -> memref<64x64xf32, #tpu.memory_space<hbm>>
    %dma_wait3A_441 = arith.constant 0 : i32
    %dma_wait3A_442 = tpu.memref_slice %arg5[%add3A_335, %dma_wait3A_441] : memref<16384x64xf32, #tpu.memory_space<hbm>> -> memref<64x64xf32, #tpu.memory_space<hbm>>
    %dma_wait3A_443 = arith.constant 384 : i32
    %dma_wait3A_444 = arith.constant 0 : i32
    %dma_wait3A_445 = tpu.memref_slice %arg7[%dma_wait3A_443, %dma_wait3A_444] : memref<512x64xf32, #tpu.memory_space<vmem>> -> memref<64x64xf32, #tpu.memory_space<vmem>>
    tpu.wait_dma2 semaphore(%arg15 : memref<!tpu.dma_semaphore, #tpu.memory_space<semaphore_mem>>) src(%dma_wait3A_445 : memref<64x64xf32, #tpu.memory_space<vmem>>) dst(%dma_wait3A_442 : memref<64x64xf32, #tpu.memory_space<hbm>>)
    %dma_wait3A_446 = arith.constant 448 : i32
    %dma_wait3A_447 = arith.constant 0 : i32
    %dma_wait3A_448 = tpu.memref_slice %arg7[%dma_wait3A_446, %dma_wait3A_447] : memref<512x64xf32, #tpu.memory_space<vmem>> -> memref<64x64xf32, #tpu.memory_space<vmem>>
    %dma_wait3A_449 = arith.constant 0 : i32
    %dma_wait3A_450 = tpu.memref_slice %arg5[%add3A_365, %dma_wait3A_449] : memref<16384x64xf32, #tpu.memory_space<hbm>> -> memref<64x64xf32, #tpu.memory_space<hbm>>
    %dma_wait3A_451 = arith.constant 0 : i32
    %dma_wait3A_452 = tpu.memref_slice %arg5[%add3A_365, %dma_wait3A_451] : memref<16384x64xf32, #tpu.memory_space<hbm>> -> memref<64x64xf32, #tpu.memory_space<hbm>>
    %dma_wait3A_453 = arith.constant 448 : i32
    %dma_wait3A_454 = arith.constant 0 : i32
    %dma_wait3A_455 = tpu.memref_slice %arg7[%dma_wait3A_453, %dma_wait3A_454] : memref<512x64xf32, #tpu.memory_space<vmem>> -> memref<64x64xf32, #tpu.memory_space<vmem>>
    tpu.wait_dma2 semaphore(%arg15 : memref<!tpu.dma_semaphore, #tpu.memory_space<semaphore_mem>>) src(%dma_wait3A_455 : memref<64x64xf32, #tpu.memory_space<vmem>>) dst(%dma_wait3A_452 : memref<64x64xf32, #tpu.memory_space<hbm>>)
    return
  }
}

</mosaic_0001>

<sc_bundles>
// kernel: _film.3.cloned.1.call-start
scs
__scs_entry_jumppad:
0x0: {  	(pc) =	sbr.rel $0x88, $3  }
0x1: {  	(tag) =	ssettag $0x0;
	lr =	simm.s32 $0x1  }
0x2: {  	[smem:$0x3F9E] =	sst lr;
	_ =	strace $0xD0000000  }
0x3: {  	_ = 	snop  }
0x4: {  	_ = 	snop  }
0x5: {  	_ = 	snop  }
0x6: {  	_ = 	snop  }
0x7: {  	_ = 	snop  }
__scs_overlays_trampoline_lowered:
0x8: {  	[smem:$0x3FAD] =	sst s0  }
0x9: {  	[smem:$0x3FAE] =	sst s1  }
0xa: {  	[smem:$0x3FAF] =	sst s2  }
0xb: {  	[smem:$0x3FB0] =	sst s3  }
0xc: {  	[smem:$0x3FB1] =	sst s4  }
0xd: {  	[smem:$0x3FB2] =	sst s5  }
0xe: {  	[smem:$0x3FB3] =	sst s6  }
0xf: {  	[smem:$0x3FB4] =	sst s7  }
0x10: {  	[smem:$0x3FB5] =	sst s8  }
0x11: {  	[smem:$0x3FB6] =	sst s9;
	s0 =	simm.s32 @!p0 $0x0  }
0x12: {  	s1 =	sld [smem:$0x3F9C];
	s0 =	simm.s32 @p0 $0x1  }
0x13: {  	[smem:$0x3FB7] =	sst s0;
	s0 =	simm.s32 @!p1 $0x0  }
0x14: {  	s2 =	sld [smem:$0x3F9B];
	s0 =	simm.s32 @p1 $0x1  }
0x15: {  	[smem:$0x3FB8] =	sst s0;
	s0 =	simm.s32 @!p2 $0x0  }
0x16: {  	s3 =	sld [smem:$0x3FDB];
	s0 =	simm.s32 @p2 $0x1  }
0x17: {  	s4 =	simm.s32 $0x1BF5;
	[smem:$0x3FBA] =	sst s0  }
0x18: {  	s0 =	sld [smem:$0x3F9D];
	_ =	swait.ge [sflag:s4], $0x0  }
0x19: {  	s7 =	sld [smem:$0x3F9E]  }
0x1a: {  	s8 =	sadd.s32 $0xFFFFE003, lr  }
0x1b: {  	s9 =	sadd.s32 $0xFFFFFEF7, lr;
	s5 =	simm.s32 $0xFFFFFFFF;
	p2 =	slt.u32 s8, $0xFFFFF086  }
0x1c: {  	p1 =	slt.u32 s9, $0xF7A;
	s5 =	simm.s32 @!p2 $0x0  }
0x1d: {  	s5 =	simm.s32 @p1 $0x1;
	p0 =	seq.s32 s7, s2  }
0x1e: {  	s7 =	smul.u32 @!p0 $0xF7A, s2;
	p2 =	seq.s32 @!p0 s5, $0x0  }
0x1f: {  	s9 =	smul.u32 $0xF7A, s1;
	s8 =	simm.s32 @!p0 $0x1BF5;
	p2 =	por !p2, p0  }
0x20: {  	[sflag:s8] =	ssyncset.s32 @!p0 $0xFFFFF086;
	s6 =	sadd.s32 @!p0 s3, s7;
	s7 =	simm.s32 @!p0 $0x108  }
0x21: {  	s3 =	sadd.s32 s3, s9;
	s6 =	sadd.s32 @!p0 $0x88, s6;
	s7 =	simm.s32 @p2 $0x1082  }
0x22: {  	[simem:s7], [sflag:s8] =	dma.local @!p0 [hbm:s6], $0xF7A  }
0x23: {  	s9 =	sor.u32 $0xD0000000, s2;
	s6 =	simm.s32 $0x108;
	_ =	swait.ge @!p0 [sflag:s8], $0x0  }
0x24: {  	s3 =	sadd.s32 $0x88, s3;
	s6 =	simm.s32 @!p1 $0x1082;
	[sflag:s4] =	ssyncset.s32 $0xFFFFF086  }
0x25: {  	[simem:s6], [sflag:s4] =	dma.local [hbm:s3], $0xF7A  }
0x26: {  	[smem:$0x3F9E] =	sst s1;
	(tag) =	ssettag s2;
	_ =	strace s9  }
0x27: {  	s1 =	sld [smem:$0x3FAE]  }
0x28: {  	s2 =	sld [smem:$0x3FAF]  }
0x29: {  	s4 =	sld [smem:$0x3FB1]  }
0x2a: {  	p0 =	seq.s32 s5, $0x0;
	s5 =	sld [smem:$0x3FB2]  }
0x2b: {  	s6 =	sld [smem:$0x3FB3]  }
0x2c: {  	s7 =	sld [smem:$0x3FB4]  }
0x2d: {  	s3 =	simm.s32 $0x108;
	s8 =	sld [smem:$0x3FB5]  }
0x2e: {  	s3 =	simm.s32 @!p0 $0x1082;
	s9 =	sld [smem:$0x3FB6]  }
0x2f: {  	lr =	sadd.s32 s0, s3;
	s0 =	sld [smem:$0x3FAD]  }
0x30: {  	s3 =	sld [smem:$0x3FB0]  }
0x31: {  	[smem:$0x3FB9] =	sst s10  }
0x32: {  	s10 =	sld [smem:$0x3FB7];
	_ =	sdelay $0x3  }
0x33: {  	p0 =	seq.s32 s10, $0x1;
	s10 =	sld [smem:$0x3FB9];
	_ =	sdelay $0x3  }
0x34: {  	[smem:$0x3FB9] =	sst s10  }
0x35: {  	s10 =	sld [smem:$0x3FB8];
	_ =	sdelay $0x3  }
0x36: {  	p1 =	seq.s32 s10, $0x1;
	s10 =	sld [smem:$0x3FB9];
	_ =	sdelay $0x3  }
0x37: {  	[smem:$0x3FB9] =	sst s10  }
0x38: {  	s10 =	sld [smem:$0x3FBA]  }
0x39: {  	_ = 	snop;
	(pc) =	sbr.ind lr, $3  }
0x3a: {  	_ = 	snop  }
0x3b: {  	_ = 	snop  }
0x3c: {  	p2 =	seq.s32 s10, $0x1;
	s10 =	sld [smem:$0x3FB9]  }
0x3d: {  	_ =	shalt  }
0x3e: {  	_ =	shalt  }
0x3f: {  	_ =	shalt  }
0x40: {  	_ =	shalt  }
0x41: {  	_ =	shalt  }
0x42: {  	_ =	shalt  }
0x43: {  	_ =	shalt  }
0x44: {  	_ =	shalt  }
0x45: {  	_ =	shalt  }
0x46: {  	_ =	shalt  }
0x47: {  	_ =	shalt  }
0x48: {  	_ =	shalt  }
0x49: {  	_ =	shalt  }
0x4a: {  	_ =	shalt  }
0x4b: {  	_ =	shalt  }
0x4c: {  	_ =	shalt  }
0x4d: {  	_ =	shalt  }
0x4e: {  	_ =	shalt  }
0x4f: {  	_ =	shalt  }
0x50: {  	_ =	shalt  }
0x51: {  	_ =	shalt  }
0x52: {  	_ =	shalt  }
0x53: {  	_ =	shalt  }
0x54: {  	_ =	shalt  }
0x55: {  	_ =	shalt  }
0x56: {  	_ =	shalt  }
0x57: {  	_ =	shalt  }
0x58: {  	_ =	shalt  }
0x59: {  	_ =	shalt  }
0x5a: {  	_ =	shalt  }
0x5b: {  	_ =	shalt  }
0x5c: {  	_ =	shalt  }
0x5d: {  	_ =	shalt  }
0x5e: {  	_ =	shalt  }
0x5f: {  	_ =	shalt  }
0x60: {  	_ =	shalt  }
0x61: {  	_ =	shalt  }
0x62: {  	_ =	shalt  }
0x63: {  	_ =	shalt  }
0x64: {  	_ =	shalt  }
0x65: {  	_ =	shalt  }
0x66: {  	_ =	shalt  }
0x67: {  	_ =	shalt  }
0x68: {  	_ =	shalt  }
0x69: {  	_ =	shalt  }
0x6a: {  	_ =	shalt  }
0x6b: {  	_ =	shalt  }
0x6c: {  	_ =	shalt  }
0x6d: {  	_ =	shalt  }
0x6e: {  	_ =	shalt  }
0x6f: {  	_ =	shalt  }
0x70: {  	_ =	shalt  }
0x71: {  	_ =	shalt  }
0x72: {  	_ =	shalt  }
0x73: {  	_ =	shalt  }
0x74: {  	_ =	shalt  }
0x75: {  	_ =	shalt  }
0x76: {  	_ =	shalt  }
0x77: {  	_ =	shalt  }
0x78: {  	_ =	shalt  }
0x79: {  	_ =	shalt  }
0x7a: {  	_ =	shalt  }
0x7b: {  	_ =	shalt  }
0x7c: {  	_ =	shalt  }
0x7d: {  	_ =	shalt  }
0x7e: {  	_ =	shalt  }
0x7f: {  	_ =	shalt  }
0x80: {  	_ =	shalt  }
0x81: {  	_ =	shalt  }
0x82: {  	_ =	shalt  }
0x83: {  	_ =	shalt  }
0x84: {  	_ =	shalt  }
0x85: {  	_ =	shalt  }
0x86: {  	_ =	shalt  }
0x87: {  	_ =	shalt  }
.Lfunc_end0:
.L_simem_size_0:
called_computation_lowered:
.L_overlay_start_0:
0x88: {  	s2 =	sld [smem:$0x3FD9]  }
0x89: {  	s3 =	sld [smem:$0x3FFE];
	_ =	sdelay $0x1  }
0x8a: {  	s1 =	srdreg.scid  }
0x8b: {  	s0 =	sand.u32 $0x1, s1  }
0x8c: {  	s17 =	sshll.u32 s0, $0xA;
	s2 =	sadd.s32 s3, s2  }
0x8d: {  	s2 =	sadd.s32 s2, s17  }
0x8e: {  	[smem:$0x3FC5] =	sst s2  }
0x8f: {  	_ = 	snop  }
0x90: {  	s2 =	sld [smem:$0x3FC8]  }
0x91: {  	s18 =	sld [smem:$0x3FC7];
	(tm) =	ssettm $0x1  }
0x92: {  	s4 =	sld [smem:$0x3FFB];
	_ =	sdelay $0x3  }
0x93: {  	_ =	strace s4  }
0x94: {  	s4 =	sld [smem:$0x3FFC];
	_ =	sdelay $0x3  }
0x95: {  	_ =	strace s4  }
0x96: {  	s4 =	sld [smem:$0x3FFD];
	_ =	sdelay $0x3  }
0x97: {  	_ =	strace s4  }
0x98: {  	_ =	strace $0x8FFFFFFF  }
0x99: {  	s19 =	sld [smem:$0x3FDB];
	_ =	sdelay $0x1  }
0x9a: {  	s5 =	simm.s32 $_scs_section_size  }
0x9b: {  	s6 =	simm.s32 $_size__tile_overlayer_lowered;
	s7 =	simm.s32 $_tile_overlayer_lowered  }
0x9c: {  	s22 =	simm.s32 $0x1BFF;
	s21 =	sshll.u32 s7, $0x1;
	s4 =	sadd.s32 s5, s19  }
0x9d: {  	s8 =	simm.s32 $0x0;
	s20 =	sshll.u32 s6, $0x1;
	s6 =	sadd.s32 s21, s4  }
0x9e: {  	[timem:s8], [sflag:s22] =	dma.local [hbm:s6], s20  }
0x9f: {  	_ =	swait.ge [sflag:s22], s20  }
0xa0: {  	s5 =	ssub.s32 $0x0, s20;
	[sflag:s22] =	ssyncset.done $0x0  }
0xa1: {  	[sflag:s22] =	ssyncadd.s32 s5;
	_ =	sdelay $0x1  }
0xa2: {  	s23 =	simm.s32 $0x1B8B  }
0xa3: {  	_ =	swait.ge [sflag:s23], $0x1  }
0xa4: {  	[sflag:s23] =	ssyncset.done $0x0  }
0xa5: {  	s25 =	simm.s32 $0x1B8E;
	s24 =	sld [smem:$0x3FFE];
	[sflag:s23] =	ssyncadd.s32 $0xFFFFFFFF  }
0xa6: {  	s26 =	simm.s32 $execute0_lowered;
	[smem:$0x3FD2] =	sst s25  }
0xa7: {  	s6 =	sshll.u32 s26, $0x1;
	_ =	strace $0x80000046;
	[dreg:$0x1] =	wrdreg $0xFFFFFFFF  }
0xa8: {  	s28 =	simm.s32 $_size_execute0_lowered;
	s4 =	sadd.s32 s4, s6;
	[dreg:$0x0] =	wrdreg $0x0  }
0xa9: {  	s6 =	sshll.u32 s28, $0x1;
	[dreg:$0x2] =	wrdreg s4  }
0xaa: {  	[dreg:$0x3] =	wrdreg s6  }
0xab: {  	[dreg:$0x4] =	wrdreg $0xC0  }
0xac: {  	_ =	task [dreg:s8], $0x5FFFF  }
0xad: {  	[dreg:$0x1] =	wrdreg $0xFFFFFFFF  }
0xae: {  	[dreg:$0x0] =	wrdreg $0x60  }
0xaf: {  	[dreg:$0x2] =	wrdreg s24  }
0xb0: {  	[dreg:$0x3] =	wrdreg s2  }
0xb1: {  	[dreg:$0x4] =	wrdreg s18  }
0xb2: {  	[dreg:$0x5] =	wrdreg $0x9  }
0xb3: {  	_ =	task.clear_ibuf [dreg:s8], $0x6FFFF;
	_ =	strace $0x90000046  }
0xb4: {  	s29 =	simm.s32 $0x9;
	_ =	strace $0x80000048  }
0xb5: {  	_ =	swait.ge [sflag:s29], $0x1  }
0xb6: {  	[sflag:s29] =	ssyncadd.s32 $0xFFFFFFFF  }
0xb7: {  	_ =	strace $0x90000048  }
0xb8: {  	_ =	sfence  }
0xb9: {  	s30 =	sld [smem:$0x0];
	_ =	sdelay $0x2  }
0xba: {  	s31 =	sshll.u32 s1, $0xD;
	s1 =	sshrl.u32 s1, $0x2  }
0xbb: {  	s3 =	sand.u32 $0x4000, s31;
	s1 =	sadd.s32 s1, s30  }
0xbc: {  	s0 =	sor.u32 s3, s0;
	s1 =	sshll.u32 s1, $0x11  }
0xbd: {  	s0 =	sor.u32 s1, s0  }
0xbe: {  	s0 =	sadd.s32 $0x8F2B, s0  }
0xbf: {  	[sflag:s0] =	ssyncadd.remote.s32 $0x1  }
0xc0: {  	_ =	sfence.sel $0xFFFF  }
0xc1: {  	[dreg:$0x0] =	wrdreg $0xFFFFFFFF;
	(pc) =	sbr.abs _section_cstart, $3  }
0xc2: {  	[dreg:$0x1] =	wrdreg $0xFFFFFFFF  }
0xc3: {  	_ =	task.clear_ibuf [dreg:s8], $0x2FFFF;
	_ =	strace $0x9FFFFFFF  }
0xc4: {  	(tm) =	ssettm $0x7FFFFFFF  }
0xc5: {  	_ =	shalt  }
tec
execute0_lowered:
.L_overlay_start_1:
0x0: {  	(tag) =	ssettag $0x1  }
0x1: {  	s0 =	rddreg [dreg:$0x0]  }
0x2: {  	s2 =	rddreg [dreg:$0x1]  }
0x3: {  	s1 =	rddreg [dreg:$0x2];
	s3 =	simm.s32 $0x0;
	s4 =	srdreg.scid  }
0x4: {  	s6 =	stileid.u32;
	s28 =	simm.s32 $0x14200;
	s29 =	simm.s32 $0x2200  }
0x5: {  	s30 =	simm.s32 $0x2;
	s31 =	simm.s32 $0x1;
	[smem:$0x7FF] =	sst s3  }
0x6: {  	s4 =	sand.u32 $0x1, s4;
	s5 =	sadd.s32 $0x400, s0;
	s6 =	sshll.u32 s6, $0xA  }
0x7: {  	s0 =	sadd.s32 $0x40400, s0;
	s7 =	sshll.u32 s4, $0x9;
	s4 =	ssub.s32 $0x2, s4  }
0x8: {  	_ =	strace $0x80000047;
	s6 =	sor.u32 s7, s6;
	s20 =	sshrl.u32 s4, $0x1  }
0x9: {  	s7 =	simm.s32 $0xE200;
	s8 =	sshrl.u32 s6, $0x3;
	s6 =	sshll.u32 s6, $0x4  }
0xa: {  	s4 =	ssub.s32 s4, s20;
	s2 =	sadd.s32 s2, s8;
	s21 =	sor.u32 $0x400, s6  }
0xb: {  	s22 =	sadd.s32 s5, s6;
	s24 =	sor.u32 $0x800, s6;
	s26 =	sor.u32 $0xC00, s6  }
0xc: {  	s17 =	sor.u32 $0x1000, s6;
	s18 =	sor.u32 $0x1400, s6;
	s19 =	sor.u32 $0x1800, s6  }
0xd: {  	s20 =	sor.u32 $0x1C00, s6;
	s13 =	sadd.s32 s0, s6;
	[dreg:$0x4] =	wrdreg s2  }
0xe: {  	[dreg:$0x5] =	wrdreg s22;
	s23 =	sadd.s32 s5, s21;
	s25 =	sadd.s32 s5, s24  }
0xf: {  	s9 =	sadd.s32 s5, s26;
	s10 =	sadd.s32 s5, s18;
	s11 =	sadd.s32 s5, s19  }
0x10: {  	s12 =	sadd.s32 s5, s20;
	s14 =	sadd.s32 s0, s21;
	s15 =	sadd.s32 s0, s24  }
0x11: {  	s16 =	sadd.s32 s0, s26;
	s18 =	sadd.s32 s0, s18;
	s19 =	sadd.s32 s0, s19  }
0x12: {  	s20 =	sadd.s32 s0, s20;
	s21 =	smax.u32 s4, $0x1;
	s22 =	simm.s32 $0x6  }
0x13: {  	s24 =	simm.s32 $0x10200;
	s2 =	simm.s32 $0x4;
	[dreg:$0x6] =	wrdreg s23  }
0x14: {  	s26 =	simm.s32 $0x5;
	s4 =	simm.s32 $0x0;
	[dreg:$0x7] =	wrdreg s25  }
0x15: {  	[dreg:$0x8] =	wrdreg s9;
	s9 =	sadd.s32 s5, s17;
	s17 =	sadd.s32 s0, s17  }
0x16: {  	s23 =	simm.s32 $0x40;
	s25 =	simm.s32 $0x12200;
	s0 =	simm.s32 $0x3  }
.LBB2_1:
0x17: {  	s5 =	rddreg [dreg:$0x4]  }
0x18: {  	[tilespmem:s3], [sflag:$0x6] =	stream.linear.gather [hbm4b:s5+s3], $0x200, $0x38;
	[tilespmem:$0x16200] =	vst v63  }
0x19: {  	_ =	swait.ge [sflag:s22], $0x200  }
0x1a: {  	[sflag:s22] =	ssyncset.done $0x0  }
0x1b: {  	[sflag:s22] =	ssyncadd.s32 $0xFFFFFE00  }
0x1c: {  	[tilespmem:s24], [sflag:$0x2] =	stream.indirect.gather [hbm4b:s1+s23], $0x80, s3, s23, $0xb8;
	[tilespmem:$0x16200] =	vst v63  }
0x1d: {  	_ = 	snop  }
0x1e: {  	[tilespmem:s25], [sflag:$0x3] =	stream.indirect.gather [hbm4b:s1+s23], $0x80, s23, s23, $0xb8;
	[tilespmem:$0x16200] =	vst v63  }
0x1f: {  	s6 =	simm.s32 $0x80  }
0x20: {  	[tilespmem:s28], [sflag:$0x4] =	stream.indirect.gather [hbm4b:s1+s23], $0x80, s6, s23, $0xb8;
	[tilespmem:$0x16200] =	vst v63  }
0x21: {  	s8 =	rddreg [dreg:$0x5];
	s6 =	simm.s32 $0x200  }
0x22: {  	[tilespmem:s6], [sflag:$0x1] =	stream.linear.gather [hbm4b:s8+s3], $0x2000, $0x38;
	[tilespmem:$0x16200] =	vst v63  }
0x23: {  	s8 =	rddreg [dreg:$0x6]  }
0x24: {  	[tilespmem:s29], [sflag:$0x1] =	stream.linear.gather [hbm4b:s8+s3], $0x2000, $0x38;
	[tilespmem:$0x16200] =	vst v63  }
0x25: {  	s6 =	rddreg [dreg:$0x7];
	s8 =	simm.s32 $0x4200  }
0x26: {  	[tilespmem:s8], [sflag:$0x1] =	stream.linear.gather [hbm4b:s6+s3], $0x2000, $0x38;
	[tilespmem:$0x16200] =	vst v63  }
0x27: {  	s6 =	rddreg [dreg:$0x8];
	s8 =	simm.s32 $0x6200  }
0x28: {  	[tilespmem:s8], [sflag:$0x1] =	stream.linear.gather [hbm4b:s6+s3], $0x2000, $0x38;
	[tilespmem:$0x16200] =	vst v63  }
0x29: {  	s6 =	simm.s32 $0x8200  }
0x2a: {  	[tilespmem:s6], [sflag:$0x1] =	stream.linear.gather [hbm4b:s9+s3], $0x2000, $0x38;
	[tilespmem:$0x16200] =	vst v63  }
0x2b: {  	s8 =	simm.s32 $0xA200  }
0x2c: {  	[tilespmem:s8], [sflag:$0x1] =	stream.linear.gather [hbm4b:s10+s3], $0x2000, $0x38;
	[tilespmem:$0x16200] =	vst v63  }
0x2d: {  	s6 =	simm.s32 $0xC200  }
0x2e: {  	[tilespmem:s6], [sflag:$0x1] =	stream.linear.gather [hbm4b:s11+s3], $0x2000, $0x38;
	[tilespmem:$0x16200] =	vst v63  }
0x2f: {  	_ = 	snop  }
0x30: {  	[tilespmem:s7], [sflag:$0x1] =	stream.linear.gather [hbm4b:s12+s3], $0x2000, $0x38;
	[tilespmem:$0x16200] =	vst v63  }
0x31: {  	_ =	swait.ge [sflag:s30], $0x2000  }
0x32: {  	[sflag:s30] =	ssyncset.done $0x0  }
0x33: {  	[sflag:s30] =	ssyncadd.s32 $0xFFFFE000  }
0x34: {  	_ =	swait.ge [sflag:s31], $0x2000  }
0x35: {  	[sflag:s31] =	ssyncset.done $0x0  }
0x36: {  	s8 =	simm.s32 $0x10300;
	[sflag:s31] =	ssyncadd.s32 $0xFFFFE000  }
0x37: {  	s28 =	simm.s32 $0x300;
	v0 =	vld [tilespmem:s8+$0x80]  }
0x38: {  	v1 =	vld [tilespmem:s28+$0x80]  }
0x39: {  	v2 =	vld [tilespmem:s8+$0xC0]  }
0x3a: {  	v3 =	vld [tilespmem:s28+$0xFFFFFF00]  }
0x3b: {  	v4 =	vld [tilespmem:s28+$0xFFFFFF80]  }
0x3c: {  	v5 =	vld [tilespmem:s8+$0xFFFFFF40]  }
0x3d: {  	v7 =	vld [tilespmem:s8+$0x0]  }
0x3e: {  	v9 =	vld [tilespmem:s28+$0x0]  }
0x3f: {  	v10 =	vld [tilespmem:s8+$0x40]  }
0x40: {  	v11 =	vld [tilespmem:s28+$0xFFFFFF30]  }
0x41: {  	s5 =	simm.s32 $0x500;
	v12 =	vld [tilespmem:s28+$0x30]  }
0x42: {  	s29 =	simm.s32 $0x10500;
	v14 =	vld [tilespmem:s5+$0xFFFFFF80];
	v0 =	vmul.f32 v1, v0  }
0x43: {  	v15 =	vld [tilespmem:s29+$0xFFFFFF40]  }
0x44: {  	v0 =	vadd.f32 v0, v2;
	v2 =	vld [tilespmem:s8+$0xFFFFFF00]  }
0x45: {  	v17 =	vld [tilespmem:s29+$0x0]  }
0x46: {  	[tilespmem:s28+$0x80] =	vst v0;
	v0 =	vld [tilespmem:s28+$0x90]  }
0x47: {  	v6 =	vld [tilespmem:s8+$0x90]  }
0x48: {  	v19 =	vld [tilespmem:s5+$0x0]  }
0x49: {  	v8 =	vld [tilespmem:s8+$0xD0];
	v2 =	vmul.f32 v3, v2  }
0x4a: {  	v1 =	vld [tilespmem:s8+$0xFFFFFF80]  }
0x4b: {  	v3 =	vld [tilespmem:s8+$0xFFFFFFC0];
	v2 =	vadd.f32 v2, v5  }
0x4c: {  	v5 =	vld [tilespmem:s28+$0xFFFFFF10];
	v0 =	vmul.f32 v0, v6  }
0x4d: {  	v6 =	vld [tilespmem:s28+$0xFFFFFF90];
	[tilespmem:s28+$0xFFFFFF00] =	vst v2  }
0x4e: {  	v0 =	vadd.f32 v0, v8;
	v2 =	vld [tilespmem:s8+$0xFFFFFF10]  }
0x4f: {  	v1 =	vmul.f32 v4, v1;
	v4 =	vld [tilespmem:s8+$0xFFFFFF50]  }
0x50: {  	v8 =	vld [tilespmem:s28+$0x10];
	[tilespmem:s28+$0x90] =	vst v0;
	v0 =	vmul.f32 v9, v7  }
0x51: {  	v1 =	vadd.f32 v1, v3;
	v7 =	vld [tilespmem:s28+$0xA0]  }
0x52: {  	v3 =	vld [tilespmem:s8+$0xA0];
	v0 =	vadd.f32 v0, v10  }
0x53: {  	[tilespmem:s28+$0xFFFFFF80] =	vst v1;
	v1 =	vmul.f32 v5, v2;
	v2 =	vld [tilespmem:s8+$0xE0]  }
0x54: {  	[tilespmem:s28+$0x0] =	vst v0;
	v0 =	vld [tilespmem:s8+$0xFFFFFF90]  }
0x55: {  	v5 =	vld [tilespmem:s8+$0x10]  }
0x56: {  	v1 =	vadd.f32 v1, v4;
	v4 =	vld [tilespmem:s8+$0xFFFFFFD0]  }
0x57: {  	v3 =	vmul.f32 v7, v3;
	v7 =	vld [tilespmem:s8+$0x50]  }
0x58: {  	v20 =	vld [tilespmem:s29+$0x40]  }
0x59: {  	[tilespmem:s28+$0xFFFFFF10] =	vst v1;
	v1 =	vld [tilespmem:s28+$0xFFFFFF20];
	v0 =	vmul.f32 v6, v0  }
0x5a: {  	v2 =	vadd.f32 v3, v2;
	v3 =	vld [tilespmem:s8+$0xFFFFFF20];
	v5 =	vmul.f32 v8, v5  }
0x5b: {  	v9 =	vld [tilespmem:s28+$0xFFFFFFA0];
	v0 =	vadd.f32 v0, v4  }
0x5c: {  	v4 =	vld [tilespmem:s28+$0x20];
	v5 =	vadd.f32 v5, v7  }
0x5d: {  	[tilespmem:s28+$0xFFFFFF90] =	vst v0;
	v0 =	vld [tilespmem:s8+$0xFFFFFF60]  }
0x5e: {  	[tilespmem:s28+$0x10] =	vst v5;
	v5 =	vld [tilespmem:s8+$0xFFFFFFA0]  }
0x5f: {  	v1 =	vmul.f32 v1, v3;
	v3 =	vld [tilespmem:s8+$0xFFFFFFE0]  }
0x60: {  	v8 =	vld [tilespmem:s8+$0x20]  }
0x61: {  	v48 =	vld [tilespmem:s5+$0xFFFFFF10]  }
0x62: {  	v10 =	vld [tilespmem:s8+$0x60]  }
0x63: {  	v49 =	vld [tilespmem:s5+$0xFFFFFF90];
	v0 =	vadd.f32 v1, v0;
	v1 =	vmul.f32 v9, v5  }
0x64: {  	v51 =	vld [tilespmem:s5+$0xA0]  }
0x65: {  	v52 =	vld [tilespmem:s5+$0x10];
	[tilespmem:s28+$0xFFFFFF20] =	vst v0;
	v0 =	vmul.f32 v4, v8;
	v1 =	vadd.f32 v1, v3  }
0x66: {  	v3 =	vld [tilespmem:s29+$0x80]  }
0x67: {  	v0 =	vadd.f32 v0, v10;
	[tilespmem:s28+$0xFFFFFFA0] =	vst v1;
	v1 =	vld [tilespmem:s5+$0x80]  }
0x68: {  	v56 =	vld [tilespmem:s5+$0xFFFFFFA0]  }
0x69: {  	[tilespmem:s28+$0x20] =	vst v0;
	v0 =	vld [tilespmem:s29+$0xC0]  }
0x6a: {  	v57 =	vld [tilespmem:s5+$0xB0]  }
0x6b: {  	[tilespmem:s28+$0xA0] =	vst v2;
	v2 =	vld [tilespmem:s28+$0xB0]  }
0x6c: {  	v6 =	vld [tilespmem:s8+$0xB0];
	v1 =	vmul.f32 v1, v3  }
0x6d: {  	v7 =	vld [tilespmem:s8+$0xF0]  }
0x6e: {  	v4 =	vld [tilespmem:s5+$0xFFFFFF00];
	v0 =	vadd.f32 v1, v0  }
0x6f: {  	v1 =	vld [tilespmem:s29+$0xFFFFFF00]  }
0x70: {  	[tilespmem:s5+$0x80] =	vst v0;
	v0 =	vld [tilespmem:s5+$0x90]  }
0x71: {  	v16 =	vld [tilespmem:s29+$0x90]  }
0x72: {  	v59 =	vld [tilespmem:s5+$0x20]  }
0x73: {  	v2 =	vmul.f32 v2, v6;
	v18 =	vld [tilespmem:s29+$0xD0]  }
0x74: {  	v3 =	vld [tilespmem:s29+$0xFFFFFF80]  }
0x75: {  	v7 =	vadd.f32 v2, v7;
	v2 =	vld [tilespmem:s5+$0xFFFFFFB0];
	v1 =	vmul.f32 v4, v1  }
0x76: {  	v4 =	vld [tilespmem:s29+$0xFFFFFFC0];
	v0 =	vmul.f32 v0, v16  }
0x77: {  	v9 =	vld [tilespmem:s28+$0xFFFFFFB0];
	v1 =	vadd.f32 v1, v15  }
0x78: {  	v5 =	vld [tilespmem:s8+$0xFFFFFF30];
	v0 =	vadd.f32 v0, v18  }
0x79: {  	v8 =	vld [tilespmem:s8+$0xFFFFFF70];
	v3 =	vmul.f32 v14, v3;
	[tilespmem:s5+$0xFFFFFF00] =	vst v1  }
0x7a: {  	v1 =	vld [tilespmem:s29+$0xFFFFFF10];
	[tilespmem:s5+$0x90] =	vst v0;
	v0 =	vmul.f32 v19, v17  }
0x7b: {  	v3 =	vadd.f32 v3, v4;
	v4 =	vld [tilespmem:s29+$0xA0]  }
0x7c: {  	v50 =	vld [tilespmem:s29+$0xFFFFFF50];
	v0 =	vadd.f32 v0, v20  }
0x7d: {  	[tilespmem:s5+$0xFFFFFF80] =	vst v3;
	v3 =	vld [tilespmem:s29+$0xE0]  }
0x7e: {  	[tilespmem:s5+$0x0] =	vst v0;
	v0 =	vld [tilespmem:s29+$0xFFFFFF90]  }
0x7f: {  	v1 =	vmul.f32 v48, v1;
	v53 =	vld [tilespmem:s29+$0x10]  }
0x80: {  	v54 =	vld [tilespmem:s29+$0xFFFFFFD0];
	v4 =	vmul.f32 v51, v4  }
0x81: {  	v1 =	vadd.f32 v1, v50;
	v55 =	vld [tilespmem:s29+$0x50]  }
0x82: {  	v10 =	vld [tilespmem:s8+$0xFFFFFFB0];
	v3 =	vadd.f32 v4, v3  }
0x83: {  	v63 =	vld [tilespmem:s8+$0xFFFFFFF0];
	[tilespmem:s5+$0xFFFFFF10] =	vst v1;
	v0 =	vmul.f32 v49, v0  }
0x84: {  	v1 =	vld [tilespmem:s5+$0xFFFFFF20];
	[tilespmem:s5+$0xA0] =	vst v3;
	v3 =	vmul.f32 v52, v53  }
0x85: {  	v4 =	vld [tilespmem:s29+$0xFFFFFF20];
	v0 =	vadd.f32 v0, v54  }
0x86: {  	v61 =	vld [tilespmem:s29+$0xFFFFFF60];
	v3 =	vadd.f32 v3, v55  }
0x87: {  	v58 =	vld [tilespmem:s29+$0xB0];
	[tilespmem:s5+$0xFFFFFF90] =	vst v0  }
0x88: {  	[tilespmem:s5+$0x10] =	vst v3;
	v3 =	vld [tilespmem:s29+$0xFFFFFFA0]  }
0x89: {  	v60 =	vld [tilespmem:s29+$0x20]  }
0x8a: {  	v62 =	vld [tilespmem:s29+$0xFFFFFFE0]  }
0x8b: {  	v6 =	vld [tilespmem:s29+$0x60]  }
0x8c: {  	v13 =	vld [tilespmem:s8+$0x30];
	v1 =	vmul.f32 v1, v4  }
0x8d: {  	v0 =	vld [tilespmem:s29+$0xF0];
	v16 =	vmul.f32 v56, v3  }
0x8e: {  	[tilespmem:s28+$0xB0] =	vst v7;
	v7 =	vmul.f32 v11, v5;
	v5 =	vld [tilespmem:s8+$0x70];
	v1 =	vadd.f32 v1, v61;
	v17 =	vmul.f32 v59, v60  }
0x8f: {  	v4 =	vld [tilespmem:s5+$0xFFFFFF30];
	v11 =	vadd.f32 v16, v62  }
0x90: {  	v14 =	vmul.f32 v57, v58;
	[tilespmem:s5+$0xFFFFFF20] =	vst v1;
	v3 =	vld [tilespmem:s5+$0x30];
	v1 =	vadd.f32 v17, v6  }
0x91: {  	v6 =	vadd.f32 v7, v8;
	v8 =	vld [tilespmem:s29+$0xFFFFFF30];
	[tilespmem:s5+$0xFFFFFFA0] =	vst v11  }
0x92: {  	v10 =	vmul.f32 v9, v10;
	v7 =	vadd.f32 v14, v0;
	[tilespmem:s5+$0x20] =	vst v1;
	v9 =	vld [tilespmem:s29+$0xFFFFFFB0]  }
0x93: {  	v0 =	vmul.f32 v12, v13;
	[tilespmem:s28+$0xFFFFFF30] =	vst v6;
	v6 =	vld [tilespmem:s29+$0x30]  }
0x94: {  	s6 =	simm.s32 $0x500;
	s7 =	simm.s32 $0x4;
	s8 =	simm.s32 $0x10700;
	[tilespmem:s5+$0xB0] =	vst v7;
	v7 =	vld [tilespmem:s29+$0xFFFFFF70];
	v1 =	vadd.f32 v10, v63  }
.LBB2_2:
0x95: {  	v10 =	vld [tilespmem:s8+$0x80];
	s5 =	sadd.s32 $0x200, s5;
	v0 =	vadd.f32 v0, v5  }
0x96: {  	s7 =	sadd.s32 $0x4, s7;
	v5 =	vld [tilespmem:s5+$0x80];
	v4 =	vmul.f32 v4, v8;
	[tilespmem:s28+$0xFFFFFFB0] =	vst v1  }
0x97: {  	p0 =	slt.u32 s7, $0x3C;
	v8 =	vld [tilespmem:s5+$0xFFFFFF00];
	v1 =	vmul.f32 v2, v9;
	[tilespmem:s28+$0x30] =	vst v0;
	s28 =	smov.u32 s6;
	s6 =	smov.u32 s5  }
0x98: {  	v2 =	vld [tilespmem:s8+$0xC0];
	v0 =	vmul.f32 v3, v6  }
0x99: {  	v3 =	vld [tilespmem:s8+$0xFFFFFF80];
	v4 =	vadd.f32 v4, v7  }
0x9a: {  	v6 =	vld [tilespmem:s5+$0xFFFFFF80]  }
0x9b: {  	v7 =	vld [tilespmem:s8+$0x0];
	v5 =	vmul.f32 v5, v10;
	[tilespmem:s28+$0xFFFFFF30] =	vst v4  }
0x9c: {  	v4 =	vld [tilespmem:s5+$0x0]  }
0x9d: {  	v9 =	vld [tilespmem:s8+$0xFFFFFF00];
	v2 =	vadd.f32 v5, v2  }
0x9e: {  	v5 =	vld [tilespmem:s8+$0xFFFFFF40]  }
0x9f: {  	v3 =	vmul.f32 v6, v3;
	[tilespmem:s5+$0x80] =	vst v2;
	v2 =	vld [tilespmem:s5+$0x90]  }
0xa0: {  	v6 =	vld [tilespmem:s8+$0x90]  }
0xa1: {  	v10 =	vld [tilespmem:s8+$0xFFFFFFC0];
	v4 =	vmul.f32 v4, v7  }
0xa2: {  	v7 =	vmul.f32 v8, v9;
	v8 =	vld [tilespmem:s8+$0xD0]  }
0xa3: {  	v9 =	vld [tilespmem:s8+$0x40]  }
0xa4: {  	v5 =	vadd.f32 v7, v5;
	v7 =	vld [tilespmem:s5+$0xFFFFFF10]  }
0xa5: {  	v11 =	vld [tilespmem:s5+$0xFFFFFF90];
	v2 =	vmul.f32 v2, v6  }
0xa6: {  	[tilespmem:s5+$0xFFFFFF00] =	vst v5;
	v3 =	vadd.f32 v3, v10;
	v5 =	vld [tilespmem:s5+$0x10]  }
0xa7: {  	v6 =	vld [tilespmem:s8+$0xFFFFFF10];
	v2 =	vadd.f32 v2, v8  }
0xa8: {  	v8 =	vld [tilespmem:s8+$0xFFFFFF50];
	[tilespmem:s5+$0xFFFFFF80] =	vst v3;
	v3 =	vadd.f32 v4, v9  }
0xa9: {  	[tilespmem:s5+$0x90] =	vst v2;
	v2 =	vld [tilespmem:s5+$0xA0]  }
0xaa: {  	[tilespmem:s5+$0x0] =	vst v3;
	v3 =	vld [tilespmem:s8+$0xA0]  }
0xab: {  	v4 =	vld [tilespmem:s8+$0xFFFFFF90]  }
0xac: {  	v6 =	vmul.f32 v7, v6;
	v7 =	vld [tilespmem:s8+$0xE0]  }
0xad: {  	v9 =	vld [tilespmem:s8+$0x10]  }
0xae: {  	v6 =	vadd.f32 v6, v8;
	v8 =	vld [tilespmem:s8+$0xFFFFFFD0]  }
0xaf: {  	v10 =	vld [tilespmem:s8+$0x50];
	v2 =	vmul.f32 v2, v3  }
0xb0: {  	[tilespmem:s5+$0xFFFFFF10] =	vst v6;
	v3 =	vld [tilespmem:s5+$0xFFFFFF20];
	v4 =	vmul.f32 v11, v4  }
0xb1: {  	v6 =	vld [tilespmem:s8+$0xFFFFFF20];
	v2 =	vadd.f32 v2, v7  }
0xb2: {  	v7 =	vld [tilespmem:s5+$0xFFFFFFA0];
	v5 =	vmul.f32 v5, v9  }
0xb3: {  	v4 =	vadd.f32 v4, v8;
	[tilespmem:s5+$0xA0] =	vst v2;
	v2 =	vld [tilespmem:s5+$0xB0]  }
0xb4: {  	v5 =	vadd.f32 v5, v10;
	v8 =	vld [tilespmem:s8+$0xB0]  }
0xb5: {  	[tilespmem:s5+$0xFFFFFF90] =	vst v4;
	v9 =	vld [tilespmem:s5+$0x20]  }
0xb6: {  	v3 =	vmul.f32 v3, v6;
	[tilespmem:s5+$0x10] =	vst v5;
	v4 =	vld [tilespmem:s8+$0xF0]  }
0xb7: {  	v5 =	vld [tilespmem:s8+$0xFFFFFFA0]  }
0xb8: {  	v6 =	vld [tilespmem:s8+$0x20]  }
0xb9: {  	v10 =	vld [tilespmem:s8+$0xFFFFFF60];
	v2 =	vmul.f32 v2, v8  }
0xba: {  	v8 =	vld [tilespmem:s8+$0xFFFFFFE0]  }
0xbb: {  	v11 =	vld [tilespmem:s8+$0x60];
	v12 =	vadd.f32 v2, v4  }
0xbc: {  	v4 =	vld [tilespmem:s5+$0xFFFFFF30];
	v5 =	vmul.f32 v7, v5  }
0xbd: {  	v2 =	vld [tilespmem:s5+$0xFFFFFFB0];
	v6 =	vmul.f32 v9, v6;
	[tilespmem:s5+$0xB0] =	vst v12  }
0xbe: {  	v7 =	vadd.f32 v3, v10;
	v3 =	vld [tilespmem:s5+$0x30]  }
0xbf: {  	v9 =	vadd.f32 v5, v8;
	v10 =	vld [tilespmem:s29+$0xFFFFFFF0]  }
.Ltmp0:
0xc0: {  	[tilespmem:s5+$0xFFFFFF20] =	vst v7;
	v6 =	vadd.f32 v6, v11;
	v5 =	vld [tilespmem:s29+$0x70];
	s29 =	smov.u32 s8;
	(pc) =	sbr.rel @p0 .LBB2_2-.Ltmp0, $4  }
0xc1: {  	v8 =	vld [tilespmem:s8+$0xFFFFFF30];
	[tilespmem:s5+$0xFFFFFFA0] =	vst v9  }
0xc2: {  	v9 =	vld [tilespmem:s8+$0xFFFFFFB0];
	[tilespmem:s5+$0x20] =	vst v6  }
0xc3: {  	v6 =	vld [tilespmem:s8+$0x30]  }
0xc4: {  	s8 =	sadd.s32 $0x200, s8;
	v7 =	vld [tilespmem:s29+$0xFFFFFF70];
	v1 =	vadd.f32 v1, v10  }
0xc5: {  	v10 =	vld [tilespmem:s29+$0xFFFFFFF0]  }
0xc6: {  	v11 =	vld [tilespmem:s29+$0x70]  }
0xc7: {  	v4 =	vmul.f32 v4, v8  }
0xc8: {  	v0 =	vadd.f32 v0, v5;
	v2 =	vmul.f32 v2, v9  }
0xc9: {  	[tilespmem:s28+$0xFFFFFFB0] =	vst v1;
	v1 =	vmul.f32 v3, v6;
	v3 =	vadd.f32 v4, v7  }
0xca: {  	[tilespmem:s28+$0x30] =	vst v0;
	v0 =	vadd.f32 v2, v10  }
0xcb: {  	v1 =	vadd.f32 v1, v11;
	[tilespmem:s6+$0xFFFFFF30] =	vst v3  }
0xcc: {  	[tilespmem:s6+$0xFFFFFFB0] =	vst v0  }
0xcd: {  	s5 =	simm.s32 $0x200;
	[tilespmem:s6+$0x30] =	vst v1  }
0xce: {  	[hbm4b:s13+s3] =	stream.linear.scatter [tilespmem:s5], [sflag:$0x5], $0x2000, $0x38;
	[tilespmem:$0x16200] =	vst v63  }
0xcf: {  	s7 =	simm.s32 $0xC0  }
0xd0: {  	[tilespmem:s24], [sflag:$0x2] =	stream.indirect.gather [hbm4b:s1+s23], $0x80, s7, s23, $0xb8;
	[tilespmem:$0x16200] =	vst v63  }
0xd1: {  	_ =	swait.ge [sflag:s0], $0x2000  }
0xd2: {  	[sflag:s0] =	ssyncset.done $0x0  }
0xd3: {  	[sflag:s0] =	ssyncadd.s32 $0xFFFFE000  }
0xd4: {  	_ =	swait.ge [sflag:s31], $0x2000  }
0xd5: {  	[sflag:s31] =	ssyncset.done $0x0  }
0xd6: {  	s8 =	simm.s32 $0x12300;
	[sflag:s31] =	ssyncadd.s32 $0xFFFFE000  }
0xd7: {  	s28 =	simm.s32 $0x23B0;
	v0 =	vld [tilespmem:s8+$0x80]  }
0xd8: {  	v1 =	vld [tilespmem:s28+$0xFFFFFFD0]  }
0xd9: {  	v2 =	vld [tilespmem:s8+$0xC0]  }
0xda: {  	v3 =	vld [tilespmem:s28+$0xFFFFFE50]  }
0xdb: {  	v4 =	vld [tilespmem:s28+$0xFFFFFED0]  }
0xdc: {  	v5 =	vld [tilespmem:s8+$0xFFFFFF40]  }
0xdd: {  	v7 =	vld [tilespmem:s8+$0x0]  }
0xde: {  	v9 =	vld [tilespmem:s28+$0xFFFFFF50]  }
0xdf: {  	v10 =	vld [tilespmem:s8+$0x40]  }
0xe0: {  	v11 =	vld [tilespmem:s28+$0xFFFFFE80]  }
0xe1: {  	s5 =	simm.s32 $0x25B0;
	v12 =	vld [tilespmem:s28+$0xFFFFFF80]  }
0xe2: {  	s29 =	simm.s32 $0x12500;
	v14 =	vld [tilespmem:s5+$0xFFFFFED0];
	v0 =	vmul.f32 v1, v0  }
0xe3: {  	v15 =	vld [tilespmem:s29+$0xFFFFFF40]  }
0xe4: {  	v0 =	vadd.f32 v0, v2;
	v2 =	vld [tilespmem:s8+$0xFFFFFF00]  }
0xe5: {  	v17 =	vld [tilespmem:s29+$0x0]  }
0xe6: {  	[tilespmem:s28+$0xFFFFFFD0] =	vst v0;
	v0 =	vld [tilespmem:s28+$0xFFFFFFE0]  }
0xe7: {  	v6 =	vld [tilespmem:s8+$0x90]  }
0xe8: {  	v19 =	vld [tilespmem:s5+$0xFFFFFF50]  }
0xe9: {  	v8 =	vld [tilespmem:s8+$0xD0];
	v2 =	vmul.f32 v3, v2  }
0xea: {  	v1 =	vld [tilespmem:s8+$0xFFFFFF80]  }
0xeb: {  	v3 =	vld [tilespmem:s8+$0xFFFFFFC0];
	v2 =	vadd.f32 v2, v5  }
0xec: {  	v5 =	vld [tilespmem:s28+$0xFFFFFE60];
	v0 =	vmul.f32 v0, v6  }
0xed: {  	v6 =	vld [tilespmem:s28+$0xFFFFFEE0];
	[tilespmem:s28+$0xFFFFFE50] =	vst v2  }
0xee: {  	v0 =	vadd.f32 v0, v8;
	v2 =	vld [tilespmem:s8+$0xFFFFFF10]  }
0xef: {  	v1 =	vmul.f32 v4, v1;
	v4 =	vld [tilespmem:s8+$0xFFFFFF50]  }
0xf0: {  	v8 =	vld [tilespmem:s28+$0xFFFFFF60];
	[tilespmem:s28+$0xFFFFFFE0] =	vst v0;
	v0 =	vmul.f32 v9, v7  }
0xf1: {  	v1 =	vadd.f32 v1, v3;
	v7 =	vld [tilespmem:s28+$0xFFFFFFF0]  }
0xf2: {  	v3 =	vld [tilespmem:s8+$0xA0];
	v0 =	vadd.f32 v0, v10  }
0xf3: {  	[tilespmem:s28+$0xFFFFFED0] =	vst v1;
	v1 =	vmul.f32 v5, v2;
	v2 =	vld [tilespmem:s8+$0xE0]  }
0xf4: {  	[tilespmem:s28+$0xFFFFFF50] =	vst v0;
	v0 =	vld [tilespmem:s8+$0xFFFFFF90]  }
0xf5: {  	v5 =	vld [tilespmem:s8+$0x10]  }
0xf6: {  	v1 =	vadd.f32 v1, v4;
	v4 =	vld [tilespmem:s8+$0xFFFFFFD0]  }
0xf7: {  	v3 =	vmul.f32 v7, v3;
	v7 =	vld [tilespmem:s8+$0x50]  }
0xf8: {  	v20 =	vld [tilespmem:s29+$0x40]  }
0xf9: {  	[tilespmem:s28+$0xFFFFFE60] =	vst v1;
	v1 =	vld [tilespmem:s28+$0xFFFFFE70];
	v0 =	vmul.f32 v6, v0  }
0xfa: {  	v2 =	vadd.f32 v3, v2;
	v3 =	vld [tilespmem:s8+$0xFFFFFF20];
	v5 =	vmul.f32 v8, v5  }
0xfb: {  	v9 =	vld [tilespmem:s28+$0xFFFFFEF0];
	v0 =	vadd.f32 v0, v4  }
0xfc: {  	v4 =	vld [tilespmem:s28+$0xFFFFFF70];
	v5 =	vadd.f32 v5, v7  }
0xfd: {  	[tilespmem:s28+$0xFFFFFEE0] =	vst v0;
	v0 =	vld [tilespmem:s8+$0xFFFFFF60]  }
0xfe: {  	[tilespmem:s28+$0xFFFFFF60] =	vst v5;
	v5 =	vld [tilespmem:s8+$0xFFFFFFA0]  }
0xff: {  	v1 =	vmul.f32 v1, v3;
	v3 =	vld [tilespmem:s8+$0xFFFFFFE0]  }
0x100: {  	v8 =	vld [tilespmem:s8+$0x20]  }
0x101: {  	v48 =	vld [tilespmem:s5+$0xFFFFFE60]  }
0x102: {  	v10 =	vld [tilespmem:s8+$0x60]  }
0x103: {  	v49 =	vld [tilespmem:s5+$0xFFFFFEE0];
	v0 =	vadd.f32 v1, v0;
	v1 =	vmul.f32 v9, v5  }
0x104: {  	v51 =	vld [tilespmem:s5+$0xFFFFFFF0]  }
0x105: {  	v52 =	vld [tilespmem:s5+$0xFFFFFF60];
	[tilespmem:s28+$0xFFFFFE70] =	vst v0;
	v0 =	vmul.f32 v4, v8;
	v1 =	vadd.f32 v1, v3  }
0x106: {  	v3 =	vld [tilespmem:s29+$0x80]  }
0x107: {  	v0 =	vadd.f32 v0, v10;
	[tilespmem:s28+$0xFFFFFEF0] =	vst v1;
	v1 =	vld [tilespmem:s5+$0xFFFFFFD0]  }
0x108: {  	v56 =	vld [tilespmem:s5+$0xFFFFFEF0]  }
0x109: {  	[tilespmem:s28+$0xFFFFFF70] =	vst v0;
	v0 =	vld [tilespmem:s29+$0xC0]  }
0x10a: {  	v57 =	vld [tilespmem:s5+$0x0]  }
0x10b: {  	[tilespmem:s28+$0xFFFFFFF0] =	vst v2;
	v2 =	vld [tilespmem:s28+$0x0]  }
0x10c: {  	v6 =	vld [tilespmem:s8+$0xB0];
	v1 =	vmul.f32 v1, v3  }
0x10d: {  	v7 =	vld [tilespmem:s8+$0xF0]  }
0x10e: {  	v4 =	vld [tilespmem:s5+$0xFFFFFE50];
	v0 =	vadd.f32 v1, v0  }
0x10f: {  	v1 =	vld [tilespmem:s29+$0xFFFFFF00]  }
0x110: {  	[tilespmem:s5+$0xFFFFFFD0] =	vst v0;
	v0 =	vld [tilespmem:s5+$0xFFFFFFE0]  }
0x111: {  	v16 =	vld [tilespmem:s29+$0x90]  }
0x112: {  	v59 =	vld [tilespmem:s5+$0xFFFFFF70]  }
0x113: {  	v2 =	vmul.f32 v2, v6;
	v18 =	vld [tilespmem:s29+$0xD0]  }
0x114: {  	v3 =	vld [tilespmem:s29+$0xFFFFFF80]  }
0x115: {  	v7 =	vadd.f32 v2, v7;
	v2 =	vld [tilespmem:s5+$0xFFFFFF00];
	v1 =	vmul.f32 v4, v1  }
0x116: {  	v4 =	vld [tilespmem:s29+$0xFFFFFFC0];
	v0 =	vmul.f32 v0, v16  }
0x117: {  	v9 =	vld [tilespmem:s28+$0xFFFFFF00];
	v1 =	vadd.f32 v1, v15  }
0x118: {  	v5 =	vld [tilespmem:s8+$0xFFFFFF30];
	v0 =	vadd.f32 v0, v18  }
0x119: {  	v8 =	vld [tilespmem:s8+$0xFFFFFF70];
	v3 =	vmul.f32 v14, v3;
	[tilespmem:s5+$0xFFFFFE50] =	vst v1  }
0x11a: {  	v1 =	vld [tilespmem:s29+$0xFFFFFF10];
	[tilespmem:s5+$0xFFFFFFE0] =	vst v0;
	v0 =	vmul.f32 v19, v17  }
0x11b: {  	v3 =	vadd.f32 v3, v4;
	v4 =	vld [tilespmem:s29+$0xA0]  }
0x11c: {  	v50 =	vld [tilespmem:s29+$0xFFFFFF50];
	v0 =	vadd.f32 v0, v20  }
0x11d: {  	[tilespmem:s5+$0xFFFFFED0] =	vst v3;
	v3 =	vld [tilespmem:s29+$0xE0]  }
0x11e: {  	[tilespmem:s5+$0xFFFFFF50] =	vst v0;
	v0 =	vld [tilespmem:s29+$0xFFFFFF90]  }
0x11f: {  	v1 =	vmul.f32 v48, v1;
	v53 =	vld [tilespmem:s29+$0x10]  }
0x120: {  	v54 =	vld [tilespmem:s29+$0xFFFFFFD0];
	v4 =	vmul.f32 v51, v4  }
0x121: {  	v1 =	vadd.f32 v1, v50;
	v55 =	vld [tilespmem:s29+$0x50]  }
0x122: {  	v10 =	vld [tilespmem:s8+$0xFFFFFFB0];
	v3 =	vadd.f32 v4, v3  }
0x123: {  	v63 =	vld [tilespmem:s8+$0xFFFFFFF0];
	[tilespmem:s5+$0xFFFFFE60] =	vst v1;
	v0 =	vmul.f32 v49, v0  }
0x124: {  	v1 =	vld [tilespmem:s5+$0xFFFFFE70];
	[tilespmem:s5+$0xFFFFFFF0] =	vst v3;
	v3 =	vmul.f32 v52, v53  }
0x125: {  	v4 =	vld [tilespmem:s29+$0xFFFFFF20];
	v0 =	vadd.f32 v0, v54  }
0x126: {  	v61 =	vld [tilespmem:s29+$0xFFFFFF60];
	v3 =	vadd.f32 v3, v55  }
0x127: {  	v58 =	vld [tilespmem:s29+$0xB0];
	[tilespmem:s5+$0xFFFFFEE0] =	vst v0  }
0x128: {  	[tilespmem:s5+$0xFFFFFF60] =	vst v3;
	v3 =	vld [tilespmem:s29+$0xFFFFFFA0]  }
0x129: {  	v60 =	vld [tilespmem:s29+$0x20]  }
0x12a: {  	v62 =	vld [tilespmem:s29+$0xFFFFFFE0]  }
0x12b: {  	v6 =	vld [tilespmem:s29+$0x60]  }
0x12c: {  	v13 =	vld [tilespmem:s8+$0x30];
	v1 =	vmul.f32 v1, v4  }
0x12d: {  	v0 =	vld [tilespmem:s29+$0xF0];
	v16 =	vmul.f32 v56, v3  }
0x12e: {  	[tilespmem:s28+$0x0] =	vst v7;
	v7 =	vmul.f32 v11, v5;
	v5 =	vld [tilespmem:s8+$0x70];
	v1 =	vadd.f32 v1, v61;
	v17 =	vmul.f32 v59, v60  }
0x12f: {  	v4 =	vld [tilespmem:s5+$0xFFFFFE80];
	v11 =	vadd.f32 v16, v62  }
0x130: {  	v14 =	vmul.f32 v57, v58;
	[tilespmem:s5+$0xFFFFFE70] =	vst v1;
	v3 =	vld [tilespmem:s5+$0xFFFFFF80];
	v1 =	vadd.f32 v17, v6  }
0x131: {  	v6 =	vadd.f32 v7, v8;
	v8 =	vld [tilespmem:s29+$0xFFFFFF30];
	[tilespmem:s5+$0xFFFFFEF0] =	vst v11  }
0x132: {  	v10 =	vmul.f32 v9, v10;
	v7 =	vadd.f32 v14, v0;
	[tilespmem:s5+$0xFFFFFF70] =	vst v1;
	v9 =	vld [tilespmem:s29+$0xFFFFFFB0]  }
0x133: {  	v0 =	vmul.f32 v12, v13;
	[tilespmem:s28+$0xFFFFFE80] =	vst v6;
	v6 =	vld [tilespmem:s29+$0x30]  }
0x134: {  	s6 =	simm.s32 $0x25B0;
	s7 =	simm.s32 $0x4;
	s8 =	simm.s32 $0x12700;
	[tilespmem:s5+$0x0] =	vst v7;
	v7 =	vld [tilespmem:s29+$0xFFFFFF70];
	v1 =	vadd.f32 v10, v63  }
.LBB2_4:
0x135: {  	v10 =	vld [tilespmem:s8+$0x80];
	s5 =	sadd.s32 $0x200, s5;
	v0 =	vadd.f32 v0, v5  }
0x136: {  	s7 =	sadd.s32 $0x4, s7;
	v5 =	vld [tilespmem:s5+$0xFFFFFFD0];
	v4 =	vmul.f32 v4, v8;
	[tilespmem:s28+$0xFFFFFF00] =	vst v1  }
0x137: {  	p0 =	slt.u32 s7, $0x3C;
	v8 =	vld [tilespmem:s5+$0xFFFFFE50];
	v1 =	vmul.f32 v2, v9;
	[tilespmem:s28+$0xFFFFFF80] =	vst v0;
	s28 =	smov.u32 s6;
	s6 =	smov.u32 s5  }
0x138: {  	v2 =	vld [tilespmem:s8+$0xC0];
	v0 =	vmul.f32 v3, v6  }
0x139: {  	v3 =	vld [tilespmem:s8+$0xFFFFFF80];
	v4 =	vadd.f32 v4, v7  }
0x13a: {  	v6 =	vld [tilespmem:s5+$0xFFFFFED0]  }
0x13b: {  	v7 =	vld [tilespmem:s8+$0x0];
	v5 =	vmul.f32 v5, v10;
	[tilespmem:s28+$0xFFFFFE80] =	vst v4  }
0x13c: {  	v4 =	vld [tilespmem:s5+$0xFFFFFF50]  }
0x13d: {  	v9 =	vld [tilespmem:s8+$0xFFFFFF00];
	v2 =	vadd.f32 v5, v2  }
0x13e: {  	v5 =	vld [tilespmem:s8+$0xFFFFFF40]  }
0x13f: {  	v3 =	vmul.f32 v6, v3;
	[tilespmem:s5+$0xFFFFFFD0] =	vst v2;
	v2 =	vld [tilespmem:s5+$0xFFFFFFE0]  }
0x140: {  	v6 =	vld [tilespmem:s8+$0x90]  }
0x141: {  	v10 =	vld [tilespmem:s8+$0xFFFFFFC0];
	v4 =	vmul.f32 v4, v7  }
0x142: {  	v7 =	vmul.f32 v8, v9;
	v8 =	vld [tilespmem:s8+$0xD0]  }
0x143: {  	v9 =	vld [tilespmem:s8+$0x40]  }
0x144: {  	v5 =	vadd.f32 v7, v5;
	v7 =	vld [tilespmem:s5+$0xFFFFFE60]  }
0x145: {  	v11 =	vld [tilespmem:s5+$0xFFFFFEE0];
	v2 =	vmul.f32 v2, v6  }
0x146: {  	[tilespmem:s5+$0xFFFFFE50] =	vst v5;
	v3 =	vadd.f32 v3, v10;
	v5 =	vld [tilespmem:s5+$0xFFFFFF60]  }
0x147: {  	v6 =	vld [tilespmem:s8+$0xFFFFFF10];
	v2 =	vadd.f32 v2, v8  }
0x148: {  	v8 =	vld [tilespmem:s8+$0xFFFFFF50];
	[tilespmem:s5+$0xFFFFFED0] =	vst v3;
	v3 =	vadd.f32 v4, v9  }
0x149: {  	[tilespmem:s5+$0xFFFFFFE0] =	vst v2;
	v2 =	vld [tilespmem:s5+$0xFFFFFFF0]  }
0x14a: {  	[tilespmem:s5+$0xFFFFFF50] =	vst v3;
	v3 =	vld [tilespmem:s8+$0xA0]  }
0x14b: {  	v4 =	vld [tilespmem:s8+$0xFFFFFF90]  }
0x14c: {  	v6 =	vmul.f32 v7, v6;
	v7 =	vld [tilespmem:s8+$0xE0]  }
0x14d: {  	v9 =	vld [tilespmem:s8+$0x10]  }
0x14e: {  	v6 =	vadd.f32 v6, v8;
	v8 =	vld [tilespmem:s8+$0xFFFFFFD0]  }
0x14f: {  	v10 =	vld [tilespmem:s8+$0x50];
	v2 =	vmul.f32 v2, v3  }
0x150: {  	[tilespmem:s5+$0xFFFFFE60] =	vst v6;
	v3 =	vld [tilespmem:s5+$0xFFFFFE70];
	v4 =	vmul.f32 v11, v4  }
0x151: {  	v6 =	vld [tilespmem:s8+$0xFFFFFF20];
	v2 =	vadd.f32 v2, v7  }
0x152: {  	v7 =	vld [tilespmem:s5+$0xFFFFFEF0];
	v5 =	vmul.f32 v5, v9  }
0x153: {  	v4 =	vadd.f32 v4, v8;
	[tilespmem:s5+$0xFFFFFFF0] =	vst v2;
	v2 =	vld [tilespmem:s5+$0x0]  }
0x154: {  	v5 =	vadd.f32 v5, v10;
	v8 =	vld [tilespmem:s8+$0xB0]  }
0x155: {  	[tilespmem:s5+$0xFFFFFEE0] =	vst v4;
	v9 =	vld [tilespmem:s5+$0xFFFFFF70]  }
0x156: {  	v3 =	vmul.f32 v3, v6;
	[tilespmem:s5+$0xFFFFFF60] =	vst v5;
	v4 =	vld [tilespmem:s8+$0xF0]  }
0x157: {  	v5 =	vld [tilespmem:s8+$0xFFFFFFA0]  }
0x158: {  	v6 =	vld [tilespmem:s8+$0x20]  }
0x159: {  	v10 =	vld [tilespmem:s8+$0xFFFFFF60];
	v2 =	vmul.f32 v2, v8  }
0x15a: {  	v8 =	vld [tilespmem:s8+$0xFFFFFFE0]  }
0x15b: {  	v11 =	vld [tilespmem:s8+$0x60];
	v12 =	vadd.f32 v2, v4  }
0x15c: {  	v4 =	vld [tilespmem:s5+$0xFFFFFE80];
	v5 =	vmul.f32 v7, v5  }
0x15d: {  	v2 =	vld [tilespmem:s5+$0xFFFFFF00];
	v6 =	vmul.f32 v9, v6;
	[tilespmem:s5+$0x0] =	vst v12  }
0x15e: {  	v7 =	vadd.f32 v3, v10;
	v3 =	vld [tilespmem:s5+$0xFFFFFF80]  }
0x15f: {  	v9 =	vadd.f32 v5, v8;
	v10 =	vld [tilespmem:s29+$0xFFFFFFF0]  }
.Ltmp1:
0x160: {  	[tilespmem:s5+$0xFFFFFE70] =	vst v7;
	v6 =	vadd.f32 v6, v11;
	v5 =	vld [tilespmem:s29+$0x70];
	s29 =	smov.u32 s8;
	(pc) =	sbr.rel @p0 .LBB2_4-.Ltmp1, $4  }
0x161: {  	v8 =	vld [tilespmem:s8+$0xFFFFFF30];
	[tilespmem:s5+$0xFFFFFEF0] =	vst v9  }
0x162: {  	v9 =	vld [tilespmem:s8+$0xFFFFFFB0];
	[tilespmem:s5+$0xFFFFFF70] =	vst v6  }
0x163: {  	v6 =	vld [tilespmem:s8+$0x30]  }
0x164: {  	s8 =	sadd.s32 $0x200, s8;
	v7 =	vld [tilespmem:s29+$0xFFFFFF70];
	v1 =	vadd.f32 v1, v10  }
0x165: {  	v10 =	vld [tilespmem:s29+$0xFFFFFFF0]  }
0x166: {  	v11 =	vld [tilespmem:s29+$0x70]  }
0x167: {  	v4 =	vmul.f32 v4, v8  }
0x168: {  	v0 =	vadd.f32 v0, v5;
	v2 =	vmul.f32 v2, v9  }
0x169: {  	[tilespmem:s28+$0xFFFFFF00] =	vst v1;
	v1 =	vmul.f32 v3, v6;
	v3 =	vadd.f32 v4, v7  }
0x16a: {  	[tilespmem:s28+$0xFFFFFF80] =	vst v0;
	v0 =	vadd.f32 v2, v10  }
0x16b: {  	v1 =	vadd.f32 v1, v11;
	[tilespmem:s6+$0xFFFFFE80] =	vst v3  }
0x16c: {  	[tilespmem:s6+$0xFFFFFF00] =	vst v0  }
0x16d: {  	s5 =	simm.s32 $0x0;
	s29 =	simm.s32 $0x2200;
	[tilespmem:s6+$0xFFFFFF80] =	vst v1  }
0x16e: {  	[hbm4b:s14+s5] =	stream.linear.scatter [tilespmem:s29], [sflag:$0x5], $0x2000, $0x38;
	[tilespmem:$0x16200] =	vst v63  }
0x16f: {  	s28 =	simm.s32 $0x100  }
0x170: {  	[tilespmem:s25], [sflag:$0x3] =	stream.indirect.gather [hbm4b:s1+s23], $0x80, s28, s23, $0xb8;
	[tilespmem:$0x16200] =	vst v63  }
0x171: {  	_ =	swait.ge [sflag:s2], $0x2000  }
0x172: {  	[sflag:s2] =	ssyncset.done $0x0  }
0x173: {  	[sflag:s2] =	ssyncadd.s32 $0xFFFFE000  }
0x174: {  	_ =	swait.ge [sflag:s31], $0x2000  }
0x175: {  	[sflag:s31] =	ssyncset.done $0x0  }
0x176: {  	s5 =	simm.s32 $0x0;
	[sflag:s31] =	ssyncadd.s32 $0xFFFFE000  }
0x177: {  	v0 =	vld [tilespmem:s5+$0x143B0]  }
0x178: {  	v1 =	vld [tilespmem:s5+$0x43B0]  }
0x179: {  	v2 =	vld [tilespmem:s5+$0x14200]  }
0x17a: {  	v3 =	vld [tilespmem:s5+$0x143F0]  }
0x17b: {  	v4 =	vld [tilespmem:s5+$0x4200]  }
0x17c: {  	v5 =	vld [tilespmem:s5+$0x14210]  }
0x17d: {  	v6 =	vld [tilespmem:s5+$0x4210]  }
0x17e: {  	v7 =	vld [tilespmem:s5+$0x14220]  }
0x17f: {  	v8 =	vld [tilespmem:s5+$0x4220]  }
0x180: {  	v9 =	vld [tilespmem:s5+$0x14230]  }
0x181: {  	v10 =	vld [tilespmem:s5+$0x4230]  }
0x182: {  	v11 =	vld [tilespmem:s5+$0x14280]  }
0x183: {  	v12 =	vld [tilespmem:s5+$0x4280]  }
0x184: {  	v13 =	vld [tilespmem:s5+$0x14290]  }
0x185: {  	v14 =	vld [tilespmem:s5+$0x4290]  }
0x186: {  	v15 =	vld [tilespmem:s5+$0x142A0]  }
0x187: {  	v16 =	vld [tilespmem:s5+$0x42A0]  }
0x188: {  	v17 =	vld [tilespmem:s5+$0x142B0]  }
0x189: {  	v18 =	vld [tilespmem:s5+$0x42B0]  }
0x18a: {  	v19 =	vld [tilespmem:s5+$0x14300]  }
0x18b: {  	v20 =	vld [tilespmem:s5+$0x4300]  }
0x18c: {  	v21 =	vld [tilespmem:s5+$0x14310]  }
0x18d: {  	v22 =	vld [tilespmem:s5+$0x14320]  }
0x18e: {  	v23 =	vld [tilespmem:s5+$0x14330]  }
0x18f: {  	v24 =	vld [tilespmem:s5+$0x14380]  }
0x190: {  	v25 =	vld [tilespmem:s5+$0x4380]  }
0x191: {  	v26 =	vld [tilespmem:s5+$0x14390]  }
0x192: {  	v27 =	vld [tilespmem:s5+$0x4390]  }
0x193: {  	v28 =	vld [tilespmem:s5+$0x143A0]  }
0x194: {  	v29 =	vld [tilespmem:s5+$0x43A0]  }
0x195: {  	v30 =	vld [tilespmem:s5+$0x14240]  }
0x196: {  	v31 =	vld [tilespmem:s5+$0x14250]  }
0x197: {  	v32 =	vld [tilespmem:s5+$0x14260]  }
0x198: {  	v0 =	vmul.f32 v1, v0;
	v1 =	vld [tilespmem:s5+$0x4310]  }
0x199: {  	v2 =	vmul.f32 v4, v2;
	v4 =	vld [tilespmem:s5+$0x14270]  }
0x19a: {  	v5 =	vmul.f32 v6, v5;
	v6 =	vld [tilespmem:s5+$0x142C0]  }
0x19b: {  	v7 =	vmul.f32 v8, v7;
	v8 =	vld [tilespmem:s5+$0x142D0]  }
0x19c: {  	v9 =	vmul.f32 v10, v9;
	v10 =	vld [tilespmem:s5+$0x142E0];
	v0 =	vadd.f32 v0, v3  }
0x19d: {  	v11 =	vmul.f32 v12, v11;
	v12 =	vld [tilespmem:s5+$0x142F0];
	v2 =	vadd.f32 v2, v30  }
0x19e: {  	v3 =	vld [tilespmem:s5+$0x4320];
	v5 =	vadd.f32 v5, v31;
	[tilespmem:s5+$0x43B0] =	vst v0  }
0x19f: {  	v0 =	vld [tilespmem:s5+$0x4330];
	[tilespmem:s5+$0x4200] =	vst v2;
	v2 =	vadd.f32 v7, v32  }
0x1a0: {  	v7 =	vmul.f32 v14, v13;
	[tilespmem:s5+$0x4210] =	vst v5;
	v13 =	vld [tilespmem:s5+$0x14340];
	v4 =	vadd.f32 v9, v4  }
0x1a1: {  	v5 =	vmul.f32 v16, v15;
	v9 =	vadd.f32 v11, v6;
	v6 =	vld [tilespmem:s5+$0x14350];
	[tilespmem:s5+$0x4220] =	vst v2  }
0x1a2: {  	v14 =	vmul.f32 v18, v17;
	v11 =	vmul.f32 v20, v19;
	v15 =	vadd.f32 v7, v8;
	v7 =	vld [tilespmem:s5+$0x14360];
	[tilespmem:s5+$0x4230] =	vst v4  }
0x1a3: {  	v1 =	vmul.f32 v1, v21;
	v10 =	vadd.f32 v5, v10;
	v8 =	vld [tilespmem:s5+$0x14370];
	v5 =	vmul.f32 v29, v28;
	[tilespmem:s5+$0x4280] =	vst v9  }
0x1a4: {  	v12 =	vadd.f32 v14, v12;
	v2 =	vmul.f32 v3, v22;
	v3 =	vmul.f32 v25, v24;
	v9 =	vld [tilespmem:s5+$0x143C0];
	[tilespmem:s5+$0x4290] =	vst v15  }
0x1a5: {  	s7 =	simm.s32 $0x800;
	s6 =	simm.s32 $0x0;
	v4 =	vmul.f32 v27, v26;
	[tilespmem:s5+$0x42A0] =	vst v10;
	v10 =	vld [tilespmem:s5+$0x143D0];
	v0 =	vmul.f32 v0, v23;
	v11 =	vadd.f32 v11, v13  }
.LBB2_6:
0x1a6: {  	s8 =	sshra.s32 s7, $0x2;
	[tilespmem:s5+$0x42B0] =	vst v12;
	v1 =	vadd.f32 v1, v6;
	v6 =	vld [tilespmem:s5+$0x143E0]  }
0x1a7: {  	s6 =	sadd.s32 $0x4, s6;
	v12 =	vld [tilespmem:s8+$0x143B0];
	[tilespmem:s5+$0x4300] =	vst v11;
	v2 =	vadd.f32 v2, v7  }
0x1a8: {  	p0 =	slt.u32 s6, $0x3C;
	v7 =	vld [tilespmem:s8+$0x43B0];
	[tilespmem:s5+$0x4310] =	vst v1;
	v0 =	vadd.f32 v0, v8  }
0x1a9: {  	v1 =	vld [tilespmem:s8+$0x14200];
	[tilespmem:s5+$0x4320] =	vst v2;
	v2 =	vadd.f32 v3, v9  }
0x1aa: {  	v3 =	vld [tilespmem:s8+$0x143F0];
	[tilespmem:s5+$0x4330] =	vst v0;
	v0 =	vadd.f32 v4, v10  }
0x1ab: {  	v4 =	vld [tilespmem:s8+$0x4200];
	[tilespmem:s5+$0x4380] =	vst v2;
	v2 =	vadd.f32 v5, v6  }
0x1ac: {  	v5 =	vld [tilespmem:s8+$0x14210];
	[tilespmem:s5+$0x4390] =	vst v0  }
0x1ad: {  	v0 =	vld [tilespmem:s8+$0x4210];
	v6 =	vmul.f32 v7, v12;
	[tilespmem:s5+$0x43A0] =	vst v2;
	s5 =	smov.u32 s8  }
0x1ae: {  	v2 =	vld [tilespmem:s5+$0x14220]  }
0x1af: {  	v7 =	vld [tilespmem:s5+$0x4220];
	v3 =	vadd.f32 v6, v3  }
0x1b0: {  	v6 =	vmul.f32 v4, v1;
	v1 =	vld [tilespmem:s5+$0x14230]  }
0x1b1: {  	v4 =	vld [tilespmem:s5+$0x4230];
	[tilespmem:s5+$0x43B0] =	vst v3  }
0x1b2: {  	v8 =	vmul.f32 v0, v5;
	v0 =	vld [tilespmem:s5+$0x14280]  }
0x1b3: {  	v3 =	vld [tilespmem:s5+$0x4280]  }
0x1b4: {  	v7 =	vmul.f32 v7, v2;
	v2 =	vld [tilespmem:s5+$0x14290]  }
0x1b5: {  	v5 =	vld [tilespmem:s5+$0x4290]  }
0x1b6: {  	v9 =	vmul.f32 v4, v1;
	v1 =	vld [tilespmem:s5+$0x142A0]  }
0x1b7: {  	v4 =	vld [tilespmem:s5+$0x42A0]  }
0x1b8: {  	v10 =	vmul.f32 v3, v0;
	v0 =	vld [tilespmem:s5+$0x142B0]  }
0x1b9: {  	v3 =	vld [tilespmem:s5+$0x42B0]  }
0x1ba: {  	v11 =	vmul.f32 v5, v2;
	v2 =	vld [tilespmem:s5+$0x14300]  }
0x1bb: {  	v5 =	vld [tilespmem:s5+$0x4300]  }
0x1bc: {  	v12 =	vmul.f32 v4, v1;
	v1 =	vld [tilespmem:s5+$0x14310]  }
0x1bd: {  	v4 =	vld [tilespmem:s5+$0x4310]  }
0x1be: {  	v13 =	vmul.f32 v3, v0;
	v0 =	vld [tilespmem:s5+$0x14320]  }
0x1bf: {  	v3 =	vld [tilespmem:s5+$0x4320]  }
0x1c0: {  	v14 =	vmul.f32 v5, v2;
	v5 =	vld [tilespmem:s5+$0x14330]  }
0x1c1: {  	v15 =	vld [tilespmem:s5+$0x4330]  }
0x1c2: {  	v1 =	vmul.f32 v4, v1;
	v4 =	vld [tilespmem:s5+$0x14380]  }
0x1c3: {  	v16 =	vld [tilespmem:s5+$0x4380]  }
0x1c4: {  	v2 =	vmul.f32 v3, v0;
	v17 =	vld [tilespmem:s5+$0x14390]  }
0x1c5: {  	v18 =	vld [tilespmem:s5+$0x4390]  }
0x1c6: {  	v0 =	vmul.f32 v15, v5;
	v5 =	vld [tilespmem:s5+$0x143A0]  }
0x1c7: {  	v15 =	vld [tilespmem:s5+$0x43A0]  }
0x1c8: {  	v19 =	vld [tilespmem:s5+$0x14240];
	v3 =	vmul.f32 v16, v4  }
0x1c9: {  	v16 =	vld [tilespmem:s5+$0x14250]  }
0x1ca: {  	v20 =	vld [tilespmem:s5+$0x14260];
	v4 =	vmul.f32 v18, v17  }
0x1cb: {  	v17 =	vld [tilespmem:s5+$0x14270]  }
0x1cc: {  	v18 =	vld [tilespmem:s5+$0x142C0];
	v5 =	vmul.f32 v15, v5  }
0x1cd: {  	v6 =	vadd.f32 v6, v19;
	v15 =	vld [tilespmem:s5+$0x142D0]  }
0x1ce: {  	v8 =	vadd.f32 v8, v16;
	v16 =	vld [tilespmem:s5+$0x142E0]  }
0x1cf: {  	[tilespmem:s5+$0x4200] =	vst v6;
	v6 =	vadd.f32 v7, v20;
	v19 =	vld [tilespmem:s5+$0x142F0]  }
0x1d0: {  	[tilespmem:s5+$0x4210] =	vst v8;
	v7 =	vadd.f32 v9, v17;
	v17 =	vld [tilespmem:s5+$0x14340]  }
.Ltmp2:
0x1d1: {  	[tilespmem:s5+$0x4220] =	vst v6;
	v8 =	vadd.f32 v10, v18;
	v6 =	vld [tilespmem:s5+$0x14350];
	(pc) =	sbr.rel @p0 .LBB2_6-.Ltmp2, $4  }
0x1d2: {  	[tilespmem:s5+$0x4230] =	vst v7;
	v9 =	vadd.f32 v11, v15;
	v7 =	vld [tilespmem:s5+$0x14360]  }
0x1d3: {  	[tilespmem:s5+$0x4280] =	vst v8;
	v10 =	vadd.f32 v12, v16;
	v8 =	vld [tilespmem:s5+$0x14370]  }
0x1d4: {  	[tilespmem:s5+$0x4290] =	vst v9;
	v12 =	vadd.f32 v13, v19;
	v9 =	vld [tilespmem:s5+$0x143C0]  }
0x1d5: {  	s7 =	sadd.s32 $0x800, s7;
	[tilespmem:s5+$0x42A0] =	vst v10;
	v11 =	vadd.f32 v14, v17;
	v10 =	vld [tilespmem:s5+$0x143D0]  }
0x1d6: {  	[tilespmem:s5+$0x42B0] =	vst v12;
	v1 =	vadd.f32 v1, v6;
	v6 =	vld [tilespmem:s5+$0x143E0]  }
0x1d7: {  	[tilespmem:s5+$0x4300] =	vst v11;
	v2 =	vadd.f32 v2, v7  }
0x1d8: {  	[tilespmem:s5+$0x4310] =	vst v1;
	v0 =	vadd.f32 v0, v8  }
0x1d9: {  	[tilespmem:s5+$0x4320] =	vst v2;
	v1 =	vadd.f32 v3, v9  }
0x1da: {  	[tilespmem:s5+$0x4330] =	vst v0;
	v0 =	vadd.f32 v4, v10  }
0x1db: {  	[tilespmem:s5+$0x4380] =	vst v1;
	v1 =	vadd.f32 v5, v6  }
0x1dc: {  	[tilespmem:s5+$0x4390] =	vst v0  }
0x1dd: {  	s7 =	simm.s32 $0x0;
	s6 =	simm.s32 $0x4200;
	[tilespmem:s5+$0x43A0] =	vst v1  }
0x1de: {  	[hbm4b:s15+s7] =	stream.linear.scatter [tilespmem:s6], [sflag:$0x5], $0x2000, $0x38;
	[tilespmem:$0x16200] =	vst v63  }
0x1df: {  	s28 =	simm.s32 $0x14200;
	s8 =	simm.s32 $0x140  }
0x1e0: {  	[tilespmem:s28], [sflag:$0x4] =	stream.indirect.gather [hbm4b:s1+s23], $0x80, s8, s23, $0xb8;
	[tilespmem:$0x16200] =	vst v63  }
0x1e1: {  	_ =	swait.ge [sflag:s30], $0x2000  }
0x1e2: {  	[sflag:s30] =	ssyncset.done $0x0  }
0x1e3: {  	[sflag:s30] =	ssyncadd.s32 $0xFFFFE000  }
0x1e4: {  	_ =	swait.ge [sflag:s31], $0x2000  }
0x1e5: {  	[sflag:s31] =	ssyncset.done $0x0  }
0x1e6: {  	s5 =	simm.s32 $0x0;
	[sflag:s31] =	ssyncadd.s32 $0xFFFFE000  }
0x1e7: {  	v0 =	vld [tilespmem:s5+$0x103B0]  }
0x1e8: {  	v1 =	vld [tilespmem:s5+$0x63B0]  }
0x1e9: {  	v2 =	vld [tilespmem:s5+$0x10200]  }
0x1ea: {  	v3 =	vld [tilespmem:s5+$0x103F0]  }
0x1eb: {  	v4 =	vld [tilespmem:s5+$0x6200]  }
0x1ec: {  	v5 =	vld [tilespmem:s5+$0x10210]  }
0x1ed: {  	v6 =	vld [tilespmem:s5+$0x6210]  }
0x1ee: {  	v7 =	vld [tilespmem:s5+$0x10220]  }
0x1ef: {  	v8 =	vld [tilespmem:s5+$0x6220]  }
0x1f0: {  	v9 =	vld [tilespmem:s5+$0x10230]  }
0x1f1: {  	v10 =	vld [tilespmem:s5+$0x6230]  }
0x1f2: {  	v11 =	vld [tilespmem:s5+$0x10280]  }
0x1f3: {  	v12 =	vld [tilespmem:s5+$0x6280]  }
0x1f4: {  	v13 =	vld [tilespmem:s5+$0x10290]  }
0x1f5: {  	v14 =	vld [tilespmem:s5+$0x6290]  }
0x1f6: {  	v15 =	vld [tilespmem:s5+$0x102A0]  }
0x1f7: {  	v16 =	vld [tilespmem:s5+$0x62A0]  }
0x1f8: {  	v17 =	vld [tilespmem:s5+$0x102B0]  }
0x1f9: {  	v18 =	vld [tilespmem:s5+$0x62B0]  }
0x1fa: {  	v19 =	vld [tilespmem:s5+$0x10300]  }
0x1fb: {  	v20 =	vld [tilespmem:s5+$0x6300]  }
0x1fc: {  	v21 =	vld [tilespmem:s5+$0x10310]  }
0x1fd: {  	v22 =	vld [tilespmem:s5+$0x10320]  }
0x1fe: {  	v23 =	vld [tilespmem:s5+$0x10330]  }
0x1ff: {  	v24 =	vld [tilespmem:s5+$0x10380]  }
0x200: {  	v25 =	vld [tilespmem:s5+$0x6380]  }
0x201: {  	v26 =	vld [tilespmem:s5+$0x10390]  }
0x202: {  	v27 =	vld [tilespmem:s5+$0x6390]  }
0x203: {  	v28 =	vld [tilespmem:s5+$0x103A0]  }
0x204: {  	v29 =	vld [tilespmem:s5+$0x63A0]  }
0x205: {  	v30 =	vld [tilespmem:s5+$0x10240]  }
0x206: {  	v31 =	vld [tilespmem:s5+$0x10250]  }
0x207: {  	v32 =	vld [tilespmem:s5+$0x10260]  }
0x208: {  	v0 =	vmul.f32 v1, v0;
	v1 =	vld [tilespmem:s5+$0x6310]  }
0x209: {  	v2 =	vmul.f32 v4, v2;
	v4 =	vld [tilespmem:s5+$0x10270]  }
0x20a: {  	v5 =	vmul.f32 v6, v5;
	v6 =	vld [tilespmem:s5+$0x102C0]  }
0x20b: {  	v7 =	vmul.f32 v8, v7;
	v8 =	vld [tilespmem:s5+$0x102D0]  }
0x20c: {  	v9 =	vmul.f32 v10, v9;
	v10 =	vld [tilespmem:s5+$0x102E0];
	v0 =	vadd.f32 v0, v3  }
0x20d: {  	v11 =	vmul.f32 v12, v11;
	v12 =	vld [tilespmem:s5+$0x102F0];
	v2 =	vadd.f32 v2, v30  }
0x20e: {  	v3 =	vld [tilespmem:s5+$0x6320];
	v5 =	vadd.f32 v5, v31;
	[tilespmem:s5+$0x63B0] =	vst v0  }
0x20f: {  	v0 =	vld [tilespmem:s5+$0x6330];
	[tilespmem:s5+$0x6200] =	vst v2;
	v2 =	vadd.f32 v7, v32  }
0x210: {  	v7 =	vmul.f32 v14, v13;
	[tilespmem:s5+$0x6210] =	vst v5;
	v13 =	vld [tilespmem:s5+$0x10340];
	v4 =	vadd.f32 v9, v4  }
0x211: {  	v5 =	vmul.f32 v16, v15;
	v9 =	vadd.f32 v11, v6;
	v6 =	vld [tilespmem:s5+$0x10350];
	[tilespmem:s5+$0x6220] =	vst v2  }
0x212: {  	v14 =	vmul.f32 v18, v17;
	v11 =	vmul.f32 v20, v19;
	v15 =	vadd.f32 v7, v8;
	v7 =	vld [tilespmem:s5+$0x10360];
	[tilespmem:s5+$0x6230] =	vst v4  }
0x213: {  	v1 =	vmul.f32 v1, v21;
	v10 =	vadd.f32 v5, v10;
	v8 =	vld [tilespmem:s5+$0x10370];
	v5 =	vmul.f32 v29, v28;
	[tilespmem:s5+$0x6280] =	vst v9  }
0x214: {  	v12 =	vadd.f32 v14, v12;
	v2 =	vmul.f32 v3, v22;
	v3 =	vmul.f32 v25, v24;
	v9 =	vld [tilespmem:s5+$0x103C0];
	[tilespmem:s5+$0x6290] =	vst v15  }
0x215: {  	s6 =	simm.s32 $0x0;
	s7 =	simm.s32 $0x800;
	v4 =	vmul.f32 v27, v26;
	[tilespmem:s5+$0x62A0] =	vst v10;
	v10 =	vld [tilespmem:s5+$0x103D0];
	v0 =	vmul.f32 v0, v23;
	v11 =	vadd.f32 v11, v13  }
.LBB2_8:
0x216: {  	s8 =	sshra.s32 s7, $0x2;
	[tilespmem:s5+$0x62B0] =	vst v12;
	v1 =	vadd.f32 v1, v6;
	v6 =	vld [tilespmem:s5+$0x103E0]  }
0x217: {  	s6 =	sadd.s32 $0x4, s6;
	v12 =	vld [tilespmem:s8+$0x103B0];
	[tilespmem:s5+$0x6300] =	vst v11;
	v2 =	vadd.f32 v2, v7  }
0x218: {  	p0 =	slt.u32 s6, $0x3C;
	v7 =	vld [tilespmem:s8+$0x63B0];
	[tilespmem:s5+$0x6310] =	vst v1;
	v0 =	vadd.f32 v0, v8  }
0x219: {  	v1 =	vld [tilespmem:s8+$0x10200];
	[tilespmem:s5+$0x6320] =	vst v2;
	v2 =	vadd.f32 v3, v9  }
0x21a: {  	v3 =	vld [tilespmem:s8+$0x103F0];
	[tilespmem:s5+$0x6330] =	vst v0;
	v0 =	vadd.f32 v4, v10  }
0x21b: {  	v4 =	vld [tilespmem:s8+$0x6200];
	[tilespmem:s5+$0x6380] =	vst v2;
	v2 =	vadd.f32 v5, v6  }
0x21c: {  	v5 =	vld [tilespmem:s8+$0x10210];
	[tilespmem:s5+$0x6390] =	vst v0  }
0x21d: {  	v0 =	vld [tilespmem:s8+$0x6210];
	v6 =	vmul.f32 v7, v12;
	[tilespmem:s5+$0x63A0] =	vst v2;
	s5 =	smov.u32 s8  }
0x21e: {  	v2 =	vld [tilespmem:s5+$0x10220]  }
0x21f: {  	v7 =	vld [tilespmem:s5+$0x6220];
	v3 =	vadd.f32 v6, v3  }
0x220: {  	v6 =	vmul.f32 v4, v1;
	v1 =	vld [tilespmem:s5+$0x10230]  }
0x221: {  	v4 =	vld [tilespmem:s5+$0x6230];
	[tilespmem:s5+$0x63B0] =	vst v3  }
0x222: {  	v8 =	vmul.f32 v0, v5;
	v0 =	vld [tilespmem:s5+$0x10280]  }
0x223: {  	v3 =	vld [tilespmem:s5+$0x6280]  }
0x224: {  	v7 =	vmul.f32 v7, v2;
	v2 =	vld [tilespmem:s5+$0x10290]  }
0x225: {  	v5 =	vld [tilespmem:s5+$0x6290]  }
0x226: {  	v9 =	vmul.f32 v4, v1;
	v1 =	vld [tilespmem:s5+$0x102A0]  }
0x227: {  	v4 =	vld [tilespmem:s5+$0x62A0]  }
0x228: {  	v10 =	vmul.f32 v3, v0;
	v0 =	vld [tilespmem:s5+$0x102B0]  }
0x229: {  	v3 =	vld [tilespmem:s5+$0x62B0]  }
0x22a: {  	v11 =	vmul.f32 v5, v2;
	v2 =	vld [tilespmem:s5+$0x10300]  }
0x22b: {  	v5 =	vld [tilespmem:s5+$0x6300]  }
0x22c: {  	v12 =	vmul.f32 v4, v1;
	v1 =	vld [tilespmem:s5+$0x10310]  }
0x22d: {  	v4 =	vld [tilespmem:s5+$0x6310]  }
0x22e: {  	v13 =	vmul.f32 v3, v0;
	v0 =	vld [tilespmem:s5+$0x10320]  }
0x22f: {  	v3 =	vld [tilespmem:s5+$0x6320]  }
0x230: {  	v14 =	vmul.f32 v5, v2;
	v5 =	vld [tilespmem:s5+$0x10330]  }
0x231: {  	v15 =	vld [tilespmem:s5+$0x6330]  }
0x232: {  	v1 =	vmul.f32 v4, v1;
	v4 =	vld [tilespmem:s5+$0x10380]  }
0x233: {  	v16 =	vld [tilespmem:s5+$0x6380]  }
0x234: {  	v2 =	vmul.f32 v3, v0;
	v17 =	vld [tilespmem:s5+$0x10390]  }
0x235: {  	v18 =	vld [tilespmem:s5+$0x6390]  }
0x236: {  	v0 =	vmul.f32 v15, v5;
	v5 =	vld [tilespmem:s5+$0x103A0]  }
0x237: {  	v15 =	vld [tilespmem:s5+$0x63A0]  }
0x238: {  	v19 =	vld [tilespmem:s5+$0x10240];
	v3 =	vmul.f32 v16, v4  }
0x239: {  	v16 =	vld [tilespmem:s5+$0x10250]  }
0x23a: {  	v20 =	vld [tilespmem:s5+$0x10260];
	v4 =	vmul.f32 v18, v17  }
0x23b: {  	v17 =	vld [tilespmem:s5+$0x10270]  }
0x23c: {  	v18 =	vld [tilespmem:s5+$0x102C0];
	v5 =	vmul.f32 v15, v5  }
0x23d: {  	v6 =	vadd.f32 v6, v19;
	v15 =	vld [tilespmem:s5+$0x102D0]  }
0x23e: {  	v8 =	vadd.f32 v8, v16;
	v16 =	vld [tilespmem:s5+$0x102E0]  }
0x23f: {  	[tilespmem:s5+$0x6200] =	vst v6;
	v6 =	vadd.f32 v7, v20;
	v19 =	vld [tilespmem:s5+$0x102F0]  }
0x240: {  	[tilespmem:s5+$0x6210] =	vst v8;
	v7 =	vadd.f32 v9, v17;
	v17 =	vld [tilespmem:s5+$0x10340]  }
.Ltmp3:
0x241: {  	[tilespmem:s5+$0x6220] =	vst v6;
	v8 =	vadd.f32 v10, v18;
	v6 =	vld [tilespmem:s5+$0x10350];
	(pc) =	sbr.rel @p0 .LBB2_8-.Ltmp3, $4  }
0x242: {  	[tilespmem:s5+$0x6230] =	vst v7;
	v9 =	vadd.f32 v11, v15;
	v7 =	vld [tilespmem:s5+$0x10360]  }
0x243: {  	[tilespmem:s5+$0x6280] =	vst v8;
	v10 =	vadd.f32 v12, v16;
	v8 =	vld [tilespmem:s5+$0x10370]  }
0x244: {  	[tilespmem:s5+$0x6290] =	vst v9;
	v12 =	vadd.f32 v13, v19;
	v9 =	vld [tilespmem:s5+$0x103C0]  }
0x245: {  	s7 =	sadd.s32 $0x800, s7;
	[tilespmem:s5+$0x62A0] =	vst v10;
	v11 =	vadd.f32 v14, v17;
	v10 =	vld [tilespmem:s5+$0x103D0]  }
0x246: {  	[tilespmem:s5+$0x62B0] =	vst v12;
	v1 =	vadd.f32 v1, v6;
	v6 =	vld [tilespmem:s5+$0x103E0]  }
0x247: {  	[tilespmem:s5+$0x6300] =	vst v11;
	v2 =	vadd.f32 v2, v7  }
0x248: {  	[tilespmem:s5+$0x6310] =	vst v1;
	v0 =	vadd.f32 v0, v8  }
0x249: {  	[tilespmem:s5+$0x6320] =	vst v2;
	v1 =	vadd.f32 v3, v9  }
0x24a: {  	[tilespmem:s5+$0x6330] =	vst v0;
	v0 =	vadd.f32 v4, v10  }
0x24b: {  	[tilespmem:s5+$0x6380] =	vst v1;
	v1 =	vadd.f32 v5, v6  }
0x24c: {  	[tilespmem:s5+$0x6390] =	vst v0  }
0x24d: {  	s7 =	simm.s32 $0x0;
	s6 =	simm.s32 $0x6200;
	[tilespmem:s5+$0x63A0] =	vst v1  }
0x24e: {  	[hbm4b:s16+s7] =	stream.linear.scatter [tilespmem:s6], [sflag:$0x5], $0x2000, $0x38;
	[tilespmem:$0x16200] =	vst v63  }
0x24f: {  	s8 =	simm.s32 $0x180  }
0x250: {  	[tilespmem:s24], [sflag:$0x2] =	stream.indirect.gather [hbm4b:s1+s23], $0x80, s8, s23, $0xb8;
	[tilespmem:$0x16200] =	vst v63  }
0x251: {  	_ =	swait.ge [sflag:s0], $0x2000  }
0x252: {  	[sflag:s0] =	ssyncset.done $0x0  }
0x253: {  	[sflag:s0] =	ssyncadd.s32 $0xFFFFE000  }
0x254: {  	_ =	swait.ge [sflag:s31], $0x2000  }
0x255: {  	[sflag:s31] =	ssyncset.done $0x0  }
0x256: {  	s5 =	simm.s32 $0x0;
	[sflag:s31] =	ssyncadd.s32 $0xFFFFE000  }
0x257: {  	v0 =	vld [tilespmem:s5+$0x123B0]  }
0x258: {  	v1 =	vld [tilespmem:s5+$0x83B0]  }
0x259: {  	v2 =	vld [tilespmem:s5+$0x12200]  }
0x25a: {  	v3 =	vld [tilespmem:s5+$0x123F0]  }
0x25b: {  	v4 =	vld [tilespmem:s5+$0x8200]  }
0x25c: {  	v5 =	vld [tilespmem:s5+$0x12210]  }
0x25d: {  	v6 =	vld [tilespmem:s5+$0x8210]  }
0x25e: {  	v7 =	vld [tilespmem:s5+$0x12220]  }
0x25f: {  	v8 =	vld [tilespmem:s5+$0x8220]  }
0x260: {  	v9 =	vld [tilespmem:s5+$0x12230]  }
0x261: {  	v10 =	vld [tilespmem:s5+$0x8230]  }
0x262: {  	v11 =	vld [tilespmem:s5+$0x12280]  }
0x263: {  	v12 =	vld [tilespmem:s5+$0x8280]  }
0x264: {  	v13 =	vld [tilespmem:s5+$0x12290]  }
0x265: {  	v14 =	vld [tilespmem:s5+$0x8290]  }
0x266: {  	v15 =	vld [tilespmem:s5+$0x122A0]  }
0x267: {  	v16 =	vld [tilespmem:s5+$0x82A0]  }
0x268: {  	v17 =	vld [tilespmem:s5+$0x122B0]  }
0x269: {  	v18 =	vld [tilespmem:s5+$0x82B0]  }
0x26a: {  	v19 =	vld [tilespmem:s5+$0x12300]  }
0x26b: {  	v20 =	vld [tilespmem:s5+$0x8300]  }
0x26c: {  	v21 =	vld [tilespmem:s5+$0x12310]  }
0x26d: {  	v22 =	vld [tilespmem:s5+$0x12320]  }
0x26e: {  	v23 =	vld [tilespmem:s5+$0x12330]  }
0x26f: {  	v24 =	vld [tilespmem:s5+$0x12380]  }
0x270: {  	v25 =	vld [tilespmem:s5+$0x8380]  }
0x271: {  	v26 =	vld [tilespmem:s5+$0x12390]  }
0x272: {  	v27 =	vld [tilespmem:s5+$0x8390]  }
0x273: {  	v28 =	vld [tilespmem:s5+$0x123A0]  }
0x274: {  	v29 =	vld [tilespmem:s5+$0x83A0]  }
0x275: {  	v30 =	vld [tilespmem:s5+$0x12240]  }
0x276: {  	v31 =	vld [tilespmem:s5+$0x12250]  }
0x277: {  	v32 =	vld [tilespmem:s5+$0x12260]  }
0x278: {  	v0 =	vmul.f32 v1, v0;
	v1 =	vld [tilespmem:s5+$0x8310]  }
0x279: {  	v2 =	vmul.f32 v4, v2;
	v4 =	vld [tilespmem:s5+$0x12270]  }
0x27a: {  	v5 =	vmul.f32 v6, v5;
	v6 =	vld [tilespmem:s5+$0x122C0]  }
0x27b: {  	v7 =	vmul.f32 v8, v7;
	v8 =	vld [tilespmem:s5+$0x122D0]  }
0x27c: {  	v9 =	vmul.f32 v10, v9;
	v10 =	vld [tilespmem:s5+$0x122E0];
	v0 =	vadd.f32 v0, v3  }
0x27d: {  	v11 =	vmul.f32 v12, v11;
	v12 =	vld [tilespmem:s5+$0x122F0];
	v2 =	vadd.f32 v2, v30  }
0x27e: {  	v3 =	vld [tilespmem:s5+$0x8320];
	v5 =	vadd.f32 v5, v31;
	[tilespmem:s5+$0x83B0] =	vst v0  }
0x27f: {  	v0 =	vld [tilespmem:s5+$0x8330];
	[tilespmem:s5+$0x8200] =	vst v2;
	v2 =	vadd.f32 v7, v32  }
0x280: {  	v7 =	vmul.f32 v14, v13;
	[tilespmem:s5+$0x8210] =	vst v5;
	v13 =	vld [tilespmem:s5+$0x12340];
	v4 =	vadd.f32 v9, v4  }
0x281: {  	v5 =	vmul.f32 v16, v15;
	v9 =	vadd.f32 v11, v6;
	v6 =	vld [tilespmem:s5+$0x12350];
	[tilespmem:s5+$0x8220] =	vst v2  }
0x282: {  	v14 =	vmul.f32 v18, v17;
	v11 =	vmul.f32 v20, v19;
	v15 =	vadd.f32 v7, v8;
	v7 =	vld [tilespmem:s5+$0x12360];
	[tilespmem:s5+$0x8230] =	vst v4  }
0x283: {  	v1 =	vmul.f32 v1, v21;
	v10 =	vadd.f32 v5, v10;
	v8 =	vld [tilespmem:s5+$0x12370];
	v5 =	vmul.f32 v29, v28;
	[tilespmem:s5+$0x8280] =	vst v9  }
0x284: {  	v12 =	vadd.f32 v14, v12;
	v2 =	vmul.f32 v3, v22;
	v3 =	vmul.f32 v25, v24;
	v9 =	vld [tilespmem:s5+$0x123C0];
	[tilespmem:s5+$0x8290] =	vst v15  }
0x285: {  	s6 =	simm.s32 $0x0;
	s7 =	simm.s32 $0x800;
	v4 =	vmul.f32 v27, v26;
	[tilespmem:s5+$0x82A0] =	vst v10;
	v10 =	vld [tilespmem:s5+$0x123D0];
	v0 =	vmul.f32 v0, v23;
	v11 =	vadd.f32 v11, v13  }
.LBB2_10:
0x286: {  	s8 =	sshra.s32 s7, $0x2;
	[tilespmem:s5+$0x82B0] =	vst v12;
	v1 =	vadd.f32 v1, v6;
	v6 =	vld [tilespmem:s5+$0x123E0]  }
0x287: {  	s6 =	sadd.s32 $0x4, s6;
	v12 =	vld [tilespmem:s8+$0x123B0];
	[tilespmem:s5+$0x8300] =	vst v11;
	v2 =	vadd.f32 v2, v7  }
0x288: {  	p0 =	slt.u32 s6, $0x3C;
	v7 =	vld [tilespmem:s8+$0x83B0];
	[tilespmem:s5+$0x8310] =	vst v1;
	v0 =	vadd.f32 v0, v8  }
0x289: {  	v1 =	vld [tilespmem:s8+$0x12200];
	[tilespmem:s5+$0x8320] =	vst v2;
	v2 =	vadd.f32 v3, v9  }
0x28a: {  	v3 =	vld [tilespmem:s8+$0x123F0];
	[tilespmem:s5+$0x8330] =	vst v0;
	v0 =	vadd.f32 v4, v10  }
0x28b: {  	v4 =	vld [tilespmem:s8+$0x8200];
	[tilespmem:s5+$0x8380] =	vst v2;
	v2 =	vadd.f32 v5, v6  }
0x28c: {  	v5 =	vld [tilespmem:s8+$0x12210];
	[tilespmem:s5+$0x8390] =	vst v0  }
0x28d: {  	v0 =	vld [tilespmem:s8+$0x8210];
	v6 =	vmul.f32 v7, v12;
	[tilespmem:s5+$0x83A0] =	vst v2;
	s5 =	smov.u32 s8  }
0x28e: {  	v2 =	vld [tilespmem:s5+$0x12220]  }
0x28f: {  	v7 =	vld [tilespmem:s5+$0x8220];
	v3 =	vadd.f32 v6, v3  }
0x290: {  	v6 =	vmul.f32 v4, v1;
	v1 =	vld [tilespmem:s5+$0x12230]  }
0x291: {  	v4 =	vld [tilespmem:s5+$0x8230];
	[tilespmem:s5+$0x83B0] =	vst v3  }
0x292: {  	v8 =	vmul.f32 v0, v5;
	v0 =	vld [tilespmem:s5+$0x12280]  }
0x293: {  	v3 =	vld [tilespmem:s5+$0x8280]  }
0x294: {  	v7 =	vmul.f32 v7, v2;
	v2 =	vld [tilespmem:s5+$0x12290]  }
0x295: {  	v5 =	vld [tilespmem:s5+$0x8290]  }
0x296: {  	v9 =	vmul.f32 v4, v1;
	v1 =	vld [tilespmem:s5+$0x122A0]  }
0x297: {  	v4 =	vld [tilespmem:s5+$0x82A0]  }
0x298: {  	v10 =	vmul.f32 v3, v0;
	v0 =	vld [tilespmem:s5+$0x122B0]  }
0x299: {  	v3 =	vld [tilespmem:s5+$0x82B0]  }
0x29a: {  	v11 =	vmul.f32 v5, v2;
	v2 =	vld [tilespmem:s5+$0x12300]  }
0x29b: {  	v5 =	vld [tilespmem:s5+$0x8300]  }
0x29c: {  	v12 =	vmul.f32 v4, v1;
	v1 =	vld [tilespmem:s5+$0x12310]  }
0x29d: {  	v4 =	vld [tilespmem:s5+$0x8310]  }
0x29e: {  	v13 =	vmul.f32 v3, v0;
	v0 =	vld [tilespmem:s5+$0x12320]  }
0x29f: {  	v3 =	vld [tilespmem:s5+$0x8320]  }
0x2a0: {  	v14 =	vmul.f32 v5, v2;
	v5 =	vld [tilespmem:s5+$0x12330]  }
0x2a1: {  	v15 =	vld [tilespmem:s5+$0x8330]  }
0x2a2: {  	v1 =	vmul.f32 v4, v1;
	v4 =	vld [tilespmem:s5+$0x12380]  }
0x2a3: {  	v16 =	vld [tilespmem:s5+$0x8380]  }
0x2a4: {  	v2 =	vmul.f32 v3, v0;
	v17 =	vld [tilespmem:s5+$0x12390]  }
0x2a5: {  	v18 =	vld [tilespmem:s5+$0x8390]  }
0x2a6: {  	v0 =	vmul.f32 v15, v5;
	v5 =	vld [tilespmem:s5+$0x123A0]  }
0x2a7: {  	v15 =	vld [tilespmem:s5+$0x83A0]  }
0x2a8: {  	v19 =	vld [tilespmem:s5+$0x12240];
	v3 =	vmul.f32 v16, v4  }
0x2a9: {  	v16 =	vld [tilespmem:s5+$0x12250]  }
0x2aa: {  	v20 =	vld [tilespmem:s5+$0x12260];
	v4 =	vmul.f32 v18, v17  }
0x2ab: {  	v17 =	vld [tilespmem:s5+$0x12270]  }
0x2ac: {  	v18 =	vld [tilespmem:s5+$0x122C0];
	v5 =	vmul.f32 v15, v5  }
0x2ad: {  	v6 =	vadd.f32 v6, v19;
	v15 =	vld [tilespmem:s5+$0x122D0]  }
0x2ae: {  	v8 =	vadd.f32 v8, v16;
	v16 =	vld [tilespmem:s5+$0x122E0]  }
0x2af: {  	[tilespmem:s5+$0x8200] =	vst v6;
	v6 =	vadd.f32 v7, v20;
	v19 =	vld [tilespmem:s5+$0x122F0]  }
0x2b0: {  	[tilespmem:s5+$0x8210] =	vst v8;
	v7 =	vadd.f32 v9, v17;
	v17 =	vld [tilespmem:s5+$0x12340]  }
.Ltmp4:
0x2b1: {  	[tilespmem:s5+$0x8220] =	vst v6;
	v8 =	vadd.f32 v10, v18;
	v6 =	vld [tilespmem:s5+$0x12350];
	(pc) =	sbr.rel @p0 .LBB2_10-.Ltmp4, $4  }
0x2b2: {  	[tilespmem:s5+$0x8230] =	vst v7;
	v9 =	vadd.f32 v11, v15;
	v7 =	vld [tilespmem:s5+$0x12360]  }
0x2b3: {  	[tilespmem:s5+$0x8280] =	vst v8;
	v10 =	vadd.f32 v12, v16;
	v8 =	vld [tilespmem:s5+$0x12370]  }
0x2b4: {  	[tilespmem:s5+$0x8290] =	vst v9;
	v12 =	vadd.f32 v13, v19;
	v9 =	vld [tilespmem:s5+$0x123C0]  }
0x2b5: {  	s7 =	sadd.s32 $0x800, s7;
	[tilespmem:s5+$0x82A0] =	vst v10;
	v11 =	vadd.f32 v14, v17;
	v10 =	vld [tilespmem:s5+$0x123D0]  }
0x2b6: {  	[tilespmem:s5+$0x82B0] =	vst v12;
	v1 =	vadd.f32 v1, v6;
	v6 =	vld [tilespmem:s5+$0x123E0]  }
0x2b7: {  	[tilespmem:s5+$0x8300] =	vst v11;
	v2 =	vadd.f32 v2, v7  }
0x2b8: {  	[tilespmem:s5+$0x8310] =	vst v1;
	v0 =	vadd.f32 v0, v8  }
0x2b9: {  	[tilespmem:s5+$0x8320] =	vst v2;
	v1 =	vadd.f32 v3, v9  }
0x2ba: {  	[tilespmem:s5+$0x8330] =	vst v0;
	v0 =	vadd.f32 v4, v10  }
0x2bb: {  	[tilespmem:s5+$0x8380] =	vst v1;
	v1 =	vadd.f32 v5, v6  }
0x2bc: {  	[tilespmem:s5+$0x8390] =	vst v0  }
0x2bd: {  	s7 =	simm.s32 $0x0;
	s6 =	simm.s32 $0x8200;
	[tilespmem:s5+$0x83A0] =	vst v1  }
0x2be: {  	[hbm4b:s17+s7] =	stream.linear.scatter [tilespmem:s6], [sflag:$0x5], $0x2000, $0x38;
	[tilespmem:$0x16200] =	vst v63  }
0x2bf: {  	s8 =	simm.s32 $0x1C0  }
0x2c0: {  	[tilespmem:s25], [sflag:$0x3] =	stream.indirect.gather [hbm4b:s1+s23], $0x80, s8, s23, $0xb8;
	[tilespmem:$0x16200] =	vst v63  }
0x2c1: {  	_ =	swait.ge [sflag:s2], $0x2000  }
0x2c2: {  	[sflag:s2] =	ssyncset.done $0x0  }
0x2c3: {  	[sflag:s2] =	ssyncadd.s32 $0xFFFFE000  }
0x2c4: {  	_ =	swait.ge [sflag:s31], $0x2000  }
0x2c5: {  	[sflag:s31] =	ssyncset.done $0x0  }
0x2c6: {  	s5 =	simm.s32 $0x0;
	[sflag:s31] =	ssyncadd.s32 $0xFFFFE000  }
0x2c7: {  	v0 =	vld [tilespmem:s5+$0x143B0]  }
0x2c8: {  	v1 =	vld [tilespmem:s5+$0xA3B0]  }
0x2c9: {  	v2 =	vld [tilespmem:s5+$0x14200]  }
0x2ca: {  	v3 =	vld [tilespmem:s5+$0x143F0]  }
0x2cb: {  	v4 =	vld [tilespmem:s5+$0xA200]  }
0x2cc: {  	v5 =	vld [tilespmem:s5+$0x14210]  }
0x2cd: {  	v6 =	vld [tilespmem:s5+$0xA210]  }
0x2ce: {  	v7 =	vld [tilespmem:s5+$0x14220]  }
0x2cf: {  	v8 =	vld [tilespmem:s5+$0xA220]  }
0x2d0: {  	v9 =	vld [tilespmem:s5+$0x14230]  }
0x2d1: {  	v10 =	vld [tilespmem:s5+$0xA230]  }
0x2d2: {  	v11 =	vld [tilespmem:s5+$0x14280]  }
0x2d3: {  	v12 =	vld [tilespmem:s5+$0xA280]  }
0x2d4: {  	v13 =	vld [tilespmem:s5+$0x14290]  }
0x2d5: {  	v14 =	vld [tilespmem:s5+$0xA290]  }
0x2d6: {  	v15 =	vld [tilespmem:s5+$0x142A0]  }
0x2d7: {  	v16 =	vld [tilespmem:s5+$0xA2A0]  }
0x2d8: {  	v17 =	vld [tilespmem:s5+$0x142B0]  }
0x2d9: {  	v18 =	vld [tilespmem:s5+$0xA2B0]  }
0x2da: {  	v19 =	vld [tilespmem:s5+$0x14300]  }
0x2db: {  	v20 =	vld [tilespmem:s5+$0xA300]  }
0x2dc: {  	v21 =	vld [tilespmem:s5+$0x14310]  }
0x2dd: {  	v22 =	vld [tilespmem:s5+$0x14320]  }
0x2de: {  	v23 =	vld [tilespmem:s5+$0x14330]  }
0x2df: {  	v24 =	vld [tilespmem:s5+$0x14380]  }
0x2e0: {  	v25 =	vld [tilespmem:s5+$0xA380]  }
0x2e1: {  	v26 =	vld [tilespmem:s5+$0x14390]  }
0x2e2: {  	v27 =	vld [tilespmem:s5+$0xA390]  }
0x2e3: {  	v28 =	vld [tilespmem:s5+$0x143A0]  }
0x2e4: {  	v29 =	vld [tilespmem:s5+$0xA3A0]  }
0x2e5: {  	v30 =	vld [tilespmem:s5+$0x14240]  }
0x2e6: {  	v31 =	vld [tilespmem:s5+$0x14250]  }
0x2e7: {  	v32 =	vld [tilespmem:s5+$0x14260]  }
0x2e8: {  	v0 =	vmul.f32 v1, v0;
	v1 =	vld [tilespmem:s5+$0xA310]  }
0x2e9: {  	v2 =	vmul.f32 v4, v2;
	v4 =	vld [tilespmem:s5+$0x14270]  }
0x2ea: {  	v5 =	vmul.f32 v6, v5;
	v6 =	vld [tilespmem:s5+$0x142C0]  }
0x2eb: {  	v7 =	vmul.f32 v8, v7;
	v8 =	vld [tilespmem:s5+$0x142D0]  }
0x2ec: {  	v9 =	vmul.f32 v10, v9;
	v10 =	vld [tilespmem:s5+$0x142E0];
	v0 =	vadd.f32 v0, v3  }
0x2ed: {  	v11 =	vmul.f32 v12, v11;
	v12 =	vld [tilespmem:s5+$0x142F0];
	v2 =	vadd.f32 v2, v30  }
0x2ee: {  	v3 =	vld [tilespmem:s5+$0xA320];
	v5 =	vadd.f32 v5, v31;
	[tilespmem:s5+$0xA3B0] =	vst v0  }
0x2ef: {  	v0 =	vld [tilespmem:s5+$0xA330];
	[tilespmem:s5+$0xA200] =	vst v2;
	v2 =	vadd.f32 v7, v32  }
0x2f0: {  	v7 =	vmul.f32 v14, v13;
	[tilespmem:s5+$0xA210] =	vst v5;
	v13 =	vld [tilespmem:s5+$0x14340];
	v4 =	vadd.f32 v9, v4  }
0x2f1: {  	v5 =	vmul.f32 v16, v15;
	v9 =	vadd.f32 v11, v6;
	v6 =	vld [tilespmem:s5+$0x14350];
	[tilespmem:s5+$0xA220] =	vst v2  }
0x2f2: {  	v14 =	vmul.f32 v18, v17;
	v11 =	vmul.f32 v20, v19;
	v15 =	vadd.f32 v7, v8;
	v7 =	vld [tilespmem:s5+$0x14360];
	[tilespmem:s5+$0xA230] =	vst v4  }
0x2f3: {  	v1 =	vmul.f32 v1, v21;
	v10 =	vadd.f32 v5, v10;
	v8 =	vld [tilespmem:s5+$0x14370];
	v5 =	vmul.f32 v29, v28;
	[tilespmem:s5+$0xA280] =	vst v9  }
0x2f4: {  	v12 =	vadd.f32 v14, v12;
	v2 =	vmul.f32 v3, v22;
	v3 =	vmul.f32 v25, v24;
	v9 =	vld [tilespmem:s5+$0x143C0];
	[tilespmem:s5+$0xA290] =	vst v15  }
0x2f5: {  	s6 =	simm.s32 $0x0;
	s7 =	simm.s32 $0x800;
	v4 =	vmul.f32 v27, v26;
	[tilespmem:s5+$0xA2A0] =	vst v10;
	v10 =	vld [tilespmem:s5+$0x143D0];
	v0 =	vmul.f32 v0, v23;
	v11 =	vadd.f32 v11, v13  }
.LBB2_12:
0x2f6: {  	s8 =	sshra.s32 s7, $0x2;
	[tilespmem:s5+$0xA2B0] =	vst v12;
	v1 =	vadd.f32 v1, v6;
	v6 =	vld [tilespmem:s5+$0x143E0]  }
0x2f7: {  	s6 =	sadd.s32 $0x4, s6;
	v12 =	vld [tilespmem:s8+$0x143B0];
	[tilespmem:s5+$0xA300] =	vst v11;
	v2 =	vadd.f32 v2, v7  }
0x2f8: {  	p0 =	slt.u32 s6, $0x3C;
	v7 =	vld [tilespmem:s8+$0xA3B0];
	[tilespmem:s5+$0xA310] =	vst v1;
	v0 =	vadd.f32 v0, v8  }
0x2f9: {  	v1 =	vld [tilespmem:s8+$0x14200];
	[tilespmem:s5+$0xA320] =	vst v2;
	v2 =	vadd.f32 v3, v9  }
0x2fa: {  	v3 =	vld [tilespmem:s8+$0x143F0];
	[tilespmem:s5+$0xA330] =	vst v0;
	v0 =	vadd.f32 v4, v10  }
0x2fb: {  	v4 =	vld [tilespmem:s8+$0xA200];
	[tilespmem:s5+$0xA380] =	vst v2;
	v2 =	vadd.f32 v5, v6  }
0x2fc: {  	v5 =	vld [tilespmem:s8+$0x14210];
	[tilespmem:s5+$0xA390] =	vst v0  }
0x2fd: {  	v0 =	vld [tilespmem:s8+$0xA210];
	v6 =	vmul.f32 v7, v12;
	[tilespmem:s5+$0xA3A0] =	vst v2;
	s5 =	smov.u32 s8  }
0x2fe: {  	v2 =	vld [tilespmem:s5+$0x14220]  }
0x2ff: {  	v7 =	vld [tilespmem:s5+$0xA220];
	v3 =	vadd.f32 v6, v3  }
0x300: {  	v6 =	vmul.f32 v4, v1;
	v1 =	vld [tilespmem:s5+$0x14230]  }
0x301: {  	v4 =	vld [tilespmem:s5+$0xA230];
	[tilespmem:s5+$0xA3B0] =	vst v3  }
0x302: {  	v8 =	vmul.f32 v0, v5;
	v0 =	vld [tilespmem:s5+$0x14280]  }
0x303: {  	v3 =	vld [tilespmem:s5+$0xA280]  }
0x304: {  	v7 =	vmul.f32 v7, v2;
	v2 =	vld [tilespmem:s5+$0x14290]  }
0x305: {  	v5 =	vld [tilespmem:s5+$0xA290]  }
0x306: {  	v9 =	vmul.f32 v4, v1;
	v1 =	vld [tilespmem:s5+$0x142A0]  }
0x307: {  	v4 =	vld [tilespmem:s5+$0xA2A0]  }
0x308: {  	v10 =	vmul.f32 v3, v0;
	v0 =	vld [tilespmem:s5+$0x142B0]  }
0x309: {  	v3 =	vld [tilespmem:s5+$0xA2B0]  }
0x30a: {  	v11 =	vmul.f32 v5, v2;
	v2 =	vld [tilespmem:s5+$0x14300]  }
0x30b: {  	v5 =	vld [tilespmem:s5+$0xA300]  }
0x30c: {  	v12 =	vmul.f32 v4, v1;
	v1 =	vld [tilespmem:s5+$0x14310]  }
0x30d: {  	v4 =	vld [tilespmem:s5+$0xA310]  }
0x30e: {  	v13 =	vmul.f32 v3, v0;
	v0 =	vld [tilespmem:s5+$0x14320]  }
0x30f: {  	v3 =	vld [tilespmem:s5+$0xA320]  }
0x310: {  	v14 =	vmul.f32 v5, v2;
	v5 =	vld [tilespmem:s5+$0x14330]  }
0x311: {  	v15 =	vld [tilespmem:s5+$0xA330]  }
0x312: {  	v1 =	vmul.f32 v4, v1;
	v4 =	vld [tilespmem:s5+$0x14380]  }
0x313: {  	v16 =	vld [tilespmem:s5+$0xA380]  }
0x314: {  	v2 =	vmul.f32 v3, v0;
	v17 =	vld [tilespmem:s5+$0x14390]  }
0x315: {  	v18 =	vld [tilespmem:s5+$0xA390]  }
0x316: {  	v0 =	vmul.f32 v15, v5;
	v5 =	vld [tilespmem:s5+$0x143A0]  }
0x317: {  	v15 =	vld [tilespmem:s5+$0xA3A0]  }
0x318: {  	v19 =	vld [tilespmem:s5+$0x14240];
	v3 =	vmul.f32 v16, v4  }
0x319: {  	v16 =	vld [tilespmem:s5+$0x14250]  }
0x31a: {  	v20 =	vld [tilespmem:s5+$0x14260];
	v4 =	vmul.f32 v18, v17  }
0x31b: {  	v17 =	vld [tilespmem:s5+$0x14270]  }
0x31c: {  	v18 =	vld [tilespmem:s5+$0x142C0];
	v5 =	vmul.f32 v15, v5  }
0x31d: {  	v6 =	vadd.f32 v6, v19;
	v15 =	vld [tilespmem:s5+$0x142D0]  }
0x31e: {  	v8 =	vadd.f32 v8, v16;
	v16 =	vld [tilespmem:s5+$0x142E0]  }
0x31f: {  	[tilespmem:s5+$0xA200] =	vst v6;
	v6 =	vadd.f32 v7, v20;
	v19 =	vld [tilespmem:s5+$0x142F0]  }
0x320: {  	[tilespmem:s5+$0xA210] =	vst v8;
	v7 =	vadd.f32 v9, v17;
	v17 =	vld [tilespmem:s5+$0x14340]  }
.Ltmp5:
0x321: {  	[tilespmem:s5+$0xA220] =	vst v6;
	v8 =	vadd.f32 v10, v18;
	v6 =	vld [tilespmem:s5+$0x14350];
	(pc) =	sbr.rel @p0 .LBB2_12-.Ltmp5, $4  }
0x322: {  	[tilespmem:s5+$0xA230] =	vst v7;
	v9 =	vadd.f32 v11, v15;
	v7 =	vld [tilespmem:s5+$0x14360]  }
0x323: {  	[tilespmem:s5+$0xA280] =	vst v8;
	v10 =	vadd.f32 v12, v16;
	v8 =	vld [tilespmem:s5+$0x14370]  }
0x324: {  	[tilespmem:s5+$0xA290] =	vst v9;
	v12 =	vadd.f32 v13, v19;
	v9 =	vld [tilespmem:s5+$0x143C0]  }
0x325: {  	s7 =	sadd.s32 $0x800, s7;
	[tilespmem:s5+$0xA2A0] =	vst v10;
	v11 =	vadd.f32 v14, v17;
	v10 =	vld [tilespmem:s5+$0x143D0]  }
0x326: {  	[tilespmem:s5+$0xA2B0] =	vst v12;
	v1 =	vadd.f32 v1, v6;
	v6 =	vld [tilespmem:s5+$0x143E0]  }
0x327: {  	[tilespmem:s5+$0xA300] =	vst v11;
	v2 =	vadd.f32 v2, v7  }
0x328: {  	[tilespmem:s5+$0xA310] =	vst v1;
	v0 =	vadd.f32 v0, v8  }
0x329: {  	[tilespmem:s5+$0xA320] =	vst v2;
	v1 =	vadd.f32 v3, v9  }
0x32a: {  	[tilespmem:s5+$0xA330] =	vst v0;
	v0 =	vadd.f32 v4, v10  }
0x32b: {  	[tilespmem:s5+$0xA380] =	vst v1;
	v1 =	vadd.f32 v5, v6  }
0x32c: {  	[tilespmem:s5+$0xA390] =	vst v0  }
0x32d: {  	s8 =	simm.s32 $0x0;
	s6 =	simm.s32 $0xA200;
	[tilespmem:s5+$0xA3A0] =	vst v1  }
0x32e: {  	[hbm4b:s18+s8] =	stream.linear.scatter [tilespmem:s6], [sflag:$0x5], $0x2000, $0x38;
	[tilespmem:$0x16200] =	vst v63  }
0x32f: {  	_ =	swait.ge [sflag:s30], $0x2000  }
0x330: {  	[sflag:s30] =	ssyncset.done $0x0  }
0x331: {  	[sflag:s30] =	ssyncadd.s32 $0xFFFFE000  }
0x332: {  	_ =	swait.ge [sflag:s31], $0x2000  }
0x333: {  	[sflag:s31] =	ssyncset.done $0x0  }
0x334: {  	s5 =	simm.s32 $0x0;
	[sflag:s31] =	ssyncadd.s32 $0xFFFFE000  }
0x335: {  	v0 =	vld [tilespmem:s5+$0x103B0]  }
0x336: {  	v1 =	vld [tilespmem:s5+$0xC3B0]  }
0x337: {  	v2 =	vld [tilespmem:s5+$0x10200]  }
0x338: {  	v3 =	vld [tilespmem:s5+$0x103F0]  }
0x339: {  	v4 =	vld [tilespmem:s5+$0xC200]  }
0x33a: {  	v5 =	vld [tilespmem:s5+$0x10210]  }
0x33b: {  	v6 =	vld [tilespmem:s5+$0xC210]  }
0x33c: {  	v7 =	vld [tilespmem:s5+$0x10220]  }
0x33d: {  	v8 =	vld [tilespmem:s5+$0xC220]  }
0x33e: {  	v9 =	vld [tilespmem:s5+$0x10230]  }
0x33f: {  	v10 =	vld [tilespmem:s5+$0xC230]  }
0x340: {  	v11 =	vld [tilespmem:s5+$0x10280]  }
0x341: {  	v12 =	vld [tilespmem:s5+$0xC280]  }
0x342: {  	v13 =	vld [tilespmem:s5+$0x10290]  }
0x343: {  	v14 =	vld [tilespmem:s5+$0xC290]  }
0x344: {  	v15 =	vld [tilespmem:s5+$0x102A0]  }
0x345: {  	v16 =	vld [tilespmem:s5+$0xC2A0]  }
0x346: {  	v17 =	vld [tilespmem:s5+$0x102B0]  }
0x347: {  	v18 =	vld [tilespmem:s5+$0xC2B0]  }
0x348: {  	v19 =	vld [tilespmem:s5+$0x10300]  }
0x349: {  	v20 =	vld [tilespmem:s5+$0xC300]  }
0x34a: {  	v21 =	vld [tilespmem:s5+$0x10310]  }
0x34b: {  	v22 =	vld [tilespmem:s5+$0x10320]  }
0x34c: {  	v23 =	vld [tilespmem:s5+$0x10330]  }
0x34d: {  	v24 =	vld [tilespmem:s5+$0x10380]  }
0x34e: {  	v25 =	vld [tilespmem:s5+$0xC380]  }
0x34f: {  	v26 =	vld [tilespmem:s5+$0x10390]  }
0x350: {  	v27 =	vld [tilespmem:s5+$0xC390]  }
0x351: {  	v28 =	vld [tilespmem:s5+$0x103A0]  }
0x352: {  	v29 =	vld [tilespmem:s5+$0xC3A0]  }
0x353: {  	v30 =	vld [tilespmem:s5+$0x10240]  }
0x354: {  	v31 =	vld [tilespmem:s5+$0x10250]  }
0x355: {  	v32 =	vld [tilespmem:s5+$0x10260]  }
0x356: {  	v0 =	vmul.f32 v1, v0;
	v1 =	vld [tilespmem:s5+$0xC310]  }
0x357: {  	v2 =	vmul.f32 v4, v2;
	v4 =	vld [tilespmem:s5+$0x10270]  }
0x358: {  	v5 =	vmul.f32 v6, v5;
	v6 =	vld [tilespmem:s5+$0x102C0]  }
0x359: {  	v7 =	vmul.f32 v8, v7;
	v8 =	vld [tilespmem:s5+$0x102D0]  }
0x35a: {  	v9 =	vmul.f32 v10, v9;
	v10 =	vld [tilespmem:s5+$0x102E0];
	v0 =	vadd.f32 v0, v3  }
0x35b: {  	v11 =	vmul.f32 v12, v11;
	v12 =	vld [tilespmem:s5+$0x102F0];
	v2 =	vadd.f32 v2, v30  }
0x35c: {  	v3 =	vld [tilespmem:s5+$0xC320];
	v5 =	vadd.f32 v5, v31;
	[tilespmem:s5+$0xC3B0] =	vst v0  }
0x35d: {  	v0 =	vld [tilespmem:s5+$0xC330];
	[tilespmem:s5+$0xC200] =	vst v2;
	v2 =	vadd.f32 v7, v32  }
0x35e: {  	v7 =	vmul.f32 v14, v13;
	[tilespmem:s5+$0xC210] =	vst v5;
	v13 =	vld [tilespmem:s5+$0x10340];
	v4 =	vadd.f32 v9, v4  }
0x35f: {  	v5 =	vmul.f32 v16, v15;
	v9 =	vadd.f32 v11, v6;
	v6 =	vld [tilespmem:s5+$0x10350];
	[tilespmem:s5+$0xC220] =	vst v2  }
0x360: {  	v14 =	vmul.f32 v18, v17;
	v11 =	vmul.f32 v20, v19;
	v15 =	vadd.f32 v7, v8;
	v7 =	vld [tilespmem:s5+$0x10360];
	[tilespmem:s5+$0xC230] =	vst v4  }
0x361: {  	v1 =	vmul.f32 v1, v21;
	v10 =	vadd.f32 v5, v10;
	v8 =	vld [tilespmem:s5+$0x10370];
	v5 =	vmul.f32 v29, v28;
	[tilespmem:s5+$0xC280] =	vst v9  }
0x362: {  	v12 =	vadd.f32 v14, v12;
	v2 =	vmul.f32 v3, v22;
	v3 =	vmul.f32 v25, v24;
	v9 =	vld [tilespmem:s5+$0x103C0];
	[tilespmem:s5+$0xC290] =	vst v15  }
0x363: {  	s7 =	simm.s32 $0x800;
	s6 =	simm.s32 $0x0;
	v4 =	vmul.f32 v27, v26;
	[tilespmem:s5+$0xC2A0] =	vst v10;
	v10 =	vld [tilespmem:s5+$0x103D0];
	v0 =	vmul.f32 v0, v23;
	v11 =	vadd.f32 v11, v13  }
.LBB2_14:
0x364: {  	s8 =	sshra.s32 s7, $0x2;
	[tilespmem:s5+$0xC2B0] =	vst v12;
	v1 =	vadd.f32 v1, v6;
	v6 =	vld [tilespmem:s5+$0x103E0]  }
0x365: {  	s6 =	sadd.s32 $0x4, s6;
	v12 =	vld [tilespmem:s8+$0x103B0];
	[tilespmem:s5+$0xC300] =	vst v11;
	v2 =	vadd.f32 v2, v7  }
0x366: {  	p0 =	slt.u32 s6, $0x3C;
	v7 =	vld [tilespmem:s8+$0xC3B0];
	[tilespmem:s5+$0xC310] =	vst v1;
	v0 =	vadd.f32 v0, v8  }
0x367: {  	v1 =	vld [tilespmem:s8+$0x10200];
	[tilespmem:s5+$0xC320] =	vst v2;
	v2 =	vadd.f32 v3, v9  }
0x368: {  	v3 =	vld [tilespmem:s8+$0x103F0];
	[tilespmem:s5+$0xC330] =	vst v0;
	v0 =	vadd.f32 v4, v10  }
0x369: {  	v4 =	vld [tilespmem:s8+$0xC200];
	[tilespmem:s5+$0xC380] =	vst v2;
	v2 =	vadd.f32 v5, v6  }
0x36a: {  	v5 =	vld [tilespmem:s8+$0x10210];
	[tilespmem:s5+$0xC390] =	vst v0  }
0x36b: {  	v0 =	vld [tilespmem:s8+$0xC210];
	v6 =	vmul.f32 v7, v12;
	[tilespmem:s5+$0xC3A0] =	vst v2;
	s5 =	smov.u32 s8  }
0x36c: {  	v2 =	vld [tilespmem:s5+$0x10220]  }
0x36d: {  	v7 =	vld [tilespmem:s5+$0xC220];
	v3 =	vadd.f32 v6, v3  }
0x36e: {  	v6 =	vmul.f32 v4, v1;
	v1 =	vld [tilespmem:s5+$0x10230]  }
0x36f: {  	v4 =	vld [tilespmem:s5+$0xC230];
	[tilespmem:s5+$0xC3B0] =	vst v3  }
0x370: {  	v8 =	vmul.f32 v0, v5;
	v0 =	vld [tilespmem:s5+$0x10280]  }
0x371: {  	v3 =	vld [tilespmem:s5+$0xC280]  }
0x372: {  	v7 =	vmul.f32 v7, v2;
	v2 =	vld [tilespmem:s5+$0x10290]  }
0x373: {  	v5 =	vld [tilespmem:s5+$0xC290]  }
0x374: {  	v9 =	vmul.f32 v4, v1;
	v1 =	vld [tilespmem:s5+$0x102A0]  }
0x375: {  	v4 =	vld [tilespmem:s5+$0xC2A0]  }
0x376: {  	v10 =	vmul.f32 v3, v0;
	v0 =	vld [tilespmem:s5+$0x102B0]  }
0x377: {  	v3 =	vld [tilespmem:s5+$0xC2B0]  }
0x378: {  	v11 =	vmul.f32 v5, v2;
	v2 =	vld [tilespmem:s5+$0x10300]  }
0x379: {  	v5 =	vld [tilespmem:s5+$0xC300]  }
0x37a: {  	v12 =	vmul.f32 v4, v1;
	v1 =	vld [tilespmem:s5+$0x10310]  }
0x37b: {  	v4 =	vld [tilespmem:s5+$0xC310]  }
0x37c: {  	v13 =	vmul.f32 v3, v0;
	v0 =	vld [tilespmem:s5+$0x10320]  }
0x37d: {  	v3 =	vld [tilespmem:s5+$0xC320]  }
0x37e: {  	v14 =	vmul.f32 v5, v2;
	v5 =	vld [tilespmem:s5+$0x10330]  }
0x37f: {  	v15 =	vld [tilespmem:s5+$0xC330]  }
0x380: {  	v1 =	vmul.f32 v4, v1;
	v4 =	vld [tilespmem:s5+$0x10380]  }
0x381: {  	v16 =	vld [tilespmem:s5+$0xC380]  }
0x382: {  	v2 =	vmul.f32 v3, v0;
	v17 =	vld [tilespmem:s5+$0x10390]  }
0x383: {  	v18 =	vld [tilespmem:s5+$0xC390]  }
0x384: {  	v0 =	vmul.f32 v15, v5;
	v5 =	vld [tilespmem:s5+$0x103A0]  }
0x385: {  	v15 =	vld [tilespmem:s5+$0xC3A0]  }
0x386: {  	v19 =	vld [tilespmem:s5+$0x10240];
	v3 =	vmul.f32 v16, v4  }
0x387: {  	v16 =	vld [tilespmem:s5+$0x10250]  }
0x388: {  	v20 =	vld [tilespmem:s5+$0x10260];
	v4 =	vmul.f32 v18, v17  }
0x389: {  	v17 =	vld [tilespmem:s5+$0x10270]  }
0x38a: {  	v18 =	vld [tilespmem:s5+$0x102C0];
	v5 =	vmul.f32 v15, v5  }
0x38b: {  	v6 =	vadd.f32 v6, v19;
	v15 =	vld [tilespmem:s5+$0x102D0]  }
0x38c: {  	v8 =	vadd.f32 v8, v16;
	v16 =	vld [tilespmem:s5+$0x102E0]  }
0x38d: {  	[tilespmem:s5+$0xC200] =	vst v6;
	v6 =	vadd.f32 v7, v20;
	v19 =	vld [tilespmem:s5+$0x102F0]  }
0x38e: {  	[tilespmem:s5+$0xC210] =	vst v8;
	v7 =	vadd.f32 v9, v17;
	v17 =	vld [tilespmem:s5+$0x10340]  }
.Ltmp6:
0x38f: {  	[tilespmem:s5+$0xC220] =	vst v6;
	v8 =	vadd.f32 v10, v18;
	v6 =	vld [tilespmem:s5+$0x10350];
	(pc) =	sbr.rel @p0 .LBB2_14-.Ltmp6, $4  }
0x390: {  	[tilespmem:s5+$0xC230] =	vst v7;
	v9 =	vadd.f32 v11, v15;
	v7 =	vld [tilespmem:s5+$0x10360]  }
0x391: {  	[tilespmem:s5+$0xC280] =	vst v8;
	v10 =	vadd.f32 v12, v16;
	v8 =	vld [tilespmem:s5+$0x10370]  }
0x392: {  	[tilespmem:s5+$0xC290] =	vst v9;
	v12 =	vadd.f32 v13, v19;
	v9 =	vld [tilespmem:s5+$0x103C0]  }
0x393: {  	s7 =	sadd.s32 $0x800, s7;
	[tilespmem:s5+$0xC2A0] =	vst v10;
	v11 =	vadd.f32 v14, v17;
	v10 =	vld [tilespmem:s5+$0x103D0]  }
0x394: {  	[tilespmem:s5+$0xC2B0] =	vst v12;
	v1 =	vadd.f32 v1, v6;
	v6 =	vld [tilespmem:s5+$0x103E0]  }
0x395: {  	[tilespmem:s5+$0xC300] =	vst v11;
	v2 =	vadd.f32 v2, v7  }
0x396: {  	[tilespmem:s5+$0xC310] =	vst v1;
	v0 =	vadd.f32 v0, v8  }
0x397: {  	[tilespmem:s5+$0xC320] =	vst v2;
	v1 =	vadd.f32 v3, v9  }
0x398: {  	[tilespmem:s5+$0xC330] =	vst v0;
	v0 =	vadd.f32 v4, v10  }
0x399: {  	[tilespmem:s5+$0xC380] =	vst v1;
	v1 =	vadd.f32 v5, v6  }
0x39a: {  	[tilespmem:s5+$0xC390] =	vst v0  }
0x39b: {  	s8 =	simm.s32 $0x0;
	s6 =	simm.s32 $0xC200;
	[tilespmem:s5+$0xC3A0] =	vst v1  }
0x39c: {  	[hbm4b:s19+s8] =	stream.linear.scatter [tilespmem:s6], [sflag:$0x5], $0x2000, $0x38;
	[tilespmem:$0x16200] =	vst v63  }
0x39d: {  	_ =	swait.ge [sflag:s0], $0x2000  }
0x39e: {  	[sflag:s0] =	ssyncset.done $0x0  }
0x39f: {  	[sflag:s0] =	ssyncadd.s32 $0xFFFFE000  }
0x3a0: {  	_ =	swait.ge [sflag:s31], $0x2000  }
0x3a1: {  	[sflag:s31] =	ssyncset.done $0x0  }
0x3a2: {  	s5 =	simm.s32 $0x0;
	[sflag:s31] =	ssyncadd.s32 $0xFFFFE000  }
0x3a3: {  	v0 =	vld [tilespmem:s5+$0x123B0]  }
0x3a4: {  	v1 =	vld [tilespmem:s5+$0xE3B0]  }
0x3a5: {  	v2 =	vld [tilespmem:s5+$0x12200]  }
0x3a6: {  	v3 =	vld [tilespmem:s5+$0x123F0]  }
0x3a7: {  	v4 =	vld [tilespmem:s5+$0xE200]  }
0x3a8: {  	v5 =	vld [tilespmem:s5+$0x12210]  }
0x3a9: {  	v6 =	vld [tilespmem:s5+$0xE210]  }
0x3aa: {  	v7 =	vld [tilespmem:s5+$0x12220]  }
0x3ab: {  	v8 =	vld [tilespmem:s5+$0xE220]  }
0x3ac: {  	v9 =	vld [tilespmem:s5+$0x12230]  }
0x3ad: {  	v10 =	vld [tilespmem:s5+$0xE230]  }
0x3ae: {  	v11 =	vld [tilespmem:s5+$0x12280]  }
0x3af: {  	v12 =	vld [tilespmem:s5+$0xE280]  }
0x3b0: {  	v13 =	vld [tilespmem:s5+$0x12290]  }
0x3b1: {  	v14 =	vld [tilespmem:s5+$0xE290]  }
0x3b2: {  	v15 =	vld [tilespmem:s5+$0x122A0]  }
0x3b3: {  	v16 =	vld [tilespmem:s5+$0xE2A0]  }
0x3b4: {  	v17 =	vld [tilespmem:s5+$0x122B0]  }
0x3b5: {  	v18 =	vld [tilespmem:s5+$0xE2B0]  }
0x3b6: {  	v19 =	vld [tilespmem:s5+$0x12300]  }
0x3b7: {  	v20 =	vld [tilespmem:s5+$0xE300]  }
0x3b8: {  	v21 =	vld [tilespmem:s5+$0x12310]  }
0x3b9: {  	v22 =	vld [tilespmem:s5+$0x12320]  }
0x3ba: {  	v23 =	vld [tilespmem:s5+$0x12330]  }
0x3bb: {  	v24 =	vld [tilespmem:s5+$0x12380]  }
0x3bc: {  	v25 =	vld [tilespmem:s5+$0xE380]  }
0x3bd: {  	v26 =	vld [tilespmem:s5+$0x12390]  }
0x3be: {  	v27 =	vld [tilespmem:s5+$0xE390]  }
0x3bf: {  	v28 =	vld [tilespmem:s5+$0x123A0]  }
0x3c0: {  	v29 =	vld [tilespmem:s5+$0xE3A0]  }
0x3c1: {  	v30 =	vld [tilespmem:s5+$0x12240]  }
0x3c2: {  	v31 =	vld [tilespmem:s5+$0x12250]  }
0x3c3: {  	v32 =	vld [tilespmem:s5+$0x12260]  }
0x3c4: {  	v0 =	vmul.f32 v1, v0;
	v1 =	vld [tilespmem:s5+$0xE310]  }
0x3c5: {  	v2 =	vmul.f32 v4, v2;
	v4 =	vld [tilespmem:s5+$0x12270]  }
0x3c6: {  	v5 =	vmul.f32 v6, v5;
	v6 =	vld [tilespmem:s5+$0x122C0]  }
0x3c7: {  	v7 =	vmul.f32 v8, v7;
	v8 =	vld [tilespmem:s5+$0x122D0]  }
0x3c8: {  	v9 =	vmul.f32 v10, v9;
	v10 =	vld [tilespmem:s5+$0x122E0];
	v0 =	vadd.f32 v0, v3  }
0x3c9: {  	v11 =	vmul.f32 v12, v11;
	v12 =	vld [tilespmem:s5+$0x122F0];
	v2 =	vadd.f32 v2, v30  }
0x3ca: {  	v3 =	vld [tilespmem:s5+$0xE320];
	v5 =	vadd.f32 v5, v31;
	[tilespmem:s5+$0xE3B0] =	vst v0  }
0x3cb: {  	v0 =	vld [tilespmem:s5+$0xE330];
	[tilespmem:s5+$0xE200] =	vst v2;
	v2 =	vadd.f32 v7, v32  }
0x3cc: {  	v7 =	vmul.f32 v14, v13;
	[tilespmem:s5+$0xE210] =	vst v5;
	v13 =	vld [tilespmem:s5+$0x12340];
	v4 =	vadd.f32 v9, v4  }
0x3cd: {  	v5 =	vmul.f32 v16, v15;
	v9 =	vadd.f32 v11, v6;
	v6 =	vld [tilespmem:s5+$0x12350];
	[tilespmem:s5+$0xE220] =	vst v2  }
0x3ce: {  	v14 =	vmul.f32 v18, v17;
	v11 =	vmul.f32 v20, v19;
	v15 =	vadd.f32 v7, v8;
	v7 =	vld [tilespmem:s5+$0x12360];
	[tilespmem:s5+$0xE230] =	vst v4  }
0x3cf: {  	v1 =	vmul.f32 v1, v21;
	v10 =	vadd.f32 v5, v10;
	v8 =	vld [tilespmem:s5+$0x12370];
	v5 =	vmul.f32 v29, v28;
	[tilespmem:s5+$0xE280] =	vst v9  }
0x3d0: {  	v12 =	vadd.f32 v14, v12;
	v2 =	vmul.f32 v3, v22;
	v3 =	vmul.f32 v25, v24;
	v9 =	vld [tilespmem:s5+$0x123C0];
	[tilespmem:s5+$0xE290] =	vst v15  }
0x3d1: {  	s7 =	simm.s32 $0x800;
	s6 =	simm.s32 $0x0;
	v4 =	vmul.f32 v27, v26;
	[tilespmem:s5+$0xE2A0] =	vst v10;
	v10 =	vld [tilespmem:s5+$0x123D0];
	v0 =	vmul.f32 v0, v23;
	v11 =	vadd.f32 v11, v13  }
.LBB2_16:
0x3d2: {  	s8 =	sshra.s32 s7, $0x2;
	[tilespmem:s5+$0xE2B0] =	vst v12;
	v1 =	vadd.f32 v1, v6;
	v6 =	vld [tilespmem:s5+$0x123E0]  }
0x3d3: {  	s6 =	sadd.s32 $0x4, s6;
	v12 =	vld [tilespmem:s8+$0x123B0];
	[tilespmem:s5+$0xE300] =	vst v11;
	v2 =	vadd.f32 v2, v7  }
0x3d4: {  	p0 =	slt.u32 s6, $0x3C;
	v7 =	vld [tilespmem:s8+$0xE3B0];
	[tilespmem:s5+$0xE310] =	vst v1;
	v0 =	vadd.f32 v0, v8  }
0x3d5: {  	v1 =	vld [tilespmem:s8+$0x12200];
	[tilespmem:s5+$0xE320] =	vst v2;
	v2 =	vadd.f32 v3, v9  }
0x3d6: {  	v3 =	vld [tilespmem:s8+$0x123F0];
	[tilespmem:s5+$0xE330] =	vst v0;
	v0 =	vadd.f32 v4, v10  }
0x3d7: {  	v4 =	vld [tilespmem:s8+$0xE200];
	[tilespmem:s5+$0xE380] =	vst v2;
	v2 =	vadd.f32 v5, v6  }
0x3d8: {  	v5 =	vld [tilespmem:s8+$0x12210];
	[tilespmem:s5+$0xE390] =	vst v0  }
0x3d9: {  	v0 =	vld [tilespmem:s8+$0xE210];
	v6 =	vmul.f32 v7, v12;
	[tilespmem:s5+$0xE3A0] =	vst v2;
	s5 =	smov.u32 s8  }
0x3da: {  	v2 =	vld [tilespmem:s5+$0x12220]  }
0x3db: {  	v7 =	vld [tilespmem:s5+$0xE220];
	v3 =	vadd.f32 v6, v3  }
0x3dc: {  	v6 =	vmul.f32 v4, v1;
	v1 =	vld [tilespmem:s5+$0x12230]  }
0x3dd: {  	v4 =	vld [tilespmem:s5+$0xE230];
	[tilespmem:s5+$0xE3B0] =	vst v3  }
0x3de: {  	v8 =	vmul.f32 v0, v5;
	v0 =	vld [tilespmem:s5+$0x12280]  }
0x3df: {  	v3 =	vld [tilespmem:s5+$0xE280]  }
0x3e0: {  	v7 =	vmul.f32 v7, v2;
	v2 =	vld [tilespmem:s5+$0x12290]  }
0x3e1: {  	v5 =	vld [tilespmem:s5+$0xE290]  }
0x3e2: {  	v9 =	vmul.f32 v4, v1;
	v1 =	vld [tilespmem:s5+$0x122A0]  }
0x3e3: {  	v4 =	vld [tilespmem:s5+$0xE2A0]  }
0x3e4: {  	v10 =	vmul.f32 v3, v0;
	v0 =	vld [tilespmem:s5+$0x122B0]  }
0x3e5: {  	v3 =	vld [tilespmem:s5+$0xE2B0]  }
0x3e6: {  	v11 =	vmul.f32 v5, v2;
	v2 =	vld [tilespmem:s5+$0x12300]  }
0x3e7: {  	v5 =	vld [tilespmem:s5+$0xE300]  }
0x3e8: {  	v12 =	vmul.f32 v4, v1;
	v1 =	vld [tilespmem:s5+$0x12310]  }
0x3e9: {  	v4 =	vld [tilespmem:s5+$0xE310]  }
0x3ea: {  	v13 =	vmul.f32 v3, v0;
	v0 =	vld [tilespmem:s5+$0x12320]  }
0x3eb: {  	v3 =	vld [tilespmem:s5+$0xE320]  }
0x3ec: {  	v14 =	vmul.f32 v5, v2;
	v5 =	vld [tilespmem:s5+$0x12330]  }
0x3ed: {  	v15 =	vld [tilespmem:s5+$0xE330]  }
0x3ee: {  	v1 =	vmul.f32 v4, v1;
	v4 =	vld [tilespmem:s5+$0x12380]  }
0x3ef: {  	v16 =	vld [tilespmem:s5+$0xE380]  }
0x3f0: {  	v2 =	vmul.f32 v3, v0;
	v17 =	vld [tilespmem:s5+$0x12390]  }
0x3f1: {  	v18 =	vld [tilespmem:s5+$0xE390]  }
0x3f2: {  	v0 =	vmul.f32 v15, v5;
	v5 =	vld [tilespmem:s5+$0x123A0]  }
0x3f3: {  	v15 =	vld [tilespmem:s5+$0xE3A0]  }
0x3f4: {  	v19 =	vld [tilespmem:s5+$0x12240];
	v3 =	vmul.f32 v16, v4  }
0x3f5: {  	v16 =	vld [tilespmem:s5+$0x12250]  }
0x3f6: {  	v20 =	vld [tilespmem:s5+$0x12260];
	v4 =	vmul.f32 v18, v17  }
0x3f7: {  	v17 =	vld [tilespmem:s5+$0x12270]  }
0x3f8: {  	v18 =	vld [tilespmem:s5+$0x122C0];
	v5 =	vmul.f32 v15, v5  }
0x3f9: {  	v6 =	vadd.f32 v6, v19;
	v15 =	vld [tilespmem:s5+$0x122D0]  }
0x3fa: {  	v8 =	vadd.f32 v8, v16;
	v16 =	vld [tilespmem:s5+$0x122E0]  }
0x3fb: {  	[tilespmem:s5+$0xE200] =	vst v6;
	v6 =	vadd.f32 v7, v20;
	v19 =	vld [tilespmem:s5+$0x122F0]  }
0x3fc: {  	[tilespmem:s5+$0xE210] =	vst v8;
	v7 =	vadd.f32 v9, v17;
	v17 =	vld [tilespmem:s5+$0x12340]  }
.Ltmp7:
0x3fd: {  	[tilespmem:s5+$0xE220] =	vst v6;
	v8 =	vadd.f32 v10, v18;
	v6 =	vld [tilespmem:s5+$0x12350];
	(pc) =	sbr.rel @p0 .LBB2_16-.Ltmp7, $4  }
0x3fe: {  	[tilespmem:s5+$0xE230] =	vst v7;
	v9 =	vadd.f32 v11, v15;
	v7 =	vld [tilespmem:s5+$0x12360]  }
0x3ff: {  	[tilespmem:s5+$0xE280] =	vst v8;
	v10 =	vadd.f32 v12, v16;
	v8 =	vld [tilespmem:s5+$0x12370]  }
0x400: {  	[tilespmem:s5+$0xE290] =	vst v9;
	v12 =	vadd.f32 v13, v19;
	v9 =	vld [tilespmem:s5+$0x123C0]  }
0x401: {  	s7 =	sadd.s32 $0x800, s7;
	[tilespmem:s5+$0xE2A0] =	vst v10;
	v11 =	vadd.f32 v14, v17;
	v10 =	vld [tilespmem:s5+$0x123D0]  }
0x402: {  	[tilespmem:s5+$0xE2B0] =	vst v12;
	v1 =	vadd.f32 v1, v6;
	v60 =	vld [tilespmem:s5+$0x123E0]  }
0x403: {  	[tilespmem:s5+$0xE300] =	vst v11;
	v2 =	vadd.f32 v2, v7  }
0x404: {  	[tilespmem:s5+$0xE310] =	vst v1;
	v0 =	vadd.f32 v0, v8  }
0x405: {  	[tilespmem:s5+$0xE320] =	vst v2;
	v61 =	vadd.f32 v3, v9  }
0x406: {  	[tilespmem:s5+$0xE330] =	vst v0;
	v62 =	vadd.f32 v4, v10  }
0x407: {  	[tilespmem:s5+$0xE380] =	vst v61;
	v63 =	vadd.f32 v5, v60  }
0x408: {  	[tilespmem:s5+$0xE390] =	vst v62  }
0x409: {  	s7 =	simm.s32 $0xE200;
	[tilespmem:s5+$0xE3A0] =	vst v63  }
0x40a: {  	[hbm4b:s20+s3] =	stream.linear.scatter [tilespmem:s7], [sflag:$0x5], $0x2000, $0x38;
	[tilespmem:$0x16200] =	vst v63  }
0x40b: {  	_ =	swait.ge [sflag:s26], $0x2000  }
0x40c: {  	[sflag:s26] =	ssyncset.done $0x0  }
0x40d: {  	[sflag:s26] =	ssyncadd.s32 $0xFFFFE000  }
0x40e: {  	_ =	swait.ge [sflag:s26], $0x2000  }
0x40f: {  	[sflag:s26] =	ssyncset.done $0x0  }
0x410: {  	[sflag:s26] =	ssyncadd.s32 $0xFFFFE000  }
0x411: {  	_ =	swait.ge [sflag:s26], $0x2000  }
0x412: {  	[sflag:s26] =	ssyncset.done $0x0  }
0x413: {  	[sflag:s26] =	ssyncadd.s32 $0xFFFFE000  }
0x414: {  	_ =	swait.ge [sflag:s26], $0x2000  }
0x415: {  	[sflag:s26] =	ssyncset.done $0x0  }
0x416: {  	[sflag:s26] =	ssyncadd.s32 $0xFFFFE000  }
0x417: {  	_ =	swait.ge [sflag:s26], $0x2000  }
0x418: {  	[sflag:s26] =	ssyncset.done $0x0  }
0x419: {  	[sflag:s26] =	ssyncadd.s32 $0xFFFFE000  }
0x41a: {  	_ =	swait.ge [sflag:s26], $0x2000  }
0x41b: {  	[sflag:s26] =	ssyncset.done $0x0  }
0x41c: {  	s4 =	sadd.s32 $0x1, s4;
	[sflag:s26] =	ssyncadd.s32 $0xFFFFE000  }
0x41d: {  	p0 =	sne.s32 s4, s21;
	_ =	swait.ge [sflag:s26], $0x2000  }
.Ltmp8:
0x41e: {  	[sflag:s26] =	ssyncset.done $0x0;
	(pc) =	sbr.rel @p0 .LBB2_1-.Ltmp8, $4  }
0x41f: {  	[sflag:s26] =	ssyncadd.s32 $0xFFFFE000  }
0x420: {  	_ =	swait.ge [sflag:s26], $0x2000  }
0x421: {  	[sflag:s26] =	ssyncset.done $0x0  }
0x422: {  	[sflag:s26] =	ssyncadd.s32 $0xFFFFE000  }
0x423: {  	_ =	sfence.sel $0x180000  }
0x424: {  	[bflag:$0x0] =	sbarrier.arrive $0xFFFF  }
0x425: {  	_ =	strace $0x90000047  }
0x426: {  	s0 =	stileid.u32;
	[bflag:$0x2] =	sbarrier.arrive $0xFFFF  }
0x427: {  	p0 =	sne.s32 s0, $0x0;
	s0 =	rddreg [dreg:$0x3]  }
0x428: {  	s0 =	sadd.s32 @!p0 $0x100000, s0  }
0x429: {  	[sflag:s0] =	ssyncadd.tile.s32 @!p0 $0x1;
	_ =	shalt  }
.Lfunc_end2:
_tile_overlayer_lowered:
.L_overlay_start_2:
0x42a: {  	(tag) =	ssettag $0x2  }
0x42b: {  	s0 =	rddreg [dreg:$0x0];
	s2 =	stileid.u32  }
0x42c: {  	s1 =	rddreg [dreg:$0x1];
	p0 =	sne.s32 s2, $0x0  }
0x42d: {  	s3 =	rddreg [dreg:$0x2];
	[bflag:$0x3] =	sbarrier.arrive $0xFFFF;
	s2 =	simm.s32 @!p0 $0x1C06  }
0x42e: {  	[timem:s3], [sflag:s2] =	dma.local @!p0 [hbm:s0], s1  }
0x42f: {  	s0 =	simm.s32 @!p0 $0x6  }
0x430: {  	_ =	swait.ge @!p0 [sflag:s0], s1  }
0x431: {  	s1 =	ssub.s32 @!p0 $0x0, s1;
	[sflag:s0] =	ssyncset.done @!p0 $0x0  }
0x432: {  	[sflag:s0] =	ssyncadd.s32 @!p0 s1  }
0x433: {  	[bflag:$0x3] =	sbarrier.arrive $0xFFFF  }
0x434: {  	_ =	shalt  }

</sc_bundles>
